<compile_context>
chip_gen: v7x
topology: tpu7x:2x2x1
jax: 0.10.2.dev20260603
libtpu: 0.0.44.dev20260713+nightly
codegen_flags: <defaults>
</compile_context>

<pallas_src>
import functools

import jax
import jax.numpy as jnp
from jax import lax
from jax.experimental import pallas as pl
from jax.experimental.pallas import tpu as pltpu
from jax.experimental.pallas import tpu_sc as plsc

N = 10000
NP = 10240
E = 320000
D = 128
W = 144
NC = 2
NS = 16
EPW = E // (NC * NS)
C = 80
NCHUNK = EPW // C
RPT = NP // NS


def _prep_body(drugEmb, tailEmb, relEmb, W1, b1, W3, W4, W5,
               drug2, tail2, rel2):
    w1s = jnp.sum(W1[...], axis=1)
    rel2[...] = relEmb[...] * w1s[None, :]
    w5 = W5[...]
    w35 = W3[...] @ w5[:D]
    w45 = W4[...] @ w5[D:]
    p = drugEmb[...] @ w35
    q = tailEmb[...] @ w45
    b1s = jnp.sum(b1[...])
    col = lax.broadcasted_iota(jnp.int32, (N, W - D), 1)
    dext = jnp.where(col == 0, p, 0.0) + jnp.where(col == 1, b1s, 0.0)
    text = jnp.where(col == 0, q, 0.0)
    drug2[:, :D] = drugEmb[...]
    drug2[:, D:] = dext
    tail2[:, :D] = tailEmb[...]
    tail2[:, D:] = text


def _prep(drugEmb, tailEmb, relEmb, W1, b1, W3, W4, W5):
    return pl.pallas_call(
        _prep_body,
        out_shape=(
            jax.ShapeDtypeStruct((N, W), jnp.float32),
            jax.ShapeDtypeStruct((N, W), jnp.float32),
            jax.ShapeDtypeStruct((N, D), jnp.float32),
        ),
    )(drugEmb, tailEmb, relEmb, W1, b1, W3, W4, W5)


SB = 5
NSB = NCHUNK // SB
NSLOT = 3


def _edge_body(drug2, tail2, rel2, idx4, out,
               acc, dbuf, tbuf, rbuf, ibuf, wbuf,
               dsem, tsem, rsem, ssem, isem):
    c = lax.axis_index("c")
    s = lax.axis_index("s")
    w = c * NS + s

    lanes = lax.iota(jnp.int32, 16)
    z16 = jnp.zeros((16,), jnp.float32)
    c128 = jnp.full((16,), D, jnp.int32)
    c129 = jnp.full((16,), D + 1, jnp.int32)

    def _zrow(i, carry):
        def _zcol(k, carry2):
            plsc.store_scatter(tbuf, [i * 16 + lanes, jnp.broadcast_to(k, (16,))], z16)
            return carry2
        return lax.fori_loop(0, W, _zcol, carry)
    lax.fori_loop(0, C // 16, _zrow, 0)

    base = s * RPT
    for j in range(RPT // C):
        pltpu.sync_copy(tbuf.at[pl.ds(0, C)], acc.at[pl.ds(base + j * C, C)])
    plsc.subcore_barrier()

    def _issue_gathers(ci):
        slot = (ci // SB) % NSLOT
        j = ci % SB
        pltpu.async_copy(drug2.at[ibuf.at[slot, j, 0]], dbuf, dsem)
        pltpu.async_copy(rel2.at[ibuf.at[slot, j, 2]], rbuf, rsem)

    def _issue_tail(ci):
        slot = (ci // SB) % NSLOT
        j = ci % SB
        pltpu.async_copy(tail2.at[ibuf.at[slot, j, 1]], tbuf, tsem)

    pltpu.sync_copy(idx4.at[w, 0], ibuf.at[0])
    pltpu.async_copy(idx4.at[w, 1], ibuf.at[1], isem)
    _issue_gathers(0)
    _issue_tail(0)

    def _chunk(ci, carry):
        slot = (ci // SB) % NSLOT
        j = ci % SB
        pltpu.make_async_copy(drug2.at[ibuf.at[slot, j, 0]], dbuf, dsem).wait()
        pltpu.make_async_copy(rel2.at[ibuf.at[slot, j, 2]], rbuf, rsem).wait()
        zf = jnp.zeros((16,), jnp.float32)
        for g in range(C // 16):
            rows = g * 16 + lanes

            def _dot(d, carry):
                a0, a1, a2, a3, d0 = carry
                d1 = d0 + 32
                d2 = d0 + 64
                d3 = d0 + 96
                a0 = a0 + plsc.load_gather(dbuf, [rows, d0]) * plsc.load_gather(rbuf, [rows, d0])
                a1 = a1 + plsc.load_gather(dbuf, [rows, d1]) * plsc.load_gather(rbuf, [rows, d1])
                a2 = a2 + plsc.load_gather(dbuf, [rows, d2]) * plsc.load_gather(rbuf, [rows, d2])
                a3 = a3 + plsc.load_gather(dbuf, [rows, d3]) * plsc.load_gather(rbuf, [rows, d3])
                return (a0, a1, a2, a3, d0 + 1)
            a0, a1, a2, a3, _ = plsc.parallel_loop(
                0, D // 4, unroll=4,
                carry=(zf, zf, zf, zf, jnp.zeros((16,), jnp.int32)))(_dot)
            wbuf[pl.ds(g * 16, 16)] = (a0 + a1) + (a2 + a3)

        pltpu.make_async_copy(tail2.at[ibuf.at[slot, j, 1]], tbuf, tsem).wait()
        for g in range(C // 16):
            rows = g * 16 + lanes
            ph = plsc.load_gather(dbuf, [rows, c128])
            qt = plsc.load_gather(tbuf, [rows, c128])
            x = ph + qt
            att = jnp.maximum(x, 0.01 * x)
            eatt = jnp.exp(att)
            b1v = plsc.load_gather(dbuf, [rows, c129])
            wv = eatt * (wbuf[pl.ds(g * 16, 16)] + b1v)
            wbuf[pl.ds(g * 16, 16)] = wv
            plsc.store_scatter(tbuf, [rows, c128], eatt)

        def _scale(e):
            wve = plsc.load_gather(wbuf, [jnp.broadcast_to(e, (16,))])
            for k in range(D // 16):
                sl = pl.ds(k * 16, 16)
                tbuf[e, sl] = tbuf[e, sl] * wve
        plsc.parallel_loop(0, C, unroll=2)(_scale)

        pltpu.async_copy(tbuf, acc.at[ibuf.at[slot, j, 0]], ssem, add=True)

        nci = ci + 1
        @pl.when(nci < NCHUNK)
        def _():
            nsb = nci // SB

            @pl.when(nci % SB == 0)
            def _():
                pltpu.make_async_copy(idx4.at[w, nsb], ibuf.at[nsb % NSLOT],
                                      isem).wait()

                @pl.when(nsb + 1 < NSB)
                def _():
                    pltpu.async_copy(idx4.at[w, nsb + 1],
                                     ibuf.at[(nsb + 1) % NSLOT], isem)
            _issue_gathers(nci)

        pltpu.make_async_copy(tbuf, acc.at[ibuf.at[slot, j, 0]], ssem).wait()

        @pl.when(nci < NCHUNK)
        def _():
            _issue_tail(nci)
        return carry
    lax.fori_loop(0, NCHUNK, _chunk, 0)

    plsc.subcore_barrier()
    pltpu.sync_copy(acc.at[pl.ds(base, RPT)], out.at[c, pl.ds(base, RPT)])


_edge_kernel = functools.partial(
    pl.kernel,
    out_type=jax.ShapeDtypeStruct((NC, NP, W), jnp.float32),
    mesh=plsc.VectorSubcoreMesh(core_axis_name="c", subcore_axis_name="s",
                                num_cores=NC, num_subcores=NS),
    compiler_params=pltpu.CompilerParams(use_tc_tiling_on_sc=False,
                                         needs_layout_passes=False),
    scratch_types=[
        pltpu.VMEM_SHARED((NP, W), jnp.float32),
        pltpu.VMEM((C, W), jnp.float32),
        pltpu.VMEM((C, W), jnp.float32),
        pltpu.VMEM((C, D), jnp.float32),
        pltpu.VMEM((NSLOT, SB, 3, C), jnp.int32),
        pltpu.VMEM((C,), jnp.float32),
        pltpu.SemaphoreType.DMA,
        pltpu.SemaphoreType.DMA,
        pltpu.SemaphoreType.DMA,
        pltpu.SemaphoreType.DMA,
        pltpu.SemaphoreType.DMA,
    ],
)(_edge_body)


def _finish_body(part, drugEmb, W2, b2, gamma, beta, out):
    acc = part[0, :N] + part[1, :N]
    denom = acc[:, D:D + 1]
    neigh = acc[:, :D] / jnp.where(denom == 0.0, 1.0, denom)
    lin = drugEmb[...] @ W2[:D] + neigh @ W2[D:] + b2[...][None, :]
    mu = jnp.mean(lin, axis=0, keepdims=True)
    var = jnp.mean((lin - mu) ** 2, axis=0, keepdims=True)
    out[...] = (gamma[...][None, :] * (lin - mu) / jnp.sqrt(var + 1e-5)
                + beta[...][None, :])


def _finish(part, drugEmb, W2, b2, gamma, beta):
    return pl.pallas_call(
        _finish_body,
        out_shape=jax.ShapeDtypeStruct((N, D), jnp.float32),
    )(part, drugEmb, W2, b2, gamma, beta)


def kernel(arguments, DKG, drugEmb, relEmb, tailEmb, W1, b1, W2, b2,
           gamma, beta, W3, W4, W5):
    nw = NC * NS
    idx4 = jnp.stack(
        [DKG[:, 0].reshape(nw, NSB, SB, C),
         DKG[:, 1].reshape(nw, NSB, SB, C),
         DKG[:, 2].reshape(nw, NSB, SB, C)], axis=3)
    drug2, tail2, rel2 = _prep(drugEmb, tailEmb, relEmb, W1, b1, W3, W4, W5)
    part = _edge_kernel(drug2, tail2, rel2, idx4)
    out = _finish(part, drugEmb, W2, b2, gamma, beta)
    return (out, arguments)

# --- scband reference (transcript-rebuilt; emitter-appended) ---
"""Pipeline reference for scband-gatlayer-7155415515187 (READ-ONLY COPY).

The authoritative reference and input builder live on the scoring server;
editing this copy changes nothing except your own understanding.
"""

import jax, jax.numpy as jnp
import numpy as np

N = 10000      # drugNumber == tailNumber == relationNumber (randint covers [0,N) w.h.p.)
E = 320000     # number of KG triples
D = 128        # dimension


def _xavier_uniform(k, shape):
    fan_in, fan_out = shape[0], shape[1]
    limit = float(np.sqrt(6.0 / (fan_in + fan_out)))
    return jax.random.uniform(k, shape, minval=-limit, maxval=limit, dtype=jnp.float32)


def _xavier_normal_relu_gain(k, shape):
    fan_in, fan_out = shape[0], shape[1]
    gain = float(np.sqrt(2.0))
    std = gain * float(np.sqrt(2.0 / (fan_in + fan_out)))
    return std * jax.random.normal(k, shape, dtype=jnp.float32)


def setup_inputs(seed: int = 0) -> dict:
    key = jax.random.key(seed)
    ks = jax.random.split(key, 12)
    DKG = jax.random.randint(ks[0], (E, 3), 0, N, dtype=jnp.int32)
    X = jax.random.normal(ks[1], (N, D), dtype=jnp.float32)
    drugEmb = _xavier_uniform(ks[2], (N, D))
    relEmb = _xavier_uniform(ks[3], (N, D))
    tailEmb = _xavier_uniform(ks[4], (N, D))
    # fullConnectionLayer: Linear(D, D) with bias (stored as [in, out])
    W1 = _xavier_uniform(ks[5], (D, D)); b1 = jnp.zeros((D,), jnp.float32)
    # fullConnectionLayer2: Linear(2D, D) + BatchNorm1d(D)
    W2 = _xavier_uniform(ks[6], (2 * D, D)); b2 = jnp.zeros((D,), jnp.float32)
    gamma = jnp.ones((D,), jnp.float32); beta = jnp.zeros((D,), jnp.float32)
    # fullConnectionLayer3/4: Linear(D, D, bias=False), xavier_normal with relu gain
    W3 = _xavier_normal_relu_gain(ks[7], (D, D))
    W4 = _xavier_normal_relu_gain(ks[8], (D, D))
    # fullConnectionLayer5: Linear(2D, 1, bias=False)
    W5 = _xavier_normal_relu_gain(ks[9], (2 * D, 1))
    return {
        'arguments': X, 'DKG': DKG,
        'drugEmb': drugEmb, 'relEmb': relEmb, 'tailEmb': tailEmb,
        'W1': W1, 'b1': b1, 'W2': W2, 'b2': b2, 'gamma': gamma, 'beta': beta,
        'W3': W3, 'W4': W4, 'W5': W5,
    }


def reference(arguments, DKG, drugEmb, relEmb, tailEmb, W1, b1, W2, b2, gamma, beta, W3, W4, W5):
    heads = DKG[:, 0]
    tails = DKG[:, 1]
    rels = DKG[:, 2]
    # attention logits per edge
    u1 = jnp.take(drugEmb, heads, axis=0) @ W3               # [E, D]
    u2 = jnp.take(tailEmb, tails, axis=0) @ W4               # [E, D]
    att = jax.nn.leaky_relu(jnp.concatenate([u1, u2], axis=1) @ W5, negative_slope=0.01)  # [E, 1]
    # semantic score per edge
    had = jnp.take(drugEmb, heads, axis=0) * jnp.take(relEmb, rels, axis=0)
    score = jnp.sum(had @ W1 + b1, axis=1, keepdims=True)    # [E, 1]
    temp = score * jnp.take(tailEmb, tails, axis=0)          # [E, D]
    # segment softmax over each head-node's edge set (sampleSize >= max degree, so
    # the torch subsampling branch never triggers and all neighbors are used)
    a = att[:, 0]
    m = jax.ops.segment_max(a, heads, num_segments=N)
    m = jnp.where(jnp.isneginf(m), 0.0, m)
    e = jnp.exp(a - jnp.take(m, heads))
    denom = jax.ops.segment_sum(e, heads, num_segments=N)
    denom_e = jnp.take(denom, heads)
    alpha = e / jnp.where(denom_e == 0, 1.0, denom_e)
    neigh = jax.ops.segment_sum(temp * alpha[:, None], heads, num_segments=N)  # [N, D]
    # fullConnectionLayer2: Linear(2D, D) + BatchNorm1d (training-mode batch stats)
    cat = jnp.concatenate([drugEmb, neigh], axis=1)
    lin = cat @ W2 + b2
    mu = jnp.mean(lin, axis=0)
    var = jnp.var(lin, axis=0)
    out = gamma * (lin - mu) / jnp.sqrt(var + 1e-5) + beta
    return (out, arguments)

if __name__ == "__main__":
    import jax
    _d = setup_inputs()
    print(jax.jit(kernel)(*tuple(_d.values())))

</pallas_src>

<mosaic_0001>
#map = affine_map<(d0, d1) -> (0, 0)>
#map1 = affine_map<(d0, d1) -> (0, 0, 0, 0, 0)>
#map2 = affine_map<(d0, d1) -> (0, 0, 0)>
module attributes {stable_mosaic.version = 14 : i64} {
  func.func @_edge_body(%arg0: i32, %arg1: i32, %arg2: memref<10000x144xf32, #tpu.memory_space<hbm>>, %arg3: memref<10000x144xf32, #tpu.memory_space<hbm>>, %arg4: memref<10000x128xf32, #tpu.memory_space<hbm>>, %arg5: memref<32x25x5x3x80xi32, #tpu.memory_space<hbm>>, %arg6: memref<2x10240x144xf32, #tpu.memory_space<hbm>>, %arg7: memref<10240x144xf32, #tpu.memory_space<vmem_shared>>, %arg8: memref<80x144xf32, #tpu.memory_space<vmem>>, %arg9: memref<80x144xf32, #tpu.memory_space<vmem>>, %arg10: memref<80x128xf32, #tpu.memory_space<vmem>>, %arg11: memref<3x5x3x80xi32, #tpu.memory_space<vmem>>, %arg12: memref<80xf32, #tpu.memory_space<vmem>>, %arg13: memref<!tpu.dma_semaphore, #tpu.memory_space<semaphore_mem>>, %arg14: memref<!tpu.dma_semaphore, #tpu.memory_space<semaphore_mem>>, %arg15: memref<!tpu.dma_semaphore, #tpu.memory_space<semaphore_mem>>, %arg16: memref<!tpu.dma_semaphore, #tpu.memory_space<semaphore_mem>>, %arg17: memref<!tpu.dma_semaphore, #tpu.memory_space<semaphore_mem>>) attributes {dimension_semantics = [#tpu.dimension_semantics<core_parallel>, #tpu.dimension_semantics<subcore_parallel>], iteration_bounds = array<i64: 2, 16>, scalar_prefetch = 0 : i64, scratch_operands = 11 : i64, tpu.core_type = #tpu.core_type<sc_vector_subcore>, window_params = [{transform_indices = #map}, {transform_indices = #map}, {transform_indices = #map}, {transform_indices = #map1}, {transform_indices = #map2}]} {
    %mul3A = arith.constant 16 : i32
    %mul3A_0 = arith.muli %arg0, %mul3A : i32
    %add3A = arith.addi %mul3A_0, %arg1 : i32
    %iota3A = tpu.iota {dimensions = array<i32: 0>} : vector<16xi32>
    %broadcast_in_dim3A = arith.constant 0.000000e+00 : f32
    %broadcast_in_dim3A_1 = vector.broadcast %broadcast_in_dim3A : f32 to vector<16xf32>
    %broadcast_in_dim3A_2 = arith.constant 128 : i32
    %broadcast_in_dim3A_3 = vector.broadcast %broadcast_in_dim3A_2 : i32 to vector<16xi32>
    %broadcast_in_dim3A_4 = arith.constant 129 : i32
    %broadcast_in_dim3A_5 = vector.broadcast %broadcast_in_dim3A_4 : i32 to vector<16xi32>
    %scan3A = arith.constant 0 : i32
    %scan3A_6 = arith.constant 0 : i32
    %scan3A_7 = arith.constant 5 : i32
    %scan3A_8 = arith.addi %scan3A_6, %scan3A_7 : i32
    %scan3A_9 = arith.constant 1 : i32
    scf.for %scan3A_85 = %scan3A_6 to %scan3A_8 step %scan3A_9  : i32 {
      %scan3A_86 = arith.constant 0 : i32
      %scan3A_87 = arith.constant 144 : i32
      %scan3A_88 = arith.addi %scan3A_86, %scan3A_87 : i32
      %scan3A_89 = arith.constant 1 : i32
      scf.for %scan3A_91 = %scan3A_86 to %scan3A_88 step %scan3A_89  : i32 {
        %mul3A_92 = arith.constant 16 : i32
        %mul3A_93 = arith.muli %scan3A_85, %mul3A_92 : i32
        %add3A_94 = vector.broadcast %mul3A_93 : i32 to vector<16xi32>
        %add3A_95 = arith.addi %add3A_94, %iota3A : vector<16xi32>
        %broadcast_in_dim3A_96 = vector.broadcast %scan3A_91 : i32 to vector<16xi32>
        tpu.vector_store_idx %arg9[%add3A_95, %broadcast_in_dim3A_96], %broadcast_in_dim3A_1 : memref<80x144xf32, #tpu.memory_space<vmem>>[vector<16xi32>, vector<16xi32>], vector<16xf32>,
      }
      %scan3A_90 = arith.constant 144 : i32
    }
    %scan3A_10 = arith.constant 5 : i32
    %mul3A_11 = arith.constant 640 : i32
    %mul3A_12 = arith.muli %arg1, %mul3A_11 : i32
    %add3A_13 = arith.constant 0 : i32
    %add3A_14 = arith.addi %mul3A_12, %add3A_13 : i32
    "tpu.region"() ({
      %run_scoped3A_85 = tpu.sem_alloc : memref<!tpu.dma_semaphore, #tpu.memory_space<semaphore_mem>>
      %dma_start3A_86 = arith.constant 0 : i32
      %dma_start3A_87 = arith.constant 0 : i32
      %dma_start3A_88 = tpu.memref_slice %arg9[%dma_start3A_86, %dma_start3A_87] : memref<80x144xf32, #tpu.memory_space<vmem>> -> memref<80x144xf32, #tpu.memory_space<vmem>>
      %dma_start3A_89 = arith.constant 0 : i32
      %dma_start3A_90 = tpu.memref_slice %arg7[%add3A_14, %dma_start3A_89] : memref<10240x144xf32, #tpu.memory_space<vmem_shared>> -> memref<80x144xf32, #tpu.memory_space<vmem_shared>>
      %dma_start3A_91 = arith.constant 0 : i32
      %dma_start3A_92 = tpu.memref_slice %arg7[%add3A_14, %dma_start3A_91] : memref<10240x144xf32, #tpu.memory_space<vmem_shared>> -> memref<80x144xf32, #tpu.memory_space<vmem_shared>>
      %dma_start3A_93 = arith.constant 0 : i32
      %dma_start3A_94 = arith.constant 0 : i32
      %dma_start3A_95 = tpu.memref_slice %arg9[%dma_start3A_93, %dma_start3A_94] : memref<80x144xf32, #tpu.memory_space<vmem>> -> memref<80x144xf32, #tpu.memory_space<vmem>>
      tpu.enqueue_dma source(%dma_start3A_95 : memref<80x144xf32, #tpu.memory_space<vmem>>) target(%dma_start3A_92 : memref<80x144xf32, #tpu.memory_space<vmem_shared>>) target_semaphore(%run_scoped3A_85 : memref<!tpu.dma_semaphore, #tpu.memory_space<semaphore_mem>>)
      %dma_wait3A = arith.constant 0 : i32
      %dma_wait3A_96 = arith.constant 0 : i32
      %dma_wait3A_97 = tpu.memref_slice %arg9[%dma_wait3A, %dma_wait3A_96] : memref<80x144xf32, #tpu.memory_space<vmem>> -> memref<80x144xf32, #tpu.memory_space<vmem>>
      %dma_wait3A_98 = arith.constant 0 : i32
      %dma_wait3A_99 = tpu.memref_slice %arg7[%add3A_14, %dma_wait3A_98] : memref<10240x144xf32, #tpu.memory_space<vmem_shared>> -> memref<80x144xf32, #tpu.memory_space<vmem_shared>>
      %dma_wait3A_100 = arith.constant 0 : i32
      %dma_wait3A_101 = tpu.memref_slice %arg7[%add3A_14, %dma_wait3A_100] : memref<10240x144xf32, #tpu.memory_space<vmem_shared>> -> memref<80x144xf32, #tpu.memory_space<vmem_shared>>
      %dma_wait3A_102 = arith.constant 0 : i32
      %dma_wait3A_103 = arith.constant 0 : i32
      %dma_wait3A_104 = tpu.memref_slice %arg9[%dma_wait3A_102, %dma_wait3A_103] : memref<80x144xf32, #tpu.memory_space<vmem>> -> memref<80x144xf32, #tpu.memory_space<vmem>>
      tpu.wait_dma2 semaphore(%run_scoped3A_85 : memref<!tpu.dma_semaphore, #tpu.memory_space<semaphore_mem>>) src(%dma_wait3A_104 : memref<80x144xf32, #tpu.memory_space<vmem>>) dst(%dma_wait3A_101 : memref<80x144xf32, #tpu.memory_space<vmem_shared>>)
      tpu.yield
    }) : () -> ()
    %add3A_15 = arith.constant 80 : i32
    %add3A_16 = arith.addi %mul3A_12, %add3A_15 : i32
    "tpu.region"() ({
      %run_scoped3A_85 = tpu.sem_alloc : memref<!tpu.dma_semaphore, #tpu.memory_space<semaphore_mem>>
      %dma_start3A_86 = arith.constant 0 : i32
      %dma_start3A_87 = arith.constant 0 : i32
      %dma_start3A_88 = tpu.memref_slice %arg9[%dma_start3A_86, %dma_start3A_87] : memref<80x144xf32, #tpu.memory_space<vmem>> -> memref<80x144xf32, #tpu.memory_space<vmem>>
      %dma_start3A_89 = arith.constant 0 : i32
      %dma_start3A_90 = tpu.memref_slice %arg7[%add3A_16, %dma_start3A_89] : memref<10240x144xf32, #tpu.memory_space<vmem_shared>> -> memref<80x144xf32, #tpu.memory_space<vmem_shared>>
      %dma_start3A_91 = arith.constant 0 : i32
      %dma_start3A_92 = tpu.memref_slice %arg7[%add3A_16, %dma_start3A_91] : memref<10240x144xf32, #tpu.memory_space<vmem_shared>> -> memref<80x144xf32, #tpu.memory_space<vmem_shared>>
      %dma_start3A_93 = arith.constant 0 : i32
      %dma_start3A_94 = arith.constant 0 : i32
      %dma_start3A_95 = tpu.memref_slice %arg9[%dma_start3A_93, %dma_start3A_94] : memref<80x144xf32, #tpu.memory_space<vmem>> -> memref<80x144xf32, #tpu.memory_space<vmem>>
      tpu.enqueue_dma source(%dma_start3A_95 : memref<80x144xf32, #tpu.memory_space<vmem>>) target(%dma_start3A_92 : memref<80x144xf32, #tpu.memory_space<vmem_shared>>) target_semaphore(%run_scoped3A_85 : memref<!tpu.dma_semaphore, #tpu.memory_space<semaphore_mem>>)
      %dma_wait3A = arith.constant 0 : i32
      %dma_wait3A_96 = arith.constant 0 : i32
      %dma_wait3A_97 = tpu.memref_slice %arg9[%dma_wait3A, %dma_wait3A_96] : memref<80x144xf32, #tpu.memory_space<vmem>> -> memref<80x144xf32, #tpu.memory_space<vmem>>
      %dma_wait3A_98 = arith.constant 0 : i32
      %dma_wait3A_99 = tpu.memref_slice %arg7[%add3A_16, %dma_wait3A_98] : memref<10240x144xf32, #tpu.memory_space<vmem_shared>> -> memref<80x144xf32, #tpu.memory_space<vmem_shared>>
      %dma_wait3A_100 = arith.constant 0 : i32
      %dma_wait3A_101 = tpu.memref_slice %arg7[%add3A_16, %dma_wait3A_100] : memref<10240x144xf32, #tpu.memory_space<vmem_shared>> -> memref<80x144xf32, #tpu.memory_space<vmem_shared>>
      %dma_wait3A_102 = arith.constant 0 : i32
      %dma_wait3A_103 = arith.constant 0 : i32
      %dma_wait3A_104 = tpu.memref_slice %arg9[%dma_wait3A_102, %dma_wait3A_103] : memref<80x144xf32, #tpu.memory_space<vmem>> -> memref<80x144xf32, #tpu.memory_space<vmem>>
      tpu.wait_dma2 semaphore(%run_scoped3A_85 : memref<!tpu.dma_semaphore, #tpu.memory_space<semaphore_mem>>) src(%dma_wait3A_104 : memref<80x144xf32, #tpu.memory_space<vmem>>) dst(%dma_wait3A_101 : memref<80x144xf32, #tpu.memory_space<vmem_shared>>)
      tpu.yield
    }) : () -> ()
    %add3A_17 = arith.constant 160 : i32
    %add3A_18 = arith.addi %mul3A_12, %add3A_17 : i32
    "tpu.region"() ({
      %run_scoped3A_85 = tpu.sem_alloc : memref<!tpu.dma_semaphore, #tpu.memory_space<semaphore_mem>>
      %dma_start3A_86 = arith.constant 0 : i32
      %dma_start3A_87 = arith.constant 0 : i32
      %dma_start3A_88 = tpu.memref_slice %arg9[%dma_start3A_86, %dma_start3A_87] : memref<80x144xf32, #tpu.memory_space<vmem>> -> memref<80x144xf32, #tpu.memory_space<vmem>>
      %dma_start3A_89 = arith.constant 0 : i32
      %dma_start3A_90 = tpu.memref_slice %arg7[%add3A_18, %dma_start3A_89] : memref<10240x144xf32, #tpu.memory_space<vmem_shared>> -> memref<80x144xf32, #tpu.memory_space<vmem_shared>>
      %dma_start3A_91 = arith.constant 0 : i32
      %dma_start3A_92 = tpu.memref_slice %arg7[%add3A_18, %dma_start3A_91] : memref<10240x144xf32, #tpu.memory_space<vmem_shared>> -> memref<80x144xf32, #tpu.memory_space<vmem_shared>>
      %dma_start3A_93 = arith.constant 0 : i32
      %dma_start3A_94 = arith.constant 0 : i32
      %dma_start3A_95 = tpu.memref_slice %arg9[%dma_start3A_93, %dma_start3A_94] : memref<80x144xf32, #tpu.memory_space<vmem>> -> memref<80x144xf32, #tpu.memory_space<vmem>>
      tpu.enqueue_dma source(%dma_start3A_95 : memref<80x144xf32, #tpu.memory_space<vmem>>) target(%dma_start3A_92 : memref<80x144xf32, #tpu.memory_space<vmem_shared>>) target_semaphore(%run_scoped3A_85 : memref<!tpu.dma_semaphore, #tpu.memory_space<semaphore_mem>>)
      %dma_wait3A = arith.constant 0 : i32
      %dma_wait3A_96 = arith.constant 0 : i32
      %dma_wait3A_97 = tpu.memref_slice %arg9[%dma_wait3A, %dma_wait3A_96] : memref<80x144xf32, #tpu.memory_space<vmem>> -> memref<80x144xf32, #tpu.memory_space<vmem>>
      %dma_wait3A_98 = arith.constant 0 : i32
      %dma_wait3A_99 = tpu.memref_slice %arg7[%add3A_18, %dma_wait3A_98] : memref<10240x144xf32, #tpu.memory_space<vmem_shared>> -> memref<80x144xf32, #tpu.memory_space<vmem_shared>>
      %dma_wait3A_100 = arith.constant 0 : i32
      %dma_wait3A_101 = tpu.memref_slice %arg7[%add3A_18, %dma_wait3A_100] : memref<10240x144xf32, #tpu.memory_space<vmem_shared>> -> memref<80x144xf32, #tpu.memory_space<vmem_shared>>
      %dma_wait3A_102 = arith.constant 0 : i32
      %dma_wait3A_103 = arith.constant 0 : i32
      %dma_wait3A_104 = tpu.memref_slice %arg9[%dma_wait3A_102, %dma_wait3A_103] : memref<80x144xf32, #tpu.memory_space<vmem>> -> memref<80x144xf32, #tpu.memory_space<vmem>>
      tpu.wait_dma2 semaphore(%run_scoped3A_85 : memref<!tpu.dma_semaphore, #tpu.memory_space<semaphore_mem>>) src(%dma_wait3A_104 : memref<80x144xf32, #tpu.memory_space<vmem>>) dst(%dma_wait3A_101 : memref<80x144xf32, #tpu.memory_space<vmem_shared>>)
      tpu.yield
    }) : () -> ()
    %add3A_19 = arith.constant 240 : i32
    %add3A_20 = arith.addi %mul3A_12, %add3A_19 : i32
    "tpu.region"() ({
      %run_scoped3A_85 = tpu.sem_alloc : memref<!tpu.dma_semaphore, #tpu.memory_space<semaphore_mem>>
      %dma_start3A_86 = arith.constant 0 : i32
      %dma_start3A_87 = arith.constant 0 : i32
      %dma_start3A_88 = tpu.memref_slice %arg9[%dma_start3A_86, %dma_start3A_87] : memref<80x144xf32, #tpu.memory_space<vmem>> -> memref<80x144xf32, #tpu.memory_space<vmem>>
      %dma_start3A_89 = arith.constant 0 : i32
      %dma_start3A_90 = tpu.memref_slice %arg7[%add3A_20, %dma_start3A_89] : memref<10240x144xf32, #tpu.memory_space<vmem_shared>> -> memref<80x144xf32, #tpu.memory_space<vmem_shared>>
      %dma_start3A_91 = arith.constant 0 : i32
      %dma_start3A_92 = tpu.memref_slice %arg7[%add3A_20, %dma_start3A_91] : memref<10240x144xf32, #tpu.memory_space<vmem_shared>> -> memref<80x144xf32, #tpu.memory_space<vmem_shared>>
      %dma_start3A_93 = arith.constant 0 : i32
      %dma_start3A_94 = arith.constant 0 : i32
      %dma_start3A_95 = tpu.memref_slice %arg9[%dma_start3A_93, %dma_start3A_94] : memref<80x144xf32, #tpu.memory_space<vmem>> -> memref<80x144xf32, #tpu.memory_space<vmem>>
      tpu.enqueue_dma source(%dma_start3A_95 : memref<80x144xf32, #tpu.memory_space<vmem>>) target(%dma_start3A_92 : memref<80x144xf32, #tpu.memory_space<vmem_shared>>) target_semaphore(%run_scoped3A_85 : memref<!tpu.dma_semaphore, #tpu.memory_space<semaphore_mem>>)
      %dma_wait3A = arith.constant 0 : i32
      %dma_wait3A_96 = arith.constant 0 : i32
      %dma_wait3A_97 = tpu.memref_slice %arg9[%dma_wait3A, %dma_wait3A_96] : memref<80x144xf32, #tpu.memory_space<vmem>> -> memref<80x144xf32, #tpu.memory_space<vmem>>
      %dma_wait3A_98 = arith.constant 0 : i32
      %dma_wait3A_99 = tpu.memref_slice %arg7[%add3A_20, %dma_wait3A_98] : memref<10240x144xf32, #tpu.memory_space<vmem_shared>> -> memref<80x144xf32, #tpu.memory_space<vmem_shared>>
      %dma_wait3A_100 = arith.constant 0 : i32
      %dma_wait3A_101 = tpu.memref_slice %arg7[%add3A_20, %dma_wait3A_100] : memref<10240x144xf32, #tpu.memory_space<vmem_shared>> -> memref<80x144xf32, #tpu.memory_space<vmem_shared>>
      %dma_wait3A_102 = arith.constant 0 : i32
      %dma_wait3A_103 = arith.constant 0 : i32
      %dma_wait3A_104 = tpu.memref_slice %arg9[%dma_wait3A_102, %dma_wait3A_103] : memref<80x144xf32, #tpu.memory_space<vmem>> -> memref<80x144xf32, #tpu.memory_space<vmem>>
      tpu.wait_dma2 semaphore(%run_scoped3A_85 : memref<!tpu.dma_semaphore, #tpu.memory_space<semaphore_mem>>) src(%dma_wait3A_104 : memref<80x144xf32, #tpu.memory_space<vmem>>) dst(%dma_wait3A_101 : memref<80x144xf32, #tpu.memory_space<vmem_shared>>)
      tpu.yield
    }) : () -> ()
    %add3A_21 = arith.constant 320 : i32
    %add3A_22 = arith.addi %mul3A_12, %add3A_21 : i32
    "tpu.region"() ({
      %run_scoped3A_85 = tpu.sem_alloc : memref<!tpu.dma_semaphore, #tpu.memory_space<semaphore_mem>>
      %dma_start3A_86 = arith.constant 0 : i32
      %dma_start3A_87 = arith.constant 0 : i32
      %dma_start3A_88 = tpu.memref_slice %arg9[%dma_start3A_86, %dma_start3A_87] : memref<80x144xf32, #tpu.memory_space<vmem>> -> memref<80x144xf32, #tpu.memory_space<vmem>>
      %dma_start3A_89 = arith.constant 0 : i32
      %dma_start3A_90 = tpu.memref_slice %arg7[%add3A_22, %dma_start3A_89] : memref<10240x144xf32, #tpu.memory_space<vmem_shared>> -> memref<80x144xf32, #tpu.memory_space<vmem_shared>>
      %dma_start3A_91 = arith.constant 0 : i32
      %dma_start3A_92 = tpu.memref_slice %arg7[%add3A_22, %dma_start3A_91] : memref<10240x144xf32, #tpu.memory_space<vmem_shared>> -> memref<80x144xf32, #tpu.memory_space<vmem_shared>>
      %dma_start3A_93 = arith.constant 0 : i32
      %dma_start3A_94 = arith.constant 0 : i32
      %dma_start3A_95 = tpu.memref_slice %arg9[%dma_start3A_93, %dma_start3A_94] : memref<80x144xf32, #tpu.memory_space<vmem>> -> memref<80x144xf32, #tpu.memory_space<vmem>>
      tpu.enqueue_dma source(%dma_start3A_95 : memref<80x144xf32, #tpu.memory_space<vmem>>) target(%dma_start3A_92 : memref<80x144xf32, #tpu.memory_space<vmem_shared>>) target_semaphore(%run_scoped3A_85 : memref<!tpu.dma_semaphore, #tpu.memory_space<semaphore_mem>>)
      %dma_wait3A = arith.constant 0 : i32
      %dma_wait3A_96 = arith.constant 0 : i32
      %dma_wait3A_97 = tpu.memref_slice %arg9[%dma_wait3A, %dma_wait3A_96] : memref<80x144xf32, #tpu.memory_space<vmem>> -> memref<80x144xf32, #tpu.memory_space<vmem>>
      %dma_wait3A_98 = arith.constant 0 : i32
      %dma_wait3A_99 = tpu.memref_slice %arg7[%add3A_22, %dma_wait3A_98] : memref<10240x144xf32, #tpu.memory_space<vmem_shared>> -> memref<80x144xf32, #tpu.memory_space<vmem_shared>>
      %dma_wait3A_100 = arith.constant 0 : i32
      %dma_wait3A_101 = tpu.memref_slice %arg7[%add3A_22, %dma_wait3A_100] : memref<10240x144xf32, #tpu.memory_space<vmem_shared>> -> memref<80x144xf32, #tpu.memory_space<vmem_shared>>
      %dma_wait3A_102 = arith.constant 0 : i32
      %dma_wait3A_103 = arith.constant 0 : i32
      %dma_wait3A_104 = tpu.memref_slice %arg9[%dma_wait3A_102, %dma_wait3A_103] : memref<80x144xf32, #tpu.memory_space<vmem>> -> memref<80x144xf32, #tpu.memory_space<vmem>>
      tpu.wait_dma2 semaphore(%run_scoped3A_85 : memref<!tpu.dma_semaphore, #tpu.memory_space<semaphore_mem>>) src(%dma_wait3A_104 : memref<80x144xf32, #tpu.memory_space<vmem>>) dst(%dma_wait3A_101 : memref<80x144xf32, #tpu.memory_space<vmem_shared>>)
      tpu.yield
    }) : () -> ()
    %add3A_23 = arith.constant 400 : i32
    %add3A_24 = arith.addi %mul3A_12, %add3A_23 : i32
    "tpu.region"() ({
      %run_scoped3A_85 = tpu.sem_alloc : memref<!tpu.dma_semaphore, #tpu.memory_space<semaphore_mem>>
      %dma_start3A_86 = arith.constant 0 : i32
      %dma_start3A_87 = arith.constant 0 : i32
      %dma_start3A_88 = tpu.memref_slice %arg9[%dma_start3A_86, %dma_start3A_87] : memref<80x144xf32, #tpu.memory_space<vmem>> -> memref<80x144xf32, #tpu.memory_space<vmem>>
      %dma_start3A_89 = arith.constant 0 : i32
      %dma_start3A_90 = tpu.memref_slice %arg7[%add3A_24, %dma_start3A_89] : memref<10240x144xf32, #tpu.memory_space<vmem_shared>> -> memref<80x144xf32, #tpu.memory_space<vmem_shared>>
      %dma_start3A_91 = arith.constant 0 : i32
      %dma_start3A_92 = tpu.memref_slice %arg7[%add3A_24, %dma_start3A_91] : memref<10240x144xf32, #tpu.memory_space<vmem_shared>> -> memref<80x144xf32, #tpu.memory_space<vmem_shared>>
      %dma_start3A_93 = arith.constant 0 : i32
      %dma_start3A_94 = arith.constant 0 : i32
      %dma_start3A_95 = tpu.memref_slice %arg9[%dma_start3A_93, %dma_start3A_94] : memref<80x144xf32, #tpu.memory_space<vmem>> -> memref<80x144xf32, #tpu.memory_space<vmem>>
      tpu.enqueue_dma source(%dma_start3A_95 : memref<80x144xf32, #tpu.memory_space<vmem>>) target(%dma_start3A_92 : memref<80x144xf32, #tpu.memory_space<vmem_shared>>) target_semaphore(%run_scoped3A_85 : memref<!tpu.dma_semaphore, #tpu.memory_space<semaphore_mem>>)
      %dma_wait3A = arith.constant 0 : i32
      %dma_wait3A_96 = arith.constant 0 : i32
      %dma_wait3A_97 = tpu.memref_slice %arg9[%dma_wait3A, %dma_wait3A_96] : memref<80x144xf32, #tpu.memory_space<vmem>> -> memref<80x144xf32, #tpu.memory_space<vmem>>
      %dma_wait3A_98 = arith.constant 0 : i32
      %dma_wait3A_99 = tpu.memref_slice %arg7[%add3A_24, %dma_wait3A_98] : memref<10240x144xf32, #tpu.memory_space<vmem_shared>> -> memref<80x144xf32, #tpu.memory_space<vmem_shared>>
      %dma_wait3A_100 = arith.constant 0 : i32
      %dma_wait3A_101 = tpu.memref_slice %arg7[%add3A_24, %dma_wait3A_100] : memref<10240x144xf32, #tpu.memory_space<vmem_shared>> -> memref<80x144xf32, #tpu.memory_space<vmem_shared>>
      %dma_wait3A_102 = arith.constant 0 : i32
      %dma_wait3A_103 = arith.constant 0 : i32
      %dma_wait3A_104 = tpu.memref_slice %arg9[%dma_wait3A_102, %dma_wait3A_103] : memref<80x144xf32, #tpu.memory_space<vmem>> -> memref<80x144xf32, #tpu.memory_space<vmem>>
      tpu.wait_dma2 semaphore(%run_scoped3A_85 : memref<!tpu.dma_semaphore, #tpu.memory_space<semaphore_mem>>) src(%dma_wait3A_104 : memref<80x144xf32, #tpu.memory_space<vmem>>) dst(%dma_wait3A_101 : memref<80x144xf32, #tpu.memory_space<vmem_shared>>)
      tpu.yield
    }) : () -> ()
    %add3A_25 = arith.constant 480 : i32
    %add3A_26 = arith.addi %mul3A_12, %add3A_25 : i32
    "tpu.region"() ({
      %run_scoped3A_85 = tpu.sem_alloc : memref<!tpu.dma_semaphore, #tpu.memory_space<semaphore_mem>>
      %dma_start3A_86 = arith.constant 0 : i32
      %dma_start3A_87 = arith.constant 0 : i32
      %dma_start3A_88 = tpu.memref_slice %arg9[%dma_start3A_86, %dma_start3A_87] : memref<80x144xf32, #tpu.memory_space<vmem>> -> memref<80x144xf32, #tpu.memory_space<vmem>>
      %dma_start3A_89 = arith.constant 0 : i32
      %dma_start3A_90 = tpu.memref_slice %arg7[%add3A_26, %dma_start3A_89] : memref<10240x144xf32, #tpu.memory_space<vmem_shared>> -> memref<80x144xf32, #tpu.memory_space<vmem_shared>>
      %dma_start3A_91 = arith.constant 0 : i32
      %dma_start3A_92 = tpu.memref_slice %arg7[%add3A_26, %dma_start3A_91] : memref<10240x144xf32, #tpu.memory_space<vmem_shared>> -> memref<80x144xf32, #tpu.memory_space<vmem_shared>>
      %dma_start3A_93 = arith.constant 0 : i32
      %dma_start3A_94 = arith.constant 0 : i32
      %dma_start3A_95 = tpu.memref_slice %arg9[%dma_start3A_93, %dma_start3A_94] : memref<80x144xf32, #tpu.memory_space<vmem>> -> memref<80x144xf32, #tpu.memory_space<vmem>>
      tpu.enqueue_dma source(%dma_start3A_95 : memref<80x144xf32, #tpu.memory_space<vmem>>) target(%dma_start3A_92 : memref<80x144xf32, #tpu.memory_space<vmem_shared>>) target_semaphore(%run_scoped3A_85 : memref<!tpu.dma_semaphore, #tpu.memory_space<semaphore_mem>>)
      %dma_wait3A = arith.constant 0 : i32
      %dma_wait3A_96 = arith.constant 0 : i32
      %dma_wait3A_97 = tpu.memref_slice %arg9[%dma_wait3A, %dma_wait3A_96] : memref<80x144xf32, #tpu.memory_space<vmem>> -> memref<80x144xf32, #tpu.memory_space<vmem>>
      %dma_wait3A_98 = arith.constant 0 : i32
      %dma_wait3A_99 = tpu.memref_slice %arg7[%add3A_26, %dma_wait3A_98] : memref<10240x144xf32, #tpu.memory_space<vmem_shared>> -> memref<80x144xf32, #tpu.memory_space<vmem_shared>>
      %dma_wait3A_100 = arith.constant 0 : i32
      %dma_wait3A_101 = tpu.memref_slice %arg7[%add3A_26, %dma_wait3A_100] : memref<10240x144xf32, #tpu.memory_space<vmem_shared>> -> memref<80x144xf32, #tpu.memory_space<vmem_shared>>
      %dma_wait3A_102 = arith.constant 0 : i32
      %dma_wait3A_103 = arith.constant 0 : i32
      %dma_wait3A_104 = tpu.memref_slice %arg9[%dma_wait3A_102, %dma_wait3A_103] : memref<80x144xf32, #tpu.memory_space<vmem>> -> memref<80x144xf32, #tpu.memory_space<vmem>>
      tpu.wait_dma2 semaphore(%run_scoped3A_85 : memref<!tpu.dma_semaphore, #tpu.memory_space<semaphore_mem>>) src(%dma_wait3A_104 : memref<80x144xf32, #tpu.memory_space<vmem>>) dst(%dma_wait3A_101 : memref<80x144xf32, #tpu.memory_space<vmem_shared>>)
      tpu.yield
    }) : () -> ()
    %add3A_27 = arith.constant 560 : i32
    %add3A_28 = arith.addi %mul3A_12, %add3A_27 : i32
    "tpu.region"() ({
      %run_scoped3A_85 = tpu.sem_alloc : memref<!tpu.dma_semaphore, #tpu.memory_space<semaphore_mem>>
      %dma_start3A_86 = arith.constant 0 : i32
      %dma_start3A_87 = arith.constant 0 : i32
      %dma_start3A_88 = tpu.memref_slice %arg9[%dma_start3A_86, %dma_start3A_87] : memref<80x144xf32, #tpu.memory_space<vmem>> -> memref<80x144xf32, #tpu.memory_space<vmem>>
      %dma_start3A_89 = arith.constant 0 : i32
      %dma_start3A_90 = tpu.memref_slice %arg7[%add3A_28, %dma_start3A_89] : memref<10240x144xf32, #tpu.memory_space<vmem_shared>> -> memref<80x144xf32, #tpu.memory_space<vmem_shared>>
      %dma_start3A_91 = arith.constant 0 : i32
      %dma_start3A_92 = tpu.memref_slice %arg7[%add3A_28, %dma_start3A_91] : memref<10240x144xf32, #tpu.memory_space<vmem_shared>> -> memref<80x144xf32, #tpu.memory_space<vmem_shared>>
      %dma_start3A_93 = arith.constant 0 : i32
      %dma_start3A_94 = arith.constant 0 : i32
      %dma_start3A_95 = tpu.memref_slice %arg9[%dma_start3A_93, %dma_start3A_94] : memref<80x144xf32, #tpu.memory_space<vmem>> -> memref<80x144xf32, #tpu.memory_space<vmem>>
      tpu.enqueue_dma source(%dma_start3A_95 : memref<80x144xf32, #tpu.memory_space<vmem>>) target(%dma_start3A_92 : memref<80x144xf32, #tpu.memory_space<vmem_shared>>) target_semaphore(%run_scoped3A_85 : memref<!tpu.dma_semaphore, #tpu.memory_space<semaphore_mem>>)
      %dma_wait3A = arith.constant 0 : i32
      %dma_wait3A_96 = arith.constant 0 : i32
      %dma_wait3A_97 = tpu.memref_slice %arg9[%dma_wait3A, %dma_wait3A_96] : memref<80x144xf32, #tpu.memory_space<vmem>> -> memref<80x144xf32, #tpu.memory_space<vmem>>
      %dma_wait3A_98 = arith.constant 0 : i32
      %dma_wait3A_99 = tpu.memref_slice %arg7[%add3A_28, %dma_wait3A_98] : memref<10240x144xf32, #tpu.memory_space<vmem_shared>> -> memref<80x144xf32, #tpu.memory_space<vmem_shared>>
      %dma_wait3A_100 = arith.constant 0 : i32
      %dma_wait3A_101 = tpu.memref_slice %arg7[%add3A_28, %dma_wait3A_100] : memref<10240x144xf32, #tpu.memory_space<vmem_shared>> -> memref<80x144xf32, #tpu.memory_space<vmem_shared>>
      %dma_wait3A_102 = arith.constant 0 : i32
      %dma_wait3A_103 = arith.constant 0 : i32
      %dma_wait3A_104 = tpu.memref_slice %arg9[%dma_wait3A_102, %dma_wait3A_103] : memref<80x144xf32, #tpu.memory_space<vmem>> -> memref<80x144xf32, #tpu.memory_space<vmem>>
      tpu.wait_dma2 semaphore(%run_scoped3A_85 : memref<!tpu.dma_semaphore, #tpu.memory_space<semaphore_mem>>) src(%dma_wait3A_104 : memref<80x144xf32, #tpu.memory_space<vmem>>) dst(%dma_wait3A_101 : memref<80x144xf32, #tpu.memory_space<vmem_shared>>)
      tpu.yield
    }) : () -> ()
    %barrier3A = arith.constant 0 : index
    tpu.barrier barrier_id(%barrier3A)
    %run_scoped3A = arith.constant 0 : i32
    %run_scoped3A_29 = arith.constant 0 : i32
    "tpu.region"() ({
      %run_scoped3A_85 = tpu.sem_alloc : memref<!tpu.dma_semaphore, #tpu.memory_space<semaphore_mem>>
      %dma_start3A_86 = arith.constant 0 : i32
      %dma_start3A_87 = arith.constant 0 : i32
      %dma_start3A_88 = arith.constant 0 : i32
      %dma_start3A_89 = tpu.memref_slice %arg11[%run_scoped3A_29, %dma_start3A_86, %dma_start3A_87, %dma_start3A_88] : memref<3x5x3x80xi32, #tpu.memory_space<vmem>> -> memref<1x5x3x80xi32, #tpu.memory_space<vmem>>
      %dma_start3A_90 = tpu.memref_squeeze %dma_start3A_89 : memref<1x5x3x80xi32, #tpu.memory_space<vmem>> -> memref<5x3x80xi32, #tpu.memory_space<vmem>>
      %dma_start3A_91 = arith.constant 0 : i32
      %dma_start3A_92 = arith.constant 0 : i32
      %dma_start3A_93 = arith.constant 0 : i32
      %dma_start3A_94 = tpu.memref_slice %arg5[%add3A, %run_scoped3A, %dma_start3A_91, %dma_start3A_92, %dma_start3A_93] : memref<32x25x5x3x80xi32, #tpu.memory_space<hbm>> -> memref<1x1x5x3x80xi32, #tpu.memory_space<hbm>>
      %dma_start3A_95 = tpu.memref_squeeze %dma_start3A_94 : memref<1x1x5x3x80xi32, #tpu.memory_space<hbm>> -> memref<5x3x80xi32, #tpu.memory_space<hbm>>
      %dma_start3A_96 = arith.constant 0 : i32
      %dma_start3A_97 = arith.constant 0 : i32
      %dma_start3A_98 = arith.constant 0 : i32
      %dma_start3A_99 = tpu.memref_slice %arg11[%run_scoped3A_29, %dma_start3A_96, %dma_start3A_97, %dma_start3A_98] : memref<3x5x3x80xi32, #tpu.memory_space<vmem>> -> memref<1x5x3x80xi32, #tpu.memory_space<vmem>>
      %dma_start3A_100 = tpu.memref_squeeze %dma_start3A_99 : memref<1x5x3x80xi32, #tpu.memory_space<vmem>> -> memref<5x3x80xi32, #tpu.memory_space<vmem>>
      %dma_start3A_101 = arith.constant 0 : i32
      %dma_start3A_102 = arith.constant 0 : i32
      %dma_start3A_103 = arith.constant 0 : i32
      %dma_start3A_104 = tpu.memref_slice %arg5[%add3A, %run_scoped3A, %dma_start3A_101, %dma_start3A_102, %dma_start3A_103] : memref<32x25x5x3x80xi32, #tpu.memory_space<hbm>> -> memref<1x1x5x3x80xi32, #tpu.memory_space<hbm>>
      %dma_start3A_105 = tpu.memref_squeeze %dma_start3A_104 : memref<1x1x5x3x80xi32, #tpu.memory_space<hbm>> -> memref<5x3x80xi32, #tpu.memory_space<hbm>>
      tpu.enqueue_dma source(%dma_start3A_105 : memref<5x3x80xi32, #tpu.memory_space<hbm>>) target(%dma_start3A_100 : memref<5x3x80xi32, #tpu.memory_space<vmem>>) target_semaphore(%run_scoped3A_85 : memref<!tpu.dma_semaphore, #tpu.memory_space<semaphore_mem>>)
      %dma_wait3A = arith.constant 0 : i32
      %dma_wait3A_106 = arith.constant 0 : i32
      %dma_wait3A_107 = arith.constant 0 : i32
      %dma_wait3A_108 = tpu.memref_slice %arg11[%run_scoped3A_29, %dma_wait3A, %dma_wait3A_106, %dma_wait3A_107] : memref<3x5x3x80xi32, #tpu.memory_space<vmem>> -> memref<1x5x3x80xi32, #tpu.memory_space<vmem>>
      %dma_wait3A_109 = tpu.memref_squeeze %dma_wait3A_108 : memref<1x5x3x80xi32, #tpu.memory_space<vmem>> -> memref<5x3x80xi32, #tpu.memory_space<vmem>>
      %dma_wait3A_110 = arith.constant 0 : i32
      %dma_wait3A_111 = arith.constant 0 : i32
      %dma_wait3A_112 = arith.constant 0 : i32
      %dma_wait3A_113 = tpu.memref_slice %arg5[%add3A, %run_scoped3A, %dma_wait3A_110, %dma_wait3A_111, %dma_wait3A_112] : memref<32x25x5x3x80xi32, #tpu.memory_space<hbm>> -> memref<1x1x5x3x80xi32, #tpu.memory_space<hbm>>
      %dma_wait3A_114 = tpu.memref_squeeze %dma_wait3A_113 : memref<1x1x5x3x80xi32, #tpu.memory_space<hbm>> -> memref<5x3x80xi32, #tpu.memory_space<hbm>>
      %dma_wait3A_115 = arith.constant 0 : i32
      %dma_wait3A_116 = arith.constant 0 : i32
      %dma_wait3A_117 = arith.constant 0 : i32
      %dma_wait3A_118 = tpu.memref_slice %arg11[%run_scoped3A_29, %dma_wait3A_115, %dma_wait3A_116, %dma_wait3A_117] : memref<3x5x3x80xi32, #tpu.memory_space<vmem>> -> memref<1x5x3x80xi32, #tpu.memory_space<vmem>>
      %dma_wait3A_119 = tpu.memref_squeeze %dma_wait3A_118 : memref<1x5x3x80xi32, #tpu.memory_space<vmem>> -> memref<5x3x80xi32, #tpu.memory_space<vmem>>
      %dma_wait3A_120 = arith.constant 0 : i32
      %dma_wait3A_121 = arith.constant 0 : i32
      %dma_wait3A_122 = arith.constant 0 : i32
      %dma_wait3A_123 = tpu.memref_slice %arg5[%add3A, %run_scoped3A, %dma_wait3A_120, %dma_wait3A_121, %dma_wait3A_122] : memref<32x25x5x3x80xi32, #tpu.memory_space<hbm>> -> memref<1x1x5x3x80xi32, #tpu.memory_space<hbm>>
      %dma_wait3A_124 = tpu.memref_squeeze %dma_wait3A_123 : memref<1x1x5x3x80xi32, #tpu.memory_space<hbm>> -> memref<5x3x80xi32, #tpu.memory_space<hbm>>
      tpu.wait_dma2 semaphore(%run_scoped3A_85 : memref<!tpu.dma_semaphore, #tpu.memory_space<semaphore_mem>>) src(%dma_wait3A_124 : memref<5x3x80xi32, #tpu.memory_space<hbm>>) dst(%dma_wait3A_119 : memref<5x3x80xi32, #tpu.memory_space<vmem>>)
      tpu.yield
    }) : () -> ()
    %dma_start3A = arith.constant 1 : i32
    %dma_start3A_30 = arith.constant 1 : i32
    %dma_start3A_31 = arith.constant 0 : i32
    %dma_start3A_32 = arith.constant 0 : i32
    %dma_start3A_33 = arith.constant 0 : i32
    %dma_start3A_34 = tpu.memref_slice %arg11[%dma_start3A_30, %dma_start3A_31, %dma_start3A_32, %dma_start3A_33] : memref<3x5x3x80xi32, #tpu.memory_space<vmem>> -> memref<1x5x3x80xi32, #tpu.memory_space<vmem>>
    %dma_start3A_35 = tpu.memref_squeeze %dma_start3A_34 : memref<1x5x3x80xi32, #tpu.memory_space<vmem>> -> memref<5x3x80xi32, #tpu.memory_space<vmem>>
    %dma_start3A_36 = arith.constant 0 : i32
    %dma_start3A_37 = arith.constant 0 : i32
    %dma_start3A_38 = arith.constant 0 : i32
    %dma_start3A_39 = tpu.memref_slice %arg5[%add3A, %dma_start3A, %dma_start3A_36, %dma_start3A_37, %dma_start3A_38] : memref<32x25x5x3x80xi32, #tpu.memory_space<hbm>> -> memref<1x1x5x3x80xi32, #tpu.memory_space<hbm>>
    %dma_start3A_40 = tpu.memref_squeeze %dma_start3A_39 : memref<1x1x5x3x80xi32, #tpu.memory_space<hbm>> -> memref<5x3x80xi32, #tpu.memory_space<hbm>>
    %dma_start3A_41 = arith.constant 0 : i32
    %dma_start3A_42 = arith.constant 0 : i32
    %dma_start3A_43 = arith.constant 0 : i32
    %dma_start3A_44 = tpu.memref_slice %arg11[%dma_start3A_30, %dma_start3A_41, %dma_start3A_42, %dma_start3A_43] : memref<3x5x3x80xi32, #tpu.memory_space<vmem>> -> memref<1x5x3x80xi32, #tpu.memory_space<vmem>>
    %dma_start3A_45 = tpu.memref_squeeze %dma_start3A_44 : memref<1x5x3x80xi32, #tpu.memory_space<vmem>> -> memref<5x3x80xi32, #tpu.memory_space<vmem>>
    %dma_start3A_46 = arith.constant 0 : i32
    %dma_start3A_47 = arith.constant 0 : i32
    %dma_start3A_48 = arith.constant 0 : i32
    %dma_start3A_49 = tpu.memref_slice %arg5[%add3A, %dma_start3A, %dma_start3A_46, %dma_start3A_47, %dma_start3A_48] : memref<32x25x5x3x80xi32, #tpu.memory_space<hbm>> -> memref<1x1x5x3x80xi32, #tpu.memory_space<hbm>>
    %dma_start3A_50 = tpu.memref_squeeze %dma_start3A_49 : memref<1x1x5x3x80xi32, #tpu.memory_space<hbm>> -> memref<5x3x80xi32, #tpu.memory_space<hbm>>
    tpu.enqueue_dma source(%dma_start3A_50 : memref<5x3x80xi32, #tpu.memory_space<hbm>>) target(%dma_start3A_45 : memref<5x3x80xi32, #tpu.memory_space<vmem>>) target_semaphore(%arg17 : memref<!tpu.dma_semaphore, #tpu.memory_space<semaphore_mem>>)
    %dma_start3A_51 = arith.constant 0 : i32
    %dma_start3A_52 = arith.constant 0 : i32
    %dma_start3A_53 = arith.constant 0 : i32
    %dma_start3A_54 = arith.constant 0 : i32
    %dma_start3A_55 = tpu.memref_slice %arg11[%dma_start3A_51, %dma_start3A_52, %dma_start3A_53, %dma_start3A_54] : memref<3x5x3x80xi32, #tpu.memory_space<vmem>> -> memref<1x1x1x80xi32, #tpu.memory_space<vmem>>
    %dma_start3A_56 = tpu.memref_squeeze %dma_start3A_55 : memref<1x1x1x80xi32, #tpu.memory_space<vmem>> -> memref<80xi32, #tpu.memory_space<vmem>>
    %dma_start3A_57 = arith.constant 0 : i32
    %dma_start3A_58 = arith.constant 0 : i32
    %dma_start3A_59 = tpu.memref_slice %arg2[%dma_start3A_57, %dma_start3A_58] : memref<10000x144xf32, #tpu.memory_space<hbm>> -> memref<10000x144xf32, #tpu.memory_space<hbm>>
    tpu.enqueue_indirect_dma source(%dma_start3A_59 : memref<10000x144xf32, #tpu.memory_space<hbm>>) target(%arg8 : memref<80x144xf32, #tpu.memory_space<vmem>>) offsets(%dma_start3A_56 : memref<80xi32, #tpu.memory_space<vmem>>) semaphore(%arg13 : memref<!tpu.dma_semaphore, #tpu.memory_space<semaphore_mem>>)
    %dma_start3A_60 = arith.constant 0 : i32
    %dma_start3A_61 = arith.constant 0 : i32
    %dma_start3A_62 = arith.constant 2 : i32
    %dma_start3A_63 = arith.constant 0 : i32
    %dma_start3A_64 = tpu.memref_slice %arg11[%dma_start3A_60, %dma_start3A_61, %dma_start3A_62, %dma_start3A_63] : memref<3x5x3x80xi32, #tpu.memory_space<vmem>> -> memref<1x1x1x80xi32, #tpu.memory_space<vmem>>
    %dma_start3A_65 = tpu.memref_squeeze %dma_start3A_64 : memref<1x1x1x80xi32, #tpu.memory_space<vmem>> -> memref<80xi32, #tpu.memory_space<vmem>>
    %dma_start3A_66 = arith.constant 0 : i32
    %dma_start3A_67 = arith.constant 0 : i32
    %dma_start3A_68 = tpu.memref_slice %arg4[%dma_start3A_66, %dma_start3A_67] : memref<10000x128xf32, #tpu.memory_space<hbm>> -> memref<10000x128xf32, #tpu.memory_space<hbm>>
    tpu.enqueue_indirect_dma source(%dma_start3A_68 : memref<10000x128xf32, #tpu.memory_space<hbm>>) target(%arg10 : memref<80x128xf32, #tpu.memory_space<vmem>>) offsets(%dma_start3A_65 : memref<80xi32, #tpu.memory_space<vmem>>) semaphore(%arg15 : memref<!tpu.dma_semaphore, #tpu.memory_space<semaphore_mem>>)
    %dma_start3A_69 = arith.constant 0 : i32
    %dma_start3A_70 = arith.constant 0 : i32
    %dma_start3A_71 = arith.constant 1 : i32
    %dma_start3A_72 = arith.constant 0 : i32
    %dma_start3A_73 = tpu.memref_slice %arg11[%dma_start3A_69, %dma_start3A_70, %dma_start3A_71, %dma_start3A_72] : memref<3x5x3x80xi32, #tpu.memory_space<vmem>> -> memref<1x1x1x80xi32, #tpu.memory_space<vmem>>
    %dma_start3A_74 = tpu.memref_squeeze %dma_start3A_73 : memref<1x1x1x80xi32, #tpu.memory_space<vmem>> -> memref<80xi32, #tpu.memory_space<vmem>>
    %dma_start3A_75 = arith.constant 0 : i32
    %dma_start3A_76 = arith.constant 0 : i32
    %dma_start3A_77 = tpu.memref_slice %arg3[%dma_start3A_75, %dma_start3A_76] : memref<10000x144xf32, #tpu.memory_space<hbm>> -> memref<10000x144xf32, #tpu.memory_space<hbm>>
    tpu.enqueue_indirect_dma source(%dma_start3A_77 : memref<10000x144xf32, #tpu.memory_space<hbm>>) target(%arg9 : memref<80x144xf32, #tpu.memory_space<vmem>>) offsets(%dma_start3A_74 : memref<80xi32, #tpu.memory_space<vmem>>) semaphore(%arg14 : memref<!tpu.dma_semaphore, #tpu.memory_space<semaphore_mem>>)
    %scan3A_78 = arith.constant 0 : i32
    %scan3A_79 = arith.constant 0 : i32
    %scan3A_80 = arith.constant 125 : i32
    %scan3A_81 = arith.addi %scan3A_79, %scan3A_80 : i32
    %scan3A_82 = arith.constant 1 : i32
    scf.for %scan3A_85 = %scan3A_79 to %scan3A_81 step %scan3A_82  : i32 {
      %jit3A = arith.constant 5 : i32
      %div3A = arith.divsi %scan3A_85, %jit3A : i32
      %sign3A = arith.constant 0 : i32
      %sign3A_86 = arith.cmpi sgt, %scan3A_85, %sign3A : i32
      %sign3A_87 = arith.extui %sign3A_86 : i1 to i32
      %sign3A_88 = arith.constant 0 : i32
      %sign3A_89 = arith.cmpi slt, %scan3A_85, %sign3A_88 : i32
      %sign3A_90 = arith.extui %sign3A_89 : i1 to i32
      %sign3A_91 = arith.subi %sign3A_87, %sign3A_90 : i32
      %sign3A_92 = arith.constant 0 : i32
      %sign3A_93 = arith.cmpi sgt, %jit3A, %sign3A_92 : i32
      %sign3A_94 = arith.extui %sign3A_93 : i1 to i32
      %sign3A_95 = arith.constant 0 : i32
      %sign3A_96 = arith.cmpi slt, %jit3A, %sign3A_95 : i32
      %sign3A_97 = arith.extui %sign3A_96 : i1 to i32
      %sign3A_98 = arith.subi %sign3A_94, %sign3A_97 : i32
      %ne3A = arith.cmpi ne, %sign3A_91, %sign3A_98 : i32
      %rem3A = arith.remsi %scan3A_85, %jit3A : i32
      %ne3A_99 = arith.constant 0 : i32
      %ne3A_100 = arith.cmpi ne, %rem3A, %ne3A_99 : i32
      %and3A = arith.andi %ne3A, %ne3A_100 : i1
      %sub3A = arith.constant 1 : i32
      %sub3A_101 = arith.subi %div3A, %sub3A : i32
      %select_n3A = arith.select %and3A, %sub3A_101, %div3A : i32
      %jit3A_102 = arith.constant 3 : i32
      %eq3A = arith.constant 0 : i32
      %eq3A_103 = arith.cmpi eq, %jit3A_102, %eq3A : i32
      %jit3A_104 = arith.constant 1 : i32
      %select_n3A_105 = arith.select %eq3A_103, %jit3A_104, %jit3A_102 : i32
      %rem3A_106 = arith.remsi %select_n3A, %select_n3A_105 : i32
      %ne3A_107 = arith.constant 0 : i32
      %ne3A_108 = arith.cmpi ne, %rem3A_106, %ne3A_107 : i32
      %lt3A = arith.constant 0 : i32
      %lt3A_109 = arith.cmpi slt, %rem3A_106, %lt3A : i32
      %lt3A_110 = arith.constant 0 : i32
      %lt3A_111 = arith.cmpi slt, %select_n3A_105, %lt3A_110 : i32
      %ne3A_112 = arith.xori %lt3A_109, %lt3A_111 : i1
      %and3A_113 = arith.andi %ne3A_112, %ne3A_108 : i1
      %add3A_114 = arith.addi %rem3A_106, %select_n3A_105 : i32
      %select_n3A_115 = arith.select %and3A_113, %add3A_114, %rem3A_106 : i32
      %jit3A_116 = arith.constant 5 : i32
      %eq3A_117 = arith.constant 0 : i32
      %eq3A_118 = arith.cmpi eq, %jit3A_116, %eq3A_117 : i32
      %jit3A_119 = arith.constant 1 : i32
      %select_n3A_120 = arith.select %eq3A_118, %jit3A_119, %jit3A_116 : i32
      %rem3A_121 = arith.remsi %scan3A_85, %select_n3A_120 : i32
      %ne3A_122 = arith.constant 0 : i32
      %ne3A_123 = arith.cmpi ne, %rem3A_121, %ne3A_122 : i32
      %lt3A_124 = arith.constant 0 : i32
      %lt3A_125 = arith.cmpi slt, %rem3A_121, %lt3A_124 : i32
      %lt3A_126 = arith.constant 0 : i32
      %lt3A_127 = arith.cmpi slt, %select_n3A_120, %lt3A_126 : i32
      %ne3A_128 = arith.xori %lt3A_125, %lt3A_127 : i1
      %and3A_129 = arith.andi %ne3A_128, %ne3A_123 : i1
      %add3A_130 = arith.addi %rem3A_121, %select_n3A_120 : i32
      %select_n3A_131 = arith.select %and3A_129, %add3A_130, %rem3A_121 : i32
      %dma_wait3A = arith.constant 0 : i32
      %dma_wait3A_132 = arith.constant 0 : i32
      %dma_wait3A_133 = tpu.memref_slice %arg11[%select_n3A_115, %select_n3A_131, %dma_wait3A, %dma_wait3A_132] : memref<3x5x3x80xi32, #tpu.memory_space<vmem>> -> memref<1x1x1x80xi32, #tpu.memory_space<vmem>>
      %dma_wait3A_134 = tpu.memref_squeeze %dma_wait3A_133 : memref<1x1x1x80xi32, #tpu.memory_space<vmem>> -> memref<80xi32, #tpu.memory_space<vmem>>
      %dma_wait3A_135 = arith.constant 0 : i32
      %dma_wait3A_136 = arith.constant 0 : i32
      %dma_wait3A_137 = tpu.memref_slice %arg2[%dma_wait3A_135, %dma_wait3A_136] : memref<10000x144xf32, #tpu.memory_space<hbm>> -> memref<10000x144xf32, #tpu.memory_space<hbm>>
      tpu.wait_indirect_dma semaphore(%arg13 : memref<!tpu.dma_semaphore, #tpu.memory_space<semaphore_mem>>) src(%dma_wait3A_137 : memref<10000x144xf32, #tpu.memory_space<hbm>>) dst(%arg8 : memref<80x144xf32, #tpu.memory_space<vmem>>)
      %dma_wait3A_138 = arith.constant 2 : i32
      %dma_wait3A_139 = arith.constant 0 : i32
      %dma_wait3A_140 = tpu.memref_slice %arg11[%select_n3A_115, %select_n3A_131, %dma_wait3A_138, %dma_wait3A_139] : memref<3x5x3x80xi32, #tpu.memory_space<vmem>> -> memref<1x1x1x80xi32, #tpu.memory_space<vmem>>
      %dma_wait3A_141 = tpu.memref_squeeze %dma_wait3A_140 : memref<1x1x1x80xi32, #tpu.memory_space<vmem>> -> memref<80xi32, #tpu.memory_space<vmem>>
      %dma_wait3A_142 = arith.constant 0 : i32
      %dma_wait3A_143 = arith.constant 0 : i32
      %dma_wait3A_144 = tpu.memref_slice %arg4[%dma_wait3A_142, %dma_wait3A_143] : memref<10000x128xf32, #tpu.memory_space<hbm>> -> memref<10000x128xf32, #tpu.memory_space<hbm>>
      tpu.wait_indirect_dma semaphore(%arg15 : memref<!tpu.dma_semaphore, #tpu.memory_space<semaphore_mem>>) src(%dma_wait3A_144 : memref<10000x128xf32, #tpu.memory_space<hbm>>) dst(%arg10 : memref<80x128xf32, #tpu.memory_space<vmem>>)
      %broadcast_in_dim3A_145 = arith.constant 0.000000e+00 : f32
      %broadcast_in_dim3A_146 = vector.broadcast %broadcast_in_dim3A_145 : f32 to vector<16xf32>
      %add3A_147 = arith.constant 0 : i32
      %add3A_148 = vector.broadcast %add3A_147 : i32 to vector<16xi32>
      %add3A_149 = arith.addi %add3A_148, %iota3A : vector<16xi32>
      %broadcast_in_dim3A_150 = arith.constant 0 : i32
      %broadcast_in_dim3A_151 = vector.broadcast %broadcast_in_dim3A_150 : i32 to vector<16xi32>
      %parallel_loop3A = arith.constant 0 : i32
      %parallel_loop3A_152 = arith.constant 32 : i32
      %parallel_loop3A_153 = arith.constant 1 : i32
      %parallel_loop3A_154:5 = scf.for %parallel_loop3A_335 = %parallel_loop3A to %parallel_loop3A_152 step %parallel_loop3A_153 iter_args(%parallel_loop3A_336 = %broadcast_in_dim3A_146, %parallel_loop3A_337 = %broadcast_in_dim3A_146, %parallel_loop3A_338 = %broadcast_in_dim3A_146, %parallel_loop3A_339 = %broadcast_in_dim3A_146, %parallel_loop3A_340 = %broadcast_in_dim3A_151) -> (vector<16xf32>, vector<16xf32>, vector<16xf32>, vector<16xf32>, vector<16xi32>)  : i32 {
        %parallel_loop3A_341 = arith.constant 32 : i32
        %parallel_loop3A_342 = vector.broadcast %parallel_loop3A_341 : i32 to vector<16xi32>
        %parallel_loop3A_343 = arith.addi %parallel_loop3A_340, %parallel_loop3A_342 : vector<16xi32>
        %parallel_loop3A_344 = arith.constant 64 : i32
        %parallel_loop3A_345 = vector.broadcast %parallel_loop3A_344 : i32 to vector<16xi32>
        %parallel_loop3A_346 = arith.addi %parallel_loop3A_340, %parallel_loop3A_345 : vector<16xi32>
        %parallel_loop3A_347 = arith.constant 96 : i32
        %parallel_loop3A_348 = vector.broadcast %parallel_loop3A_347 : i32 to vector<16xi32>
        %parallel_loop3A_349 = arith.addi %parallel_loop3A_340, %parallel_loop3A_348 : vector<16xi32>
        %parallel_loop3A_350 = tpu.vector_load_idx %arg8[%add3A_149, %parallel_loop3A_340] : memref<80x144xf32, #tpu.memory_space<vmem>>[vector<16xi32>, vector<16xi32>], vector<16xf32>,
        %parallel_loop3A_351 = tpu.vector_load_idx %arg10[%add3A_149, %parallel_loop3A_340] : memref<80x128xf32, #tpu.memory_space<vmem>>[vector<16xi32>, vector<16xi32>], vector<16xf32>,
        %parallel_loop3A_352 = arith.mulf %parallel_loop3A_350, %parallel_loop3A_351 : vector<16xf32>
        %parallel_loop3A_353 = arith.addf %parallel_loop3A_336, %parallel_loop3A_352 : vector<16xf32>
        %parallel_loop3A_354 = tpu.vector_load_idx %arg8[%add3A_149, %parallel_loop3A_343] : memref<80x144xf32, #tpu.memory_space<vmem>>[vector<16xi32>, vector<16xi32>], vector<16xf32>,
        %parallel_loop3A_355 = tpu.vector_load_idx %arg10[%add3A_149, %parallel_loop3A_343] : memref<80x128xf32, #tpu.memory_space<vmem>>[vector<16xi32>, vector<16xi32>], vector<16xf32>,
        %parallel_loop3A_356 = arith.mulf %parallel_loop3A_354, %parallel_loop3A_355 : vector<16xf32>
        %parallel_loop3A_357 = arith.addf %parallel_loop3A_337, %parallel_loop3A_356 : vector<16xf32>
        %parallel_loop3A_358 = tpu.vector_load_idx %arg8[%add3A_149, %parallel_loop3A_346] : memref<80x144xf32, #tpu.memory_space<vmem>>[vector<16xi32>, vector<16xi32>], vector<16xf32>,
        %parallel_loop3A_359 = tpu.vector_load_idx %arg10[%add3A_149, %parallel_loop3A_346] : memref<80x128xf32, #tpu.memory_space<vmem>>[vector<16xi32>, vector<16xi32>], vector<16xf32>,
        %parallel_loop3A_360 = arith.mulf %parallel_loop3A_358, %parallel_loop3A_359 : vector<16xf32>
        %parallel_loop3A_361 = arith.addf %parallel_loop3A_338, %parallel_loop3A_360 : vector<16xf32>
        %parallel_loop3A_362 = tpu.vector_load_idx %arg8[%add3A_149, %parallel_loop3A_349] : memref<80x144xf32, #tpu.memory_space<vmem>>[vector<16xi32>, vector<16xi32>], vector<16xf32>,
        %parallel_loop3A_363 = tpu.vector_load_idx %arg10[%add3A_149, %parallel_loop3A_349] : memref<80x128xf32, #tpu.memory_space<vmem>>[vector<16xi32>, vector<16xi32>], vector<16xf32>,
        %parallel_loop3A_364 = arith.mulf %parallel_loop3A_362, %parallel_loop3A_363 : vector<16xf32>
        %parallel_loop3A_365 = arith.addf %parallel_loop3A_339, %parallel_loop3A_364 : vector<16xf32>
        %parallel_loop3A_366 = arith.constant 1 : i32
        %parallel_loop3A_367 = vector.broadcast %parallel_loop3A_366 : i32 to vector<16xi32>
        %parallel_loop3A_368 = arith.addi %parallel_loop3A_340, %parallel_loop3A_367 : vector<16xi32>
        scf.yield %parallel_loop3A_353, %parallel_loop3A_357, %parallel_loop3A_361, %parallel_loop3A_365, %parallel_loop3A_368 : vector<16xf32>, vector<16xf32>, vector<16xf32>, vector<16xf32>, vector<16xi32>
      } {sc.loop_unroll_factor = 4 : i64, sc.parallel_access}
      %add3A_155 = arith.addf %parallel_loop3A_154#0, %parallel_loop3A_154#1 : vector<16xf32>
      %add3A_156 = arith.addf %parallel_loop3A_154#2, %parallel_loop3A_154#3 : vector<16xf32>
      %add3A_157 = arith.addf %add3A_155, %add3A_156 : vector<16xf32>
      %swap3A = arith.constant 0 : index
      %swap3A_158 = tpu.vector_load %arg12[%swap3A] {strides = array<i32>} : memref<80xf32, #tpu.memory_space<vmem>>, vector<16xf32>,
      tpu.vector_store %arg12[%swap3A], %add3A_157 {strides = array<i32>} : memref<80xf32, #tpu.memory_space<vmem>>, vector<16xf32>,
      %add3A_159 = arith.constant 16 : i32
      %add3A_160 = vector.broadcast %add3A_159 : i32 to vector<16xi32>
      %add3A_161 = arith.addi %add3A_160, %iota3A : vector<16xi32>
      %broadcast_in_dim3A_162 = arith.constant 0 : i32
      %broadcast_in_dim3A_163 = vector.broadcast %broadcast_in_dim3A_162 : i32 to vector<16xi32>
      %parallel_loop3A_164 = arith.constant 0 : i32
      %parallel_loop3A_165 = arith.constant 32 : i32
      %parallel_loop3A_166 = arith.constant 1 : i32
      %parallel_loop3A_167:5 = scf.for %parallel_loop3A_335 = %parallel_loop3A_164 to %parallel_loop3A_165 step %parallel_loop3A_166 iter_args(%parallel_loop3A_336 = %broadcast_in_dim3A_146, %parallel_loop3A_337 = %broadcast_in_dim3A_146, %parallel_loop3A_338 = %broadcast_in_dim3A_146, %parallel_loop3A_339 = %broadcast_in_dim3A_146, %parallel_loop3A_340 = %broadcast_in_dim3A_163) -> (vector<16xf32>, vector<16xf32>, vector<16xf32>, vector<16xf32>, vector<16xi32>)  : i32 {
        %parallel_loop3A_341 = arith.constant 32 : i32
        %parallel_loop3A_342 = vector.broadcast %parallel_loop3A_341 : i32 to vector<16xi32>
        %parallel_loop3A_343 = arith.addi %parallel_loop3A_340, %parallel_loop3A_342 : vector<16xi32>
        %parallel_loop3A_344 = arith.constant 64 : i32
        %parallel_loop3A_345 = vector.broadcast %parallel_loop3A_344 : i32 to vector<16xi32>
        %parallel_loop3A_346 = arith.addi %parallel_loop3A_340, %parallel_loop3A_345 : vector<16xi32>
        %parallel_loop3A_347 = arith.constant 96 : i32
        %parallel_loop3A_348 = vector.broadcast %parallel_loop3A_347 : i32 to vector<16xi32>
        %parallel_loop3A_349 = arith.addi %parallel_loop3A_340, %parallel_loop3A_348 : vector<16xi32>
        %parallel_loop3A_350 = tpu.vector_load_idx %arg8[%add3A_161, %parallel_loop3A_340] : memref<80x144xf32, #tpu.memory_space<vmem>>[vector<16xi32>, vector<16xi32>], vector<16xf32>,
        %parallel_loop3A_351 = tpu.vector_load_idx %arg10[%add3A_161, %parallel_loop3A_340] : memref<80x128xf32, #tpu.memory_space<vmem>>[vector<16xi32>, vector<16xi32>], vector<16xf32>,
        %parallel_loop3A_352 = arith.mulf %parallel_loop3A_350, %parallel_loop3A_351 : vector<16xf32>
        %parallel_loop3A_353 = arith.addf %parallel_loop3A_336, %parallel_loop3A_352 : vector<16xf32>
        %parallel_loop3A_354 = tpu.vector_load_idx %arg8[%add3A_161, %parallel_loop3A_343] : memref<80x144xf32, #tpu.memory_space<vmem>>[vector<16xi32>, vector<16xi32>], vector<16xf32>,
        %parallel_loop3A_355 = tpu.vector_load_idx %arg10[%add3A_161, %parallel_loop3A_343] : memref<80x128xf32, #tpu.memory_space<vmem>>[vector<16xi32>, vector<16xi32>], vector<16xf32>,
        %parallel_loop3A_356 = arith.mulf %parallel_loop3A_354, %parallel_loop3A_355 : vector<16xf32>
        %parallel_loop3A_357 = arith.addf %parallel_loop3A_337, %parallel_loop3A_356 : vector<16xf32>
        %parallel_loop3A_358 = tpu.vector_load_idx %arg8[%add3A_161, %parallel_loop3A_346] : memref<80x144xf32, #tpu.memory_space<vmem>>[vector<16xi32>, vector<16xi32>], vector<16xf32>,
        %parallel_loop3A_359 = tpu.vector_load_idx %arg10[%add3A_161, %parallel_loop3A_346] : memref<80x128xf32, #tpu.memory_space<vmem>>[vector<16xi32>, vector<16xi32>], vector<16xf32>,
        %parallel_loop3A_360 = arith.mulf %parallel_loop3A_358, %parallel_loop3A_359 : vector<16xf32>
        %parallel_loop3A_361 = arith.addf %parallel_loop3A_338, %parallel_loop3A_360 : vector<16xf32>
        %parallel_loop3A_362 = tpu.vector_load_idx %arg8[%add3A_161, %parallel_loop3A_349] : memref<80x144xf32, #tpu.memory_space<vmem>>[vector<16xi32>, vector<16xi32>], vector<16xf32>,
        %parallel_loop3A_363 = tpu.vector_load_idx %arg10[%add3A_161, %parallel_loop3A_349] : memref<80x128xf32, #tpu.memory_space<vmem>>[vector<16xi32>, vector<16xi32>], vector<16xf32>,
        %parallel_loop3A_364 = arith.mulf %parallel_loop3A_362, %parallel_loop3A_363 : vector<16xf32>
        %parallel_loop3A_365 = arith.addf %parallel_loop3A_339, %parallel_loop3A_364 : vector<16xf32>
        %parallel_loop3A_366 = arith.constant 1 : i32
        %parallel_loop3A_367 = vector.broadcast %parallel_loop3A_366 : i32 to vector<16xi32>
        %parallel_loop3A_368 = arith.addi %parallel_loop3A_340, %parallel_loop3A_367 : vector<16xi32>
        scf.yield %parallel_loop3A_353, %parallel_loop3A_357, %parallel_loop3A_361, %parallel_loop3A_365, %parallel_loop3A_368 : vector<16xf32>, vector<16xf32>, vector<16xf32>, vector<16xf32>, vector<16xi32>
      } {sc.loop_unroll_factor = 4 : i64, sc.parallel_access}
      %add3A_168 = arith.addf %parallel_loop3A_167#0, %parallel_loop3A_167#1 : vector<16xf32>
      %add3A_169 = arith.addf %parallel_loop3A_167#2, %parallel_loop3A_167#3 : vector<16xf32>
      %add3A_170 = arith.addf %add3A_168, %add3A_169 : vector<16xf32>
      %swap3A_171 = arith.constant 16 : index
      %swap3A_172 = tpu.vector_load %arg12[%swap3A_171] {strides = array<i32>} : memref<80xf32, #tpu.memory_space<vmem>>, vector<16xf32>,
      tpu.vector_store %arg12[%swap3A_171], %add3A_170 {strides = array<i32>} : memref<80xf32, #tpu.memory_space<vmem>>, vector<16xf32>,
      %add3A_173 = arith.constant 32 : i32
      %add3A_174 = vector.broadcast %add3A_173 : i32 to vector<16xi32>
      %add3A_175 = arith.addi %add3A_174, %iota3A : vector<16xi32>
      %broadcast_in_dim3A_176 = arith.constant 0 : i32
      %broadcast_in_dim3A_177 = vector.broadcast %broadcast_in_dim3A_176 : i32 to vector<16xi32>
      %parallel_loop3A_178 = arith.constant 0 : i32
      %parallel_loop3A_179 = arith.constant 32 : i32
      %parallel_loop3A_180 = arith.constant 1 : i32
      %parallel_loop3A_181:5 = scf.for %parallel_loop3A_335 = %parallel_loop3A_178 to %parallel_loop3A_179 step %parallel_loop3A_180 iter_args(%parallel_loop3A_336 = %broadcast_in_dim3A_146, %parallel_loop3A_337 = %broadcast_in_dim3A_146, %parallel_loop3A_338 = %broadcast_in_dim3A_146, %parallel_loop3A_339 = %broadcast_in_dim3A_146, %parallel_loop3A_340 = %broadcast_in_dim3A_177) -> (vector<16xf32>, vector<16xf32>, vector<16xf32>, vector<16xf32>, vector<16xi32>)  : i32 {
        %parallel_loop3A_341 = arith.constant 32 : i32
        %parallel_loop3A_342 = vector.broadcast %parallel_loop3A_341 : i32 to vector<16xi32>
        %parallel_loop3A_343 = arith.addi %parallel_loop3A_340, %parallel_loop3A_342 : vector<16xi32>
        %parallel_loop3A_344 = arith.constant 64 : i32
        %parallel_loop3A_345 = vector.broadcast %parallel_loop3A_344 : i32 to vector<16xi32>
        %parallel_loop3A_346 = arith.addi %parallel_loop3A_340, %parallel_loop3A_345 : vector<16xi32>
        %parallel_loop3A_347 = arith.constant 96 : i32
        %parallel_loop3A_348 = vector.broadcast %parallel_loop3A_347 : i32 to vector<16xi32>
        %parallel_loop3A_349 = arith.addi %parallel_loop3A_340, %parallel_loop3A_348 : vector<16xi32>
        %parallel_loop3A_350 = tpu.vector_load_idx %arg8[%add3A_175, %parallel_loop3A_340] : memref<80x144xf32, #tpu.memory_space<vmem>>[vector<16xi32>, vector<16xi32>], vector<16xf32>,
        %parallel_loop3A_351 = tpu.vector_load_idx %arg10[%add3A_175, %parallel_loop3A_340] : memref<80x128xf32, #tpu.memory_space<vmem>>[vector<16xi32>, vector<16xi32>], vector<16xf32>,
        %parallel_loop3A_352 = arith.mulf %parallel_loop3A_350, %parallel_loop3A_351 : vector<16xf32>
        %parallel_loop3A_353 = arith.addf %parallel_loop3A_336, %parallel_loop3A_352 : vector<16xf32>
        %parallel_loop3A_354 = tpu.vector_load_idx %arg8[%add3A_175, %parallel_loop3A_343] : memref<80x144xf32, #tpu.memory_space<vmem>>[vector<16xi32>, vector<16xi32>], vector<16xf32>,
        %parallel_loop3A_355 = tpu.vector_load_idx %arg10[%add3A_175, %parallel_loop3A_343] : memref<80x128xf32, #tpu.memory_space<vmem>>[vector<16xi32>, vector<16xi32>], vector<16xf32>,
        %parallel_loop3A_356 = arith.mulf %parallel_loop3A_354, %parallel_loop3A_355 : vector<16xf32>
        %parallel_loop3A_357 = arith.addf %parallel_loop3A_337, %parallel_loop3A_356 : vector<16xf32>
        %parallel_loop3A_358 = tpu.vector_load_idx %arg8[%add3A_175, %parallel_loop3A_346] : memref<80x144xf32, #tpu.memory_space<vmem>>[vector<16xi32>, vector<16xi32>], vector<16xf32>,
        %parallel_loop3A_359 = tpu.vector_load_idx %arg10[%add3A_175, %parallel_loop3A_346] : memref<80x128xf32, #tpu.memory_space<vmem>>[vector<16xi32>, vector<16xi32>], vector<16xf32>,
        %parallel_loop3A_360 = arith.mulf %parallel_loop3A_358, %parallel_loop3A_359 : vector<16xf32>
        %parallel_loop3A_361 = arith.addf %parallel_loop3A_338, %parallel_loop3A_360 : vector<16xf32>
        %parallel_loop3A_362 = tpu.vector_load_idx %arg8[%add3A_175, %parallel_loop3A_349] : memref<80x144xf32, #tpu.memory_space<vmem>>[vector<16xi32>, vector<16xi32>], vector<16xf32>,
        %parallel_loop3A_363 = tpu.vector_load_idx %arg10[%add3A_175, %parallel_loop3A_349] : memref<80x128xf32, #tpu.memory_space<vmem>>[vector<16xi32>, vector<16xi32>], vector<16xf32>,
        %parallel_loop3A_364 = arith.mulf %parallel_loop3A_362, %parallel_loop3A_363 : vector<16xf32>
        %parallel_loop3A_365 = arith.addf %parallel_loop3A_339, %parallel_loop3A_364 : vector<16xf32>
        %parallel_loop3A_366 = arith.constant 1 : i32
        %parallel_loop3A_367 = vector.broadcast %parallel_loop3A_366 : i32 to vector<16xi32>
        %parallel_loop3A_368 = arith.addi %parallel_loop3A_340, %parallel_loop3A_367 : vector<16xi32>
        scf.yield %parallel_loop3A_353, %parallel_loop3A_357, %parallel_loop3A_361, %parallel_loop3A_365, %parallel_loop3A_368 : vector<16xf32>, vector<16xf32>, vector<16xf32>, vector<16xf32>, vector<16xi32>
      } {sc.loop_unroll_factor = 4 : i64, sc.parallel_access}
      %add3A_182 = arith.addf %parallel_loop3A_181#0, %parallel_loop3A_181#1 : vector<16xf32>
      %add3A_183 = arith.addf %parallel_loop3A_181#2, %parallel_loop3A_181#3 : vector<16xf32>
      %add3A_184 = arith.addf %add3A_182, %add3A_183 : vector<16xf32>
      %swap3A_185 = arith.constant 32 : index
      %swap3A_186 = tpu.vector_load %arg12[%swap3A_185] {strides = array<i32>} : memref<80xf32, #tpu.memory_space<vmem>>, vector<16xf32>,
      tpu.vector_store %arg12[%swap3A_185], %add3A_184 {strides = array<i32>} : memref<80xf32, #tpu.memory_space<vmem>>, vector<16xf32>,
      %add3A_187 = arith.constant 48 : i32
      %add3A_188 = vector.broadcast %add3A_187 : i32 to vector<16xi32>
      %add3A_189 = arith.addi %add3A_188, %iota3A : vector<16xi32>
      %broadcast_in_dim3A_190 = arith.constant 0 : i32
      %broadcast_in_dim3A_191 = vector.broadcast %broadcast_in_dim3A_190 : i32 to vector<16xi32>
      %parallel_loop3A_192 = arith.constant 0 : i32
      %parallel_loop3A_193 = arith.constant 32 : i32
      %parallel_loop3A_194 = arith.constant 1 : i32
      %parallel_loop3A_195:5 = scf.for %parallel_loop3A_335 = %parallel_loop3A_192 to %parallel_loop3A_193 step %parallel_loop3A_194 iter_args(%parallel_loop3A_336 = %broadcast_in_dim3A_146, %parallel_loop3A_337 = %broadcast_in_dim3A_146, %parallel_loop3A_338 = %broadcast_in_dim3A_146, %parallel_loop3A_339 = %broadcast_in_dim3A_146, %parallel_loop3A_340 = %broadcast_in_dim3A_191) -> (vector<16xf32>, vector<16xf32>, vector<16xf32>, vector<16xf32>, vector<16xi32>)  : i32 {
        %parallel_loop3A_341 = arith.constant 32 : i32
        %parallel_loop3A_342 = vector.broadcast %parallel_loop3A_341 : i32 to vector<16xi32>
        %parallel_loop3A_343 = arith.addi %parallel_loop3A_340, %parallel_loop3A_342 : vector<16xi32>
        %parallel_loop3A_344 = arith.constant 64 : i32
        %parallel_loop3A_345 = vector.broadcast %parallel_loop3A_344 : i32 to vector<16xi32>
        %parallel_loop3A_346 = arith.addi %parallel_loop3A_340, %parallel_loop3A_345 : vector<16xi32>
        %parallel_loop3A_347 = arith.constant 96 : i32
        %parallel_loop3A_348 = vector.broadcast %parallel_loop3A_347 : i32 to vector<16xi32>
        %parallel_loop3A_349 = arith.addi %parallel_loop3A_340, %parallel_loop3A_348 : vector<16xi32>
        %parallel_loop3A_350 = tpu.vector_load_idx %arg8[%add3A_189, %parallel_loop3A_340] : memref<80x144xf32, #tpu.memory_space<vmem>>[vector<16xi32>, vector<16xi32>], vector<16xf32>,
        %parallel_loop3A_351 = tpu.vector_load_idx %arg10[%add3A_189, %parallel_loop3A_340] : memref<80x128xf32, #tpu.memory_space<vmem>>[vector<16xi32>, vector<16xi32>], vector<16xf32>,
        %parallel_loop3A_352 = arith.mulf %parallel_loop3A_350, %parallel_loop3A_351 : vector<16xf32>
        %parallel_loop3A_353 = arith.addf %parallel_loop3A_336, %parallel_loop3A_352 : vector<16xf32>
        %parallel_loop3A_354 = tpu.vector_load_idx %arg8[%add3A_189, %parallel_loop3A_343] : memref<80x144xf32, #tpu.memory_space<vmem>>[vector<16xi32>, vector<16xi32>], vector<16xf32>,
        %parallel_loop3A_355 = tpu.vector_load_idx %arg10[%add3A_189, %parallel_loop3A_343] : memref<80x128xf32, #tpu.memory_space<vmem>>[vector<16xi32>, vector<16xi32>], vector<16xf32>,
        %parallel_loop3A_356 = arith.mulf %parallel_loop3A_354, %parallel_loop3A_355 : vector<16xf32>
        %parallel_loop3A_357 = arith.addf %parallel_loop3A_337, %parallel_loop3A_356 : vector<16xf32>
        %parallel_loop3A_358 = tpu.vector_load_idx %arg8[%add3A_189, %parallel_loop3A_346] : memref<80x144xf32, #tpu.memory_space<vmem>>[vector<16xi32>, vector<16xi32>], vector<16xf32>,
        %parallel_loop3A_359 = tpu.vector_load_idx %arg10[%add3A_189, %parallel_loop3A_346] : memref<80x128xf32, #tpu.memory_space<vmem>>[vector<16xi32>, vector<16xi32>], vector<16xf32>,
        %parallel_loop3A_360 = arith.mulf %parallel_loop3A_358, %parallel_loop3A_359 : vector<16xf32>
        %parallel_loop3A_361 = arith.addf %parallel_loop3A_338, %parallel_loop3A_360 : vector<16xf32>
        %parallel_loop3A_362 = tpu.vector_load_idx %arg8[%add3A_189, %parallel_loop3A_349] : memref<80x144xf32, #tpu.memory_space<vmem>>[vector<16xi32>, vector<16xi32>], vector<16xf32>,
        %parallel_loop3A_363 = tpu.vector_load_idx %arg10[%add3A_189, %parallel_loop3A_349] : memref<80x128xf32, #tpu.memory_space<vmem>>[vector<16xi32>, vector<16xi32>], vector<16xf32>,
        %parallel_loop3A_364 = arith.mulf %parallel_loop3A_362, %parallel_loop3A_363 : vector<16xf32>
        %parallel_loop3A_365 = arith.addf %parallel_loop3A_339, %parallel_loop3A_364 : vector<16xf32>
        %parallel_loop3A_366 = arith.constant 1 : i32
        %parallel_loop3A_367 = vector.broadcast %parallel_loop3A_366 : i32 to vector<16xi32>
        %parallel_loop3A_368 = arith.addi %parallel_loop3A_340, %parallel_loop3A_367 : vector<16xi32>
        scf.yield %parallel_loop3A_353, %parallel_loop3A_357, %parallel_loop3A_361, %parallel_loop3A_365, %parallel_loop3A_368 : vector<16xf32>, vector<16xf32>, vector<16xf32>, vector<16xf32>, vector<16xi32>
      } {sc.loop_unroll_factor = 4 : i64, sc.parallel_access}
      %add3A_196 = arith.addf %parallel_loop3A_195#0, %parallel_loop3A_195#1 : vector<16xf32>
      %add3A_197 = arith.addf %parallel_loop3A_195#2, %parallel_loop3A_195#3 : vector<16xf32>
      %add3A_198 = arith.addf %add3A_196, %add3A_197 : vector<16xf32>
      %swap3A_199 = arith.constant 48 : index
      %swap3A_200 = tpu.vector_load %arg12[%swap3A_199] {strides = array<i32>} : memref<80xf32, #tpu.memory_space<vmem>>, vector<16xf32>,
      tpu.vector_store %arg12[%swap3A_199], %add3A_198 {strides = array<i32>} : memref<80xf32, #tpu.memory_space<vmem>>, vector<16xf32>,
      %add3A_201 = arith.constant 64 : i32
      %add3A_202 = vector.broadcast %add3A_201 : i32 to vector<16xi32>
      %add3A_203 = arith.addi %add3A_202, %iota3A : vector<16xi32>
      %broadcast_in_dim3A_204 = arith.constant 0 : i32
      %broadcast_in_dim3A_205 = vector.broadcast %broadcast_in_dim3A_204 : i32 to vector<16xi32>
      %parallel_loop3A_206 = arith.constant 0 : i32
      %parallel_loop3A_207 = arith.constant 32 : i32
      %parallel_loop3A_208 = arith.constant 1 : i32
      %parallel_loop3A_209:5 = scf.for %parallel_loop3A_335 = %parallel_loop3A_206 to %parallel_loop3A_207 step %parallel_loop3A_208 iter_args(%parallel_loop3A_336 = %broadcast_in_dim3A_146, %parallel_loop3A_337 = %broadcast_in_dim3A_146, %parallel_loop3A_338 = %broadcast_in_dim3A_146, %parallel_loop3A_339 = %broadcast_in_dim3A_146, %parallel_loop3A_340 = %broadcast_in_dim3A_205) -> (vector<16xf32>, vector<16xf32>, vector<16xf32>, vector<16xf32>, vector<16xi32>)  : i32 {
        %parallel_loop3A_341 = arith.constant 32 : i32
        %parallel_loop3A_342 = vector.broadcast %parallel_loop3A_341 : i32 to vector<16xi32>
        %parallel_loop3A_343 = arith.addi %parallel_loop3A_340, %parallel_loop3A_342 : vector<16xi32>
        %parallel_loop3A_344 = arith.constant 64 : i32
        %parallel_loop3A_345 = vector.broadcast %parallel_loop3A_344 : i32 to vector<16xi32>
        %parallel_loop3A_346 = arith.addi %parallel_loop3A_340, %parallel_loop3A_345 : vector<16xi32>
        %parallel_loop3A_347 = arith.constant 96 : i32
        %parallel_loop3A_348 = vector.broadcast %parallel_loop3A_347 : i32 to vector<16xi32>
        %parallel_loop3A_349 = arith.addi %parallel_loop3A_340, %parallel_loop3A_348 : vector<16xi32>
        %parallel_loop3A_350 = tpu.vector_load_idx %arg8[%add3A_203, %parallel_loop3A_340] : memref<80x144xf32, #tpu.memory_space<vmem>>[vector<16xi32>, vector<16xi32>], vector<16xf32>,
        %parallel_loop3A_351 = tpu.vector_load_idx %arg10[%add3A_203, %parallel_loop3A_340] : memref<80x128xf32, #tpu.memory_space<vmem>>[vector<16xi32>, vector<16xi32>], vector<16xf32>,
        %parallel_loop3A_352 = arith.mulf %parallel_loop3A_350, %parallel_loop3A_351 : vector<16xf32>
        %parallel_loop3A_353 = arith.addf %parallel_loop3A_336, %parallel_loop3A_352 : vector<16xf32>
        %parallel_loop3A_354 = tpu.vector_load_idx %arg8[%add3A_203, %parallel_loop3A_343] : memref<80x144xf32, #tpu.memory_space<vmem>>[vector<16xi32>, vector<16xi32>], vector<16xf32>,
        %parallel_loop3A_355 = tpu.vector_load_idx %arg10[%add3A_203, %parallel_loop3A_343] : memref<80x128xf32, #tpu.memory_space<vmem>>[vector<16xi32>, vector<16xi32>], vector<16xf32>,
        %parallel_loop3A_356 = arith.mulf %parallel_loop3A_354, %parallel_loop3A_355 : vector<16xf32>
        %parallel_loop3A_357 = arith.addf %parallel_loop3A_337, %parallel_loop3A_356 : vector<16xf32>
        %parallel_loop3A_358 = tpu.vector_load_idx %arg8[%add3A_203, %parallel_loop3A_346] : memref<80x144xf32, #tpu.memory_space<vmem>>[vector<16xi32>, vector<16xi32>], vector<16xf32>,
        %parallel_loop3A_359 = tpu.vector_load_idx %arg10[%add3A_203, %parallel_loop3A_346] : memref<80x128xf32, #tpu.memory_space<vmem>>[vector<16xi32>, vector<16xi32>], vector<16xf32>,
        %parallel_loop3A_360 = arith.mulf %parallel_loop3A_358, %parallel_loop3A_359 : vector<16xf32>
        %parallel_loop3A_361 = arith.addf %parallel_loop3A_338, %parallel_loop3A_360 : vector<16xf32>
        %parallel_loop3A_362 = tpu.vector_load_idx %arg8[%add3A_203, %parallel_loop3A_349] : memref<80x144xf32, #tpu.memory_space<vmem>>[vector<16xi32>, vector<16xi32>], vector<16xf32>,
        %parallel_loop3A_363 = tpu.vector_load_idx %arg10[%add3A_203, %parallel_loop3A_349] : memref<80x128xf32, #tpu.memory_space<vmem>>[vector<16xi32>, vector<16xi32>], vector<16xf32>,
        %parallel_loop3A_364 = arith.mulf %parallel_loop3A_362, %parallel_loop3A_363 : vector<16xf32>
        %parallel_loop3A_365 = arith.addf %parallel_loop3A_339, %parallel_loop3A_364 : vector<16xf32>
        %parallel_loop3A_366 = arith.constant 1 : i32
        %parallel_loop3A_367 = vector.broadcast %parallel_loop3A_366 : i32 to vector<16xi32>
        %parallel_loop3A_368 = arith.addi %parallel_loop3A_340, %parallel_loop3A_367 : vector<16xi32>
        scf.yield %parallel_loop3A_353, %parallel_loop3A_357, %parallel_loop3A_361, %parallel_loop3A_365, %parallel_loop3A_368 : vector<16xf32>, vector<16xf32>, vector<16xf32>, vector<16xf32>, vector<16xi32>
      } {sc.loop_unroll_factor = 4 : i64, sc.parallel_access}
      %add3A_210 = arith.addf %parallel_loop3A_209#0, %parallel_loop3A_209#1 : vector<16xf32>
      %add3A_211 = arith.addf %parallel_loop3A_209#2, %parallel_loop3A_209#3 : vector<16xf32>
      %add3A_212 = arith.addf %add3A_210, %add3A_211 : vector<16xf32>
      %swap3A_213 = arith.constant 64 : index
      %swap3A_214 = tpu.vector_load %arg12[%swap3A_213] {strides = array<i32>} : memref<80xf32, #tpu.memory_space<vmem>>, vector<16xf32>,
      tpu.vector_store %arg12[%swap3A_213], %add3A_212 {strides = array<i32>} : memref<80xf32, #tpu.memory_space<vmem>>, vector<16xf32>,
      %dma_wait3A_215 = arith.constant 1 : i32
      %dma_wait3A_216 = arith.constant 0 : i32
      %dma_wait3A_217 = tpu.memref_slice %arg11[%select_n3A_115, %select_n3A_131, %dma_wait3A_215, %dma_wait3A_216] : memref<3x5x3x80xi32, #tpu.memory_space<vmem>> -> memref<1x1x1x80xi32, #tpu.memory_space<vmem>>
      %dma_wait3A_218 = tpu.memref_squeeze %dma_wait3A_217 : memref<1x1x1x80xi32, #tpu.memory_space<vmem>> -> memref<80xi32, #tpu.memory_space<vmem>>
      %dma_wait3A_219 = arith.constant 0 : i32
      %dma_wait3A_220 = arith.constant 0 : i32
      %dma_wait3A_221 = tpu.memref_slice %arg3[%dma_wait3A_219, %dma_wait3A_220] : memref<10000x144xf32, #tpu.memory_space<hbm>> -> memref<10000x144xf32, #tpu.memory_space<hbm>>
      tpu.wait_indirect_dma semaphore(%arg14 : memref<!tpu.dma_semaphore, #tpu.memory_space<semaphore_mem>>) src(%dma_wait3A_221 : memref<10000x144xf32, #tpu.memory_space<hbm>>) dst(%arg9 : memref<80x144xf32, #tpu.memory_space<vmem>>)
      %add3A_222 = arith.constant 0 : i32
      %add3A_223 = vector.broadcast %add3A_222 : i32 to vector<16xi32>
      %add3A_224 = arith.addi %add3A_223, %iota3A : vector<16xi32>
      %gather3A = tpu.vector_load_idx %arg8[%add3A_224, %broadcast_in_dim3A_3] : memref<80x144xf32, #tpu.memory_space<vmem>>[vector<16xi32>, vector<16xi32>], vector<16xf32>,
      %gather3A_225 = tpu.vector_load_idx %arg9[%add3A_224, %broadcast_in_dim3A_3] : memref<80x144xf32, #tpu.memory_space<vmem>>[vector<16xi32>, vector<16xi32>], vector<16xf32>,
      %add3A_226 = arith.addf %gather3A, %gather3A_225 : vector<16xf32>
      %mul3A_227 = arith.constant 0.00999999977 : f32
      %mul3A_228 = vector.broadcast %mul3A_227 : f32 to vector<16xf32>
      %mul3A_229 = arith.mulf %mul3A_228, %add3A_226 : vector<16xf32>
      %max3A = arith.maximumf %add3A_226, %mul3A_229 : vector<16xf32>
      %exp3A = math.exp %max3A : vector<16xf32>
      %gather3A_230 = tpu.vector_load_idx %arg8[%add3A_224, %broadcast_in_dim3A_5] : memref<80x144xf32, #tpu.memory_space<vmem>>[vector<16xi32>, vector<16xi32>], vector<16xf32>,
      %get3A = arith.constant 0 : index
      %get3A_231 = tpu.vector_load %arg12[%get3A] {strides = array<i32>} : memref<80xf32, #tpu.memory_space<vmem>>, vector<16xf32>,
      %add3A_232 = arith.addf %get3A_231, %gather3A_230 : vector<16xf32>
      %mul3A_233 = arith.mulf %exp3A, %add3A_232 : vector<16xf32>
      %swap3A_234 = arith.constant 0 : index
      %swap3A_235 = tpu.vector_load %arg12[%swap3A_234] {strides = array<i32>} : memref<80xf32, #tpu.memory_space<vmem>>, vector<16xf32>,
      tpu.vector_store %arg12[%swap3A_234], %mul3A_233 {strides = array<i32>} : memref<80xf32, #tpu.memory_space<vmem>>, vector<16xf32>,
      tpu.vector_store_idx %arg9[%add3A_224, %broadcast_in_dim3A_3], %exp3A : memref<80x144xf32, #tpu.memory_space<vmem>>[vector<16xi32>, vector<16xi32>], vector<16xf32>,
      %add3A_236 = arith.constant 16 : i32
      %add3A_237 = vector.broadcast %add3A_236 : i32 to vector<16xi32>
      %add3A_238 = arith.addi %add3A_237, %iota3A : vector<16xi32>
      %gather3A_239 = tpu.vector_load_idx %arg8[%add3A_238, %broadcast_in_dim3A_3] : memref<80x144xf32, #tpu.memory_space<vmem>>[vector<16xi32>, vector<16xi32>], vector<16xf32>,
      %gather3A_240 = tpu.vector_load_idx %arg9[%add3A_238, %broadcast_in_dim3A_3] : memref<80x144xf32, #tpu.memory_space<vmem>>[vector<16xi32>, vector<16xi32>], vector<16xf32>,
      %add3A_241 = arith.addf %gather3A_239, %gather3A_240 : vector<16xf32>
      %mul3A_242 = arith.constant 0.00999999977 : f32
      %mul3A_243 = vector.broadcast %mul3A_242 : f32 to vector<16xf32>
      %mul3A_244 = arith.mulf %mul3A_243, %add3A_241 : vector<16xf32>
      %max3A_245 = arith.maximumf %add3A_241, %mul3A_244 : vector<16xf32>
      %exp3A_246 = math.exp %max3A_245 : vector<16xf32>
      %gather3A_247 = tpu.vector_load_idx %arg8[%add3A_238, %broadcast_in_dim3A_5] : memref<80x144xf32, #tpu.memory_space<vmem>>[vector<16xi32>, vector<16xi32>], vector<16xf32>,
      %get3A_248 = arith.constant 16 : index
      %get3A_249 = tpu.vector_load %arg12[%get3A_248] {strides = array<i32>} : memref<80xf32, #tpu.memory_space<vmem>>, vector<16xf32>,
      %add3A_250 = arith.addf %get3A_249, %gather3A_247 : vector<16xf32>
      %mul3A_251 = arith.mulf %exp3A_246, %add3A_250 : vector<16xf32>
      %swap3A_252 = arith.constant 16 : index
      %swap3A_253 = tpu.vector_load %arg12[%swap3A_252] {strides = array<i32>} : memref<80xf32, #tpu.memory_space<vmem>>, vector<16xf32>,
      tpu.vector_store %arg12[%swap3A_252], %mul3A_251 {strides = array<i32>} : memref<80xf32, #tpu.memory_space<vmem>>, vector<16xf32>,
      tpu.vector_store_idx %arg9[%add3A_238, %broadcast_in_dim3A_3], %exp3A_246 : memref<80x144xf32, #tpu.memory_space<vmem>>[vector<16xi32>, vector<16xi32>], vector<16xf32>,
      %add3A_254 = arith.constant 32 : i32
      %add3A_255 = vector.broadcast %add3A_254 : i32 to vector<16xi32>
      %add3A_256 = arith.addi %add3A_255, %iota3A : vector<16xi32>
      %gather3A_257 = tpu.vector_load_idx %arg8[%add3A_256, %broadcast_in_dim3A_3] : memref<80x144xf32, #tpu.memory_space<vmem>>[vector<16xi32>, vector<16xi32>], vector<16xf32>,
      %gather3A_258 = tpu.vector_load_idx %arg9[%add3A_256, %broadcast_in_dim3A_3] : memref<80x144xf32, #tpu.memory_space<vmem>>[vector<16xi32>, vector<16xi32>], vector<16xf32>,
      %add3A_259 = arith.addf %gather3A_257, %gather3A_258 : vector<16xf32>
      %mul3A_260 = arith.constant 0.00999999977 : f32
      %mul3A_261 = vector.broadcast %mul3A_260 : f32 to vector<16xf32>
      %mul3A_262 = arith.mulf %mul3A_261, %add3A_259 : vector<16xf32>
      %max3A_263 = arith.maximumf %add3A_259, %mul3A_262 : vector<16xf32>
      %exp3A_264 = math.exp %max3A_263 : vector<16xf32>
      %gather3A_265 = tpu.vector_load_idx %arg8[%add3A_256, %broadcast_in_dim3A_5] : memref<80x144xf32, #tpu.memory_space<vmem>>[vector<16xi32>, vector<16xi32>], vector<16xf32>,
      %get3A_266 = arith.constant 32 : index
      %get3A_267 = tpu.vector_load %arg12[%get3A_266] {strides = array<i32>} : memref<80xf32, #tpu.memory_space<vmem>>, vector<16xf32>,
      %add3A_268 = arith.addf %get3A_267, %gather3A_265 : vector<16xf32>
      %mul3A_269 = arith.mulf %exp3A_264, %add3A_268 : vector<16xf32>
      %swap3A_270 = arith.constant 32 : index
      %swap3A_271 = tpu.vector_load %arg12[%swap3A_270] {strides = array<i32>} : memref<80xf32, #tpu.memory_space<vmem>>, vector<16xf32>,
      tpu.vector_store %arg12[%swap3A_270], %mul3A_269 {strides = array<i32>} : memref<80xf32, #tpu.memory_space<vmem>>, vector<16xf32>,
      tpu.vector_store_idx %arg9[%add3A_256, %broadcast_in_dim3A_3], %exp3A_264 : memref<80x144xf32, #tpu.memory_space<vmem>>[vector<16xi32>, vector<16xi32>], vector<16xf32>,
      %add3A_272 = arith.constant 48 : i32
      %add3A_273 = vector.broadcast %add3A_272 : i32 to vector<16xi32>
      %add3A_274 = arith.addi %add3A_273, %iota3A : vector<16xi32>
      %gather3A_275 = tpu.vector_load_idx %arg8[%add3A_274, %broadcast_in_dim3A_3] : memref<80x144xf32, #tpu.memory_space<vmem>>[vector<16xi32>, vector<16xi32>], vector<16xf32>,
      %gather3A_276 = tpu.vector_load_idx %arg9[%add3A_274, %broadcast_in_dim3A_3] : memref<80x144xf32, #tpu.memory_space<vmem>>[vector<16xi32>, vector<16xi32>], vector<16xf32>,
      %add3A_277 = arith.addf %gather3A_275, %gather3A_276 : vector<16xf32>
      %mul3A_278 = arith.constant 0.00999999977 : f32
      %mul3A_279 = vector.broadcast %mul3A_278 : f32 to vector<16xf32>
      %mul3A_280 = arith.mulf %mul3A_279, %add3A_277 : vector<16xf32>
      %max3A_281 = arith.maximumf %add3A_277, %mul3A_280 : vector<16xf32>
      %exp3A_282 = math.exp %max3A_281 : vector<16xf32>
      %gather3A_283 = tpu.vector_load_idx %arg8[%add3A_274, %broadcast_in_dim3A_5] : memref<80x144xf32, #tpu.memory_space<vmem>>[vector<16xi32>, vector<16xi32>], vector<16xf32>,
      %get3A_284 = arith.constant 48 : index
      %get3A_285 = tpu.vector_load %arg12[%get3A_284] {strides = array<i32>} : memref<80xf32, #tpu.memory_space<vmem>>, vector<16xf32>,
      %add3A_286 = arith.addf %get3A_285, %gather3A_283 : vector<16xf32>
      %mul3A_287 = arith.mulf %exp3A_282, %add3A_286 : vector<16xf32>
      %swap3A_288 = arith.constant 48 : index
      %swap3A_289 = tpu.vector_load %arg12[%swap3A_288] {strides = array<i32>} : memref<80xf32, #tpu.memory_space<vmem>>, vector<16xf32>,
      tpu.vector_store %arg12[%swap3A_288], %mul3A_287 {strides = array<i32>} : memref<80xf32, #tpu.memory_space<vmem>>, vector<16xf32>,
      tpu.vector_store_idx %arg9[%add3A_274, %broadcast_in_dim3A_3], %exp3A_282 : memref<80x144xf32, #tpu.memory_space<vmem>>[vector<16xi32>, vector<16xi32>], vector<16xf32>,
      %add3A_290 = arith.constant 64 : i32
      %add3A_291 = vector.broadcast %add3A_290 : i32 to vector<16xi32>
      %add3A_292 = arith.addi %add3A_291, %iota3A : vector<16xi32>
      %gather3A_293 = tpu.vector_load_idx %arg8[%add3A_292, %broadcast_in_dim3A_3] : memref<80x144xf32, #tpu.memory_space<vmem>>[vector<16xi32>, vector<16xi32>], vector<16xf32>,
      %gather3A_294 = tpu.vector_load_idx %arg9[%add3A_292, %broadcast_in_dim3A_3] : memref<80x144xf32, #tpu.memory_space<vmem>>[vector<16xi32>, vector<16xi32>], vector<16xf32>,
      %add3A_295 = arith.addf %gather3A_293, %gather3A_294 : vector<16xf32>
      %mul3A_296 = arith.constant 0.00999999977 : f32
      %mul3A_297 = vector.broadcast %mul3A_296 : f32 to vector<16xf32>
      %mul3A_298 = arith.mulf %mul3A_297, %add3A_295 : vector<16xf32>
      %max3A_299 = arith.maximumf %add3A_295, %mul3A_298 : vector<16xf32>
      %exp3A_300 = math.exp %max3A_299 : vector<16xf32>
      %gather3A_301 = tpu.vector_load_idx %arg8[%add3A_292, %broadcast_in_dim3A_5] : memref<80x144xf32, #tpu.memory_space<vmem>>[vector<16xi32>, vector<16xi32>], vector<16xf32>,
      %get3A_302 = arith.constant 64 : index
      %get3A_303 = tpu.vector_load %arg12[%get3A_302] {strides = array<i32>} : memref<80xf32, #tpu.memory_space<vmem>>, vector<16xf32>,
      %add3A_304 = arith.addf %get3A_303, %gather3A_301 : vector<16xf32>
      %mul3A_305 = arith.mulf %exp3A_300, %add3A_304 : vector<16xf32>
      %swap3A_306 = arith.constant 64 : index
      %swap3A_307 = tpu.vector_load %arg12[%swap3A_306] {strides = array<i32>} : memref<80xf32, #tpu.memory_space<vmem>>, vector<16xf32>,
      tpu.vector_store %arg12[%swap3A_306], %mul3A_305 {strides = array<i32>} : memref<80xf32, #tpu.memory_space<vmem>>, vector<16xf32>,
      tpu.vector_store_idx %arg9[%add3A_292, %broadcast_in_dim3A_3], %exp3A_300 : memref<80x144xf32, #tpu.memory_space<vmem>>[vector<16xi32>, vector<16xi32>], vector<16xf32>,
      %parallel_loop3A_308 = arith.constant 0 : i32
      %parallel_loop3A_309 = arith.constant 80 : i32
      %parallel_loop3A_310 = arith.constant 1 : i32
      scf.for %parallel_loop3A_335 = %parallel_loop3A_308 to %parallel_loop3A_309 step %parallel_loop3A_310  : i32 {
        %parallel_loop3A_336 = vector.broadcast %parallel_loop3A_335 : i32 to vector<16xi32>
        %parallel_loop3A_337 = tpu.vector_load_idx %arg12[%parallel_loop3A_336] : memref<80xf32, #tpu.memory_space<vmem>>[vector<16xi32>], vector<16xf32>,
        %parallel_loop3A_338 = arith.index_cast %parallel_loop3A_335 : i32 to index
        %parallel_loop3A_339 = arith.constant 0 : index
        %parallel_loop3A_340 = tpu.vector_load %arg9[%parallel_loop3A_338, %parallel_loop3A_339] {strides = array<i32>} : memref<80x144xf32, #tpu.memory_space<vmem>>, vector<16xf32>,
        %parallel_loop3A_341 = arith.mulf %parallel_loop3A_340, %parallel_loop3A_337 : vector<16xf32>
        %parallel_loop3A_342 = arith.index_cast %parallel_loop3A_335 : i32 to index
        %parallel_loop3A_343 = arith.constant 0 : index
        %parallel_loop3A_344 = tpu.vector_load %arg9[%parallel_loop3A_342, %parallel_loop3A_343] {strides = array<i32>} : memref<80x144xf32, #tpu.memory_space<vmem>>, vector<16xf32>,
        tpu.vector_store %arg9[%parallel_loop3A_342, %parallel_loop3A_343], %parallel_loop3A_341 {strides = array<i32>} : memref<80x144xf32, #tpu.memory_space<vmem>>, vector<16xf32>,
        %parallel_loop3A_345 = arith.index_cast %parallel_loop3A_335 : i32 to index
        %parallel_loop3A_346 = arith.constant 16 : index
        %parallel_loop3A_347 = tpu.vector_load %arg9[%parallel_loop3A_345, %parallel_loop3A_346] {strides = array<i32>} : memref<80x144xf32, #tpu.memory_space<vmem>>, vector<16xf32>,
        %parallel_loop3A_348 = arith.mulf %parallel_loop3A_347, %parallel_loop3A_337 : vector<16xf32>
        %parallel_loop3A_349 = arith.index_cast %parallel_loop3A_335 : i32 to index
        %parallel_loop3A_350 = arith.constant 16 : index
        %parallel_loop3A_351 = tpu.vector_load %arg9[%parallel_loop3A_349, %parallel_loop3A_350] {strides = array<i32>} : memref<80x144xf32, #tpu.memory_space<vmem>>, vector<16xf32>,
        tpu.vector_store %arg9[%parallel_loop3A_349, %parallel_loop3A_350], %parallel_loop3A_348 {strides = array<i32>} : memref<80x144xf32, #tpu.memory_space<vmem>>, vector<16xf32>,
        %parallel_loop3A_352 = arith.index_cast %parallel_loop3A_335 : i32 to index
        %parallel_loop3A_353 = arith.constant 32 : index
        %parallel_loop3A_354 = tpu.vector_load %arg9[%parallel_loop3A_352, %parallel_loop3A_353] {strides = array<i32>} : memref<80x144xf32, #tpu.memory_space<vmem>>, vector<16xf32>,
        %parallel_loop3A_355 = arith.mulf %parallel_loop3A_354, %parallel_loop3A_337 : vector<16xf32>
        %parallel_loop3A_356 = arith.index_cast %parallel_loop3A_335 : i32 to index
        %parallel_loop3A_357 = arith.constant 32 : index
        %parallel_loop3A_358 = tpu.vector_load %arg9[%parallel_loop3A_356, %parallel_loop3A_357] {strides = array<i32>} : memref<80x144xf32, #tpu.memory_space<vmem>>, vector<16xf32>,
        tpu.vector_store %arg9[%parallel_loop3A_356, %parallel_loop3A_357], %parallel_loop3A_355 {strides = array<i32>} : memref<80x144xf32, #tpu.memory_space<vmem>>, vector<16xf32>,
        %parallel_loop3A_359 = arith.index_cast %parallel_loop3A_335 : i32 to index
        %parallel_loop3A_360 = arith.constant 48 : index
        %parallel_loop3A_361 = tpu.vector_load %arg9[%parallel_loop3A_359, %parallel_loop3A_360] {strides = array<i32>} : memref<80x144xf32, #tpu.memory_space<vmem>>, vector<16xf32>,
        %parallel_loop3A_362 = arith.mulf %parallel_loop3A_361, %parallel_loop3A_337 : vector<16xf32>
        %parallel_loop3A_363 = arith.index_cast %parallel_loop3A_335 : i32 to index
        %parallel_loop3A_364 = arith.constant 48 : index
        %parallel_loop3A_365 = tpu.vector_load %arg9[%parallel_loop3A_363, %parallel_loop3A_364] {strides = array<i32>} : memref<80x144xf32, #tpu.memory_space<vmem>>, vector<16xf32>,
        tpu.vector_store %arg9[%parallel_loop3A_363, %parallel_loop3A_364], %parallel_loop3A_362 {strides = array<i32>} : memref<80x144xf32, #tpu.memory_space<vmem>>, vector<16xf32>,
        %parallel_loop3A_366 = arith.index_cast %parallel_loop3A_335 : i32 to index
        %parallel_loop3A_367 = arith.constant 64 : index
        %parallel_loop3A_368 = tpu.vector_load %arg9[%parallel_loop3A_366, %parallel_loop3A_367] {strides = array<i32>} : memref<80x144xf32, #tpu.memory_space<vmem>>, vector<16xf32>,
        %parallel_loop3A_369 = arith.mulf %parallel_loop3A_368, %parallel_loop3A_337 : vector<16xf32>
        %parallel_loop3A_370 = arith.index_cast %parallel_loop3A_335 : i32 to index
        %parallel_loop3A_371 = arith.constant 64 : index
        %parallel_loop3A_372 = tpu.vector_load %arg9[%parallel_loop3A_370, %parallel_loop3A_371] {strides = array<i32>} : memref<80x144xf32, #tpu.memory_space<vmem>>, vector<16xf32>,
        tpu.vector_store %arg9[%parallel_loop3A_370, %parallel_loop3A_371], %parallel_loop3A_369 {strides = array<i32>} : memref<80x144xf32, #tpu.memory_space<vmem>>, vector<16xf32>,
        %parallel_loop3A_373 = arith.index_cast %parallel_loop3A_335 : i32 to index
        %parallel_loop3A_374 = arith.constant 80 : index
        %parallel_loop3A_375 = tpu.vector_load %arg9[%parallel_loop3A_373, %parallel_loop3A_374] {strides = array<i32>} : memref<80x144xf32, #tpu.memory_space<vmem>>, vector<16xf32>,
        %parallel_loop3A_376 = arith.mulf %parallel_loop3A_375, %parallel_loop3A_337 : vector<16xf32>
        %parallel_loop3A_377 = arith.index_cast %parallel_loop3A_335 : i32 to index
        %parallel_loop3A_378 = arith.constant 80 : index
        %parallel_loop3A_379 = tpu.vector_load %arg9[%parallel_loop3A_377, %parallel_loop3A_378] {strides = array<i32>} : memref<80x144xf32, #tpu.memory_space<vmem>>, vector<16xf32>,
        tpu.vector_store %arg9[%parallel_loop3A_377, %parallel_loop3A_378], %parallel_loop3A_376 {strides = array<i32>} : memref<80x144xf32, #tpu.memory_space<vmem>>, vector<16xf32>,
        %parallel_loop3A_380 = arith.index_cast %parallel_loop3A_335 : i32 to index
        %parallel_loop3A_381 = arith.constant 96 : index
        %parallel_loop3A_382 = tpu.vector_load %arg9[%parallel_loop3A_380, %parallel_loop3A_381] {strides = array<i32>} : memref<80x144xf32, #tpu.memory_space<vmem>>, vector<16xf32>,
        %parallel_loop3A_383 = arith.mulf %parallel_loop3A_382, %parallel_loop3A_337 : vector<16xf32>
        %parallel_loop3A_384 = arith.index_cast %parallel_loop3A_335 : i32 to index
        %parallel_loop3A_385 = arith.constant 96 : index
        %parallel_loop3A_386 = tpu.vector_load %arg9[%parallel_loop3A_384, %parallel_loop3A_385] {strides = array<i32>} : memref<80x144xf32, #tpu.memory_space<vmem>>, vector<16xf32>,
        tpu.vector_store %arg9[%parallel_loop3A_384, %parallel_loop3A_385], %parallel_loop3A_383 {strides = array<i32>} : memref<80x144xf32, #tpu.memory_space<vmem>>, vector<16xf32>,
        %parallel_loop3A_387 = arith.index_cast %parallel_loop3A_335 : i32 to index
        %parallel_loop3A_388 = arith.constant 112 : index
        %parallel_loop3A_389 = tpu.vector_load %arg9[%parallel_loop3A_387, %parallel_loop3A_388] {strides = array<i32>} : memref<80x144xf32, #tpu.memory_space<vmem>>, vector<16xf32>,
        %parallel_loop3A_390 = arith.mulf %parallel_loop3A_389, %parallel_loop3A_337 : vector<16xf32>
        %parallel_loop3A_391 = arith.index_cast %parallel_loop3A_335 : i32 to index
        %parallel_loop3A_392 = arith.constant 112 : index
        %parallel_loop3A_393 = tpu.vector_load %arg9[%parallel_loop3A_391, %parallel_loop3A_392] {strides = array<i32>} : memref<80x144xf32, #tpu.memory_space<vmem>>, vector<16xf32>,
        tpu.vector_store %arg9[%parallel_loop3A_391, %parallel_loop3A_392], %parallel_loop3A_390 {strides = array<i32>} : memref<80x144xf32, #tpu.memory_space<vmem>>, vector<16xf32>,
      } {sc.loop_unroll_factor = 2 : i64, sc.parallel_access}
      %dma_start3A_311 = arith.constant 0 : i32
      %dma_start3A_312 = arith.constant 0 : i32
      %dma_start3A_313 = tpu.memref_slice %arg11[%select_n3A_115, %select_n3A_131, %dma_start3A_311, %dma_start3A_312] : memref<3x5x3x80xi32, #tpu.memory_space<vmem>> -> memref<1x1x1x80xi32, #tpu.memory_space<vmem>>
      %dma_start3A_314 = tpu.memref_squeeze %dma_start3A_313 : memref<1x1x1x80xi32, #tpu.memory_space<vmem>> -> memref<80xi32, #tpu.memory_space<vmem>>
      %dma_start3A_315 = arith.constant 0 : i32
      %dma_start3A_316 = arith.constant 0 : i32
      %dma_start3A_317 = tpu.memref_slice %arg7[%dma_start3A_315, %dma_start3A_316] : memref<10240x144xf32, #tpu.memory_space<vmem_shared>> -> memref<10240x144xf32, #tpu.memory_space<vmem_shared>>
      tpu.enqueue_indirect_dma source(%arg9 : memref<80x144xf32, #tpu.memory_space<vmem>>) target(%dma_start3A_317 : memref<10240x144xf32, #tpu.memory_space<vmem_shared>>) offsets(%dma_start3A_314 : memref<80xi32, #tpu.memory_space<vmem>>) semaphore(%arg16 : memref<!tpu.dma_semaphore, #tpu.memory_space<semaphore_mem>>) {add = true}
      %add3A_318 = arith.constant 1 : i32
      %add3A_319 = arith.addi %scan3A_85, %add3A_318 : i32
      %lt3A_320 = arith.constant 125 : i32
      %lt3A_321 = arith.cmpi slt, %add3A_319, %lt3A_320 : i32
      %convert_element_type3A = arith.extui %lt3A_321 : i1 to i32
      %cond3A = arith.constant 0 : i32
      %cond3A_322 = arith.cmpi ne, %convert_element_type3A, %cond3A : i32
      scf.if %cond3A_322 {
        %jit3A_335 = arith.constant 5 : i32
        %div3A_336 = arith.divsi %add3A_319, %jit3A_335 : i32
        %sign3A_337 = arith.constant 0 : i32
        %sign3A_338 = arith.cmpi sgt, %add3A_319, %sign3A_337 : i32
        %sign3A_339 = arith.extui %sign3A_338 : i1 to i32
        %sign3A_340 = arith.constant 0 : i32
        %sign3A_341 = arith.cmpi slt, %add3A_319, %sign3A_340 : i32
        %sign3A_342 = arith.extui %sign3A_341 : i1 to i32
        %sign3A_343 = arith.subi %sign3A_339, %sign3A_342 : i32
        %sign3A_344 = arith.constant 0 : i32
        %sign3A_345 = arith.cmpi sgt, %jit3A_335, %sign3A_344 : i32
        %sign3A_346 = arith.extui %sign3A_345 : i1 to i32
        %sign3A_347 = arith.constant 0 : i32
        %sign3A_348 = arith.cmpi slt, %jit3A_335, %sign3A_347 : i32
        %sign3A_349 = arith.extui %sign3A_348 : i1 to i32
        %sign3A_350 = arith.subi %sign3A_346, %sign3A_349 : i32
        %ne3A_351 = arith.cmpi ne, %sign3A_343, %sign3A_350 : i32
        %rem3A_352 = arith.remsi %add3A_319, %jit3A_335 : i32
        %ne3A_353 = arith.constant 0 : i32
        %ne3A_354 = arith.cmpi ne, %rem3A_352, %ne3A_353 : i32
        %and3A_355 = arith.andi %ne3A_351, %ne3A_354 : i1
        %sub3A_356 = arith.constant 1 : i32
        %sub3A_357 = arith.subi %div3A_336, %sub3A_356 : i32
        %select_n3A_358 = arith.select %and3A_355, %sub3A_357, %div3A_336 : i32
        %jit3A_359 = arith.constant 5 : i32
        %eq3A_360 = arith.constant 0 : i32
        %eq3A_361 = arith.cmpi eq, %jit3A_359, %eq3A_360 : i32
        %jit3A_362 = arith.constant 1 : i32
        %select_n3A_363 = arith.select %eq3A_361, %jit3A_362, %jit3A_359 : i32
        %rem3A_364 = arith.remsi %add3A_319, %select_n3A_363 : i32
        %ne3A_365 = arith.constant 0 : i32
        %ne3A_366 = arith.cmpi ne, %rem3A_364, %ne3A_365 : i32
        %lt3A_367 = arith.constant 0 : i32
        %lt3A_368 = arith.cmpi slt, %rem3A_364, %lt3A_367 : i32
        %lt3A_369 = arith.constant 0 : i32
        %lt3A_370 = arith.cmpi slt, %select_n3A_363, %lt3A_369 : i32
        %ne3A_371 = arith.xori %lt3A_368, %lt3A_370 : i1
        %and3A_372 = arith.andi %ne3A_371, %ne3A_366 : i1
        %add3A_373 = arith.addi %rem3A_364, %select_n3A_363 : i32
        %select_n3A_374 = arith.select %and3A_372, %add3A_373, %rem3A_364 : i32
        %eq3A_375 = arith.constant 0 : i32
        %eq3A_376 = arith.cmpi eq, %select_n3A_374, %eq3A_375 : i32
        %convert_element_type3A_377 = arith.extui %eq3A_376 : i1 to i32
        %cond3A_378 = arith.constant 0 : i32
        %cond3A_379 = arith.cmpi ne, %convert_element_type3A_377, %cond3A_378 : i32
        scf.if %cond3A_379 {
          %jit3A_450 = arith.constant 3 : i32
          %eq3A_451 = arith.constant 0 : i32
          %eq3A_452 = arith.cmpi eq, %jit3A_450, %eq3A_451 : i32
          %jit3A_453 = arith.constant 1 : i32
          %select_n3A_454 = arith.select %eq3A_452, %jit3A_453, %jit3A_450 : i32
          %rem3A_455 = arith.remsi %select_n3A_358, %select_n3A_454 : i32
          %ne3A_456 = arith.constant 0 : i32
          %ne3A_457 = arith.cmpi ne, %rem3A_455, %ne3A_456 : i32
          %lt3A_458 = arith.constant 0 : i32
          %lt3A_459 = arith.cmpi slt, %rem3A_455, %lt3A_458 : i32
          %lt3A_460 = arith.constant 0 : i32
          %lt3A_461 = arith.cmpi slt, %select_n3A_454, %lt3A_460 : i32
          %ne3A_462 = arith.xori %lt3A_459, %lt3A_461 : i1
          %and3A_463 = arith.andi %ne3A_462, %ne3A_457 : i1
          %add3A_464 = arith.addi %rem3A_455, %select_n3A_454 : i32
          %select_n3A_465 = arith.select %and3A_463, %add3A_464, %rem3A_455 : i32
          %dma_wait3A_466 = arith.constant 0 : i32
          %dma_wait3A_467 = arith.constant 0 : i32
          %dma_wait3A_468 = arith.constant 0 : i32
          %dma_wait3A_469 = tpu.memref_slice %arg11[%select_n3A_465, %dma_wait3A_466, %dma_wait3A_467, %dma_wait3A_468] : memref<3x5x3x80xi32, #tpu.memory_space<vmem>> -> memref<1x5x3x80xi32, #tpu.memory_space<vmem>>
          %dma_wait3A_470 = tpu.memref_squeeze %dma_wait3A_469 : memref<1x5x3x80xi32, #tpu.memory_space<vmem>> -> memref<5x3x80xi32, #tpu.memory_space<vmem>>
          %dma_wait3A_471 = arith.constant 0 : i32
          %dma_wait3A_472 = arith.constant 0 : i32
          %dma_wait3A_473 = arith.constant 0 : i32
          %dma_wait3A_474 = tpu.memref_slice %arg5[%add3A, %select_n3A_358, %dma_wait3A_471, %dma_wait3A_472, %dma_wait3A_473] : memref<32x25x5x3x80xi32, #tpu.memory_space<hbm>> -> memref<1x1x5x3x80xi32, #tpu.memory_space<hbm>>
          %dma_wait3A_475 = tpu.memref_squeeze %dma_wait3A_474 : memref<1x1x5x3x80xi32, #tpu.memory_space<hbm>> -> memref<5x3x80xi32, #tpu.memory_space<hbm>>
          %dma_wait3A_476 = arith.constant 0 : i32
          %dma_wait3A_477 = arith.constant 0 : i32
          %dma_wait3A_478 = arith.constant 0 : i32
          %dma_wait3A_479 = tpu.memref_slice %arg11[%select_n3A_465, %dma_wait3A_476, %dma_wait3A_477, %dma_wait3A_478] : memref<3x5x3x80xi32, #tpu.memory_space<vmem>> -> memref<1x5x3x80xi32, #tpu.memory_space<vmem>>
          %dma_wait3A_480 = tpu.memref_squeeze %dma_wait3A_479 : memref<1x5x3x80xi32, #tpu.memory_space<vmem>> -> memref<5x3x80xi32, #tpu.memory_space<vmem>>
          %dma_wait3A_481 = arith.constant 0 : i32
          %dma_wait3A_482 = arith.constant 0 : i32
          %dma_wait3A_483 = arith.constant 0 : i32
          %dma_wait3A_484 = tpu.memref_slice %arg5[%add3A, %select_n3A_358, %dma_wait3A_481, %dma_wait3A_482, %dma_wait3A_483] : memref<32x25x5x3x80xi32, #tpu.memory_space<hbm>> -> memref<1x1x5x3x80xi32, #tpu.memory_space<hbm>>
          %dma_wait3A_485 = tpu.memref_squeeze %dma_wait3A_484 : memref<1x1x5x3x80xi32, #tpu.memory_space<hbm>> -> memref<5x3x80xi32, #tpu.memory_space<hbm>>
          tpu.wait_dma2 semaphore(%arg17 : memref<!tpu.dma_semaphore, #tpu.memory_space<semaphore_mem>>) src(%dma_wait3A_485 : memref<5x3x80xi32, #tpu.memory_space<hbm>>) dst(%dma_wait3A_480 : memref<5x3x80xi32, #tpu.memory_space<vmem>>)
          %add3A_486 = arith.constant 1 : i32
          %add3A_487 = arith.addi %select_n3A_358, %add3A_486 : i32
          %lt3A_488 = arith.constant 25 : i32
          %lt3A_489 = arith.cmpi slt, %add3A_487, %lt3A_488 : i32
          %convert_element_type3A_490 = arith.extui %lt3A_489 : i1 to i32
          %cond3A_491 = arith.constant 0 : i32
          %cond3A_492 = arith.cmpi ne, %convert_element_type3A_490, %cond3A_491 : i32
          scf.if %cond3A_492 {
            %add3A_493 = arith.constant 1 : i32
            %add3A_494 = arith.addi %select_n3A_358, %add3A_493 : i32
            %add3A_495 = arith.constant 1 : i32
            %add3A_496 = arith.addi %select_n3A_358, %add3A_495 : i32
            %jit3A_497 = arith.constant 3 : i32
            %eq3A_498 = arith.constant 0 : i32
            %eq3A_499 = arith.cmpi eq, %jit3A_497, %eq3A_498 : i32
            %jit3A_500 = arith.constant 1 : i32
            %select_n3A_501 = arith.select %eq3A_499, %jit3A_500, %jit3A_497 : i32
            %rem3A_502 = arith.remsi %add3A_496, %select_n3A_501 : i32
            %ne3A_503 = arith.constant 0 : i32
            %ne3A_504 = arith.cmpi ne, %rem3A_502, %ne3A_503 : i32
            %lt3A_505 = arith.constant 0 : i32
            %lt3A_506 = arith.cmpi slt, %rem3A_502, %lt3A_505 : i32
            %lt3A_507 = arith.constant 0 : i32
            %lt3A_508 = arith.cmpi slt, %select_n3A_501, %lt3A_507 : i32
            %ne3A_509 = arith.xori %lt3A_506, %lt3A_508 : i1
            %and3A_510 = arith.andi %ne3A_509, %ne3A_504 : i1
            %add3A_511 = arith.addi %rem3A_502, %select_n3A_501 : i32
            %select_n3A_512 = arith.select %and3A_510, %add3A_511, %rem3A_502 : i32
            %dma_start3A_513 = arith.constant 0 : i32
            %dma_start3A_514 = arith.constant 0 : i32
            %dma_start3A_515 = arith.constant 0 : i32
            %dma_start3A_516 = tpu.memref_slice %arg11[%select_n3A_512, %dma_start3A_513, %dma_start3A_514, %dma_start3A_515] : memref<3x5x3x80xi32, #tpu.memory_space<vmem>> -> memref<1x5x3x80xi32, #tpu.memory_space<vmem>>
            %dma_start3A_517 = tpu.memref_squeeze %dma_start3A_516 : memref<1x5x3x80xi32, #tpu.memory_space<vmem>> -> memref<5x3x80xi32, #tpu.memory_space<vmem>>
            %dma_start3A_518 = arith.constant 0 : i32
            %dma_start3A_519 = arith.constant 0 : i32
            %dma_start3A_520 = arith.constant 0 : i32
            %dma_start3A_521 = tpu.memref_slice %arg5[%add3A, %add3A_494, %dma_start3A_518, %dma_start3A_519, %dma_start3A_520] : memref<32x25x5x3x80xi32, #tpu.memory_space<hbm>> -> memref<1x1x5x3x80xi32, #tpu.memory_space<hbm>>
            %dma_start3A_522 = tpu.memref_squeeze %dma_start3A_521 : memref<1x1x5x3x80xi32, #tpu.memory_space<hbm>> -> memref<5x3x80xi32, #tpu.memory_space<hbm>>
            %dma_start3A_523 = arith.constant 0 : i32
            %dma_start3A_524 = arith.constant 0 : i32
            %dma_start3A_525 = arith.constant 0 : i32
            %dma_start3A_526 = tpu.memref_slice %arg11[%select_n3A_512, %dma_start3A_523, %dma_start3A_524, %dma_start3A_525] : memref<3x5x3x80xi32, #tpu.memory_space<vmem>> -> memref<1x5x3x80xi32, #tpu.memory_space<vmem>>
            %dma_start3A_527 = tpu.memref_squeeze %dma_start3A_526 : memref<1x5x3x80xi32, #tpu.memory_space<vmem>> -> memref<5x3x80xi32, #tpu.memory_space<vmem>>
            %dma_start3A_528 = arith.constant 0 : i32
            %dma_start3A_529 = arith.constant 0 : i32
            %dma_start3A_530 = arith.constant 0 : i32
            %dma_start3A_531 = tpu.memref_slice %arg5[%add3A, %add3A_494, %dma_start3A_528, %dma_start3A_529, %dma_start3A_530] : memref<32x25x5x3x80xi32, #tpu.memory_space<hbm>> -> memref<1x1x5x3x80xi32, #tpu.memory_space<hbm>>
            %dma_start3A_532 = tpu.memref_squeeze %dma_start3A_531 : memref<1x1x5x3x80xi32, #tpu.memory_space<hbm>> -> memref<5x3x80xi32, #tpu.memory_space<hbm>>
            tpu.enqueue_dma source(%dma_start3A_532 : memref<5x3x80xi32, #tpu.memory_space<hbm>>) target(%dma_start3A_527 : memref<5x3x80xi32, #tpu.memory_space<vmem>>) target_semaphore(%arg17 : memref<!tpu.dma_semaphore, #tpu.memory_space<semaphore_mem>>)
          } else {
          }
        } else {
        }
        %jit3A_380 = arith.constant 5 : i32
        %div3A_381 = arith.divsi %add3A_319, %jit3A_380 : i32
        %sign3A_382 = arith.constant 0 : i32
        %sign3A_383 = arith.cmpi sgt, %add3A_319, %sign3A_382 : i32
        %sign3A_384 = arith.extui %sign3A_383 : i1 to i32
        %sign3A_385 = arith.constant 0 : i32
        %sign3A_386 = arith.cmpi slt, %add3A_319, %sign3A_385 : i32
        %sign3A_387 = arith.extui %sign3A_386 : i1 to i32
        %sign3A_388 = arith.subi %sign3A_384, %sign3A_387 : i32
        %sign3A_389 = arith.constant 0 : i32
        %sign3A_390 = arith.cmpi sgt, %jit3A_380, %sign3A_389 : i32
        %sign3A_391 = arith.extui %sign3A_390 : i1 to i32
        %sign3A_392 = arith.constant 0 : i32
        %sign3A_393 = arith.cmpi slt, %jit3A_380, %sign3A_392 : i32
        %sign3A_394 = arith.extui %sign3A_393 : i1 to i32
        %sign3A_395 = arith.subi %sign3A_391, %sign3A_394 : i32
        %ne3A_396 = arith.cmpi ne, %sign3A_388, %sign3A_395 : i32
        %rem3A_397 = arith.remsi %add3A_319, %jit3A_380 : i32
        %ne3A_398 = arith.constant 0 : i32
        %ne3A_399 = arith.cmpi ne, %rem3A_397, %ne3A_398 : i32
        %and3A_400 = arith.andi %ne3A_396, %ne3A_399 : i1
        %sub3A_401 = arith.constant 1 : i32
        %sub3A_402 = arith.subi %div3A_381, %sub3A_401 : i32
        %select_n3A_403 = arith.select %and3A_400, %sub3A_402, %div3A_381 : i32
        %jit3A_404 = arith.constant 3 : i32
        %eq3A_405 = arith.constant 0 : i32
        %eq3A_406 = arith.cmpi eq, %jit3A_404, %eq3A_405 : i32
        %jit3A_407 = arith.constant 1 : i32
        %select_n3A_408 = arith.select %eq3A_406, %jit3A_407, %jit3A_404 : i32
        %rem3A_409 = arith.remsi %select_n3A_403, %select_n3A_408 : i32
        %ne3A_410 = arith.constant 0 : i32
        %ne3A_411 = arith.cmpi ne, %rem3A_409, %ne3A_410 : i32
        %lt3A_412 = arith.constant 0 : i32
        %lt3A_413 = arith.cmpi slt, %rem3A_409, %lt3A_412 : i32
        %lt3A_414 = arith.constant 0 : i32
        %lt3A_415 = arith.cmpi slt, %select_n3A_408, %lt3A_414 : i32
        %ne3A_416 = arith.xori %lt3A_413, %lt3A_415 : i1
        %and3A_417 = arith.andi %ne3A_416, %ne3A_411 : i1
        %add3A_418 = arith.addi %rem3A_409, %select_n3A_408 : i32
        %select_n3A_419 = arith.select %and3A_417, %add3A_418, %rem3A_409 : i32
        %jit3A_420 = arith.constant 5 : i32
        %eq3A_421 = arith.constant 0 : i32
        %eq3A_422 = arith.cmpi eq, %jit3A_420, %eq3A_421 : i32
        %jit3A_423 = arith.constant 1 : i32
        %select_n3A_424 = arith.select %eq3A_422, %jit3A_423, %jit3A_420 : i32
        %rem3A_425 = arith.remsi %add3A_319, %select_n3A_424 : i32
        %ne3A_426 = arith.constant 0 : i32
        %ne3A_427 = arith.cmpi ne, %rem3A_425, %ne3A_426 : i32
        %lt3A_428 = arith.constant 0 : i32
        %lt3A_429 = arith.cmpi slt, %rem3A_425, %lt3A_428 : i32
        %lt3A_430 = arith.constant 0 : i32
        %lt3A_431 = arith.cmpi slt, %select_n3A_424, %lt3A_430 : i32
        %ne3A_432 = arith.xori %lt3A_429, %lt3A_431 : i1
        %and3A_433 = arith.andi %ne3A_432, %ne3A_427 : i1
        %add3A_434 = arith.addi %rem3A_425, %select_n3A_424 : i32
        %select_n3A_435 = arith.select %and3A_433, %add3A_434, %rem3A_425 : i32
        %dma_start3A_436 = arith.constant 0 : i32
        %dma_start3A_437 = arith.constant 0 : i32
        %dma_start3A_438 = tpu.memref_slice %arg11[%select_n3A_419, %select_n3A_435, %dma_start3A_436, %dma_start3A_437] : memref<3x5x3x80xi32, #tpu.memory_space<vmem>> -> memref<1x1x1x80xi32, #tpu.memory_space<vmem>>
        %dma_start3A_439 = tpu.memref_squeeze %dma_start3A_438 : memref<1x1x1x80xi32, #tpu.memory_space<vmem>> -> memref<80xi32, #tpu.memory_space<vmem>>
        %dma_start3A_440 = arith.constant 0 : i32
        %dma_start3A_441 = arith.constant 0 : i32
        %dma_start3A_442 = tpu.memref_slice %arg2[%dma_start3A_440, %dma_start3A_441] : memref<10000x144xf32, #tpu.memory_space<hbm>> -> memref<10000x144xf32, #tpu.memory_space<hbm>>
        tpu.enqueue_indirect_dma source(%dma_start3A_442 : memref<10000x144xf32, #tpu.memory_space<hbm>>) target(%arg8 : memref<80x144xf32, #tpu.memory_space<vmem>>) offsets(%dma_start3A_439 : memref<80xi32, #tpu.memory_space<vmem>>) semaphore(%arg13 : memref<!tpu.dma_semaphore, #tpu.memory_space<semaphore_mem>>)
        %dma_start3A_443 = arith.constant 2 : i32
        %dma_start3A_444 = arith.constant 0 : i32
        %dma_start3A_445 = tpu.memref_slice %arg11[%select_n3A_419, %select_n3A_435, %dma_start3A_443, %dma_start3A_444] : memref<3x5x3x80xi32, #tpu.memory_space<vmem>> -> memref<1x1x1x80xi32, #tpu.memory_space<vmem>>
        %dma_start3A_446 = tpu.memref_squeeze %dma_start3A_445 : memref<1x1x1x80xi32, #tpu.memory_space<vmem>> -> memref<80xi32, #tpu.memory_space<vmem>>
        %dma_start3A_447 = arith.constant 0 : i32
        %dma_start3A_448 = arith.constant 0 : i32
        %dma_start3A_449 = tpu.memref_slice %arg4[%dma_start3A_447, %dma_start3A_448] : memref<10000x128xf32, #tpu.memory_space<hbm>> -> memref<10000x128xf32, #tpu.memory_space<hbm>>
        tpu.enqueue_indirect_dma source(%dma_start3A_449 : memref<10000x128xf32, #tpu.memory_space<hbm>>) target(%arg10 : memref<80x128xf32, #tpu.memory_space<vmem>>) offsets(%dma_start3A_446 : memref<80xi32, #tpu.memory_space<vmem>>) semaphore(%arg15 : memref<!tpu.dma_semaphore, #tpu.memory_space<semaphore_mem>>)
      } else {
      }
      %dma_wait3A_323 = arith.constant 0 : i32
      %dma_wait3A_324 = arith.constant 0 : i32
      %dma_wait3A_325 = tpu.memref_slice %arg11[%select_n3A_115, %select_n3A_131, %dma_wait3A_323, %dma_wait3A_324] : memref<3x5x3x80xi32, #tpu.memory_space<vmem>> -> memref<1x1x1x80xi32, #tpu.memory_space<vmem>>
      %dma_wait3A_326 = tpu.memref_squeeze %dma_wait3A_325 : memref<1x1x1x80xi32, #tpu.memory_space<vmem>> -> memref<80xi32, #tpu.memory_space<vmem>>
      %dma_wait3A_327 = arith.constant 0 : i32
      %dma_wait3A_328 = arith.constant 0 : i32
      %dma_wait3A_329 = tpu.memref_slice %arg7[%dma_wait3A_327, %dma_wait3A_328] : memref<10240x144xf32, #tpu.memory_space<vmem_shared>> -> memref<10240x144xf32, #tpu.memory_space<vmem_shared>>
      tpu.wait_indirect_dma semaphore(%arg16 : memref<!tpu.dma_semaphore, #tpu.memory_space<semaphore_mem>>) src(%arg9 : memref<80x144xf32, #tpu.memory_space<vmem>>) dst(%dma_wait3A_329 : memref<10240x144xf32, #tpu.memory_space<vmem_shared>>)
      %lt3A_330 = arith.constant 125 : i32
      %lt3A_331 = arith.cmpi slt, %add3A_319, %lt3A_330 : i32
      %convert_element_type3A_332 = arith.extui %lt3A_331 : i1 to i32
      %cond3A_333 = arith.constant 0 : i32
      %cond3A_334 = arith.cmpi ne, %convert_element_type3A_332, %cond3A_333 : i32
      scf.if %cond3A_334 {
        %jit3A_335 = arith.constant 5 : i32
        %div3A_336 = arith.divsi %add3A_319, %jit3A_335 : i32
        %sign3A_337 = arith.constant 0 : i32
        %sign3A_338 = arith.cmpi sgt, %add3A_319, %sign3A_337 : i32
        %sign3A_339 = arith.extui %sign3A_338 : i1 to i32
        %sign3A_340 = arith.constant 0 : i32
        %sign3A_341 = arith.cmpi slt, %add3A_319, %sign3A_340 : i32
        %sign3A_342 = arith.extui %sign3A_341 : i1 to i32
        %sign3A_343 = arith.subi %sign3A_339, %sign3A_342 : i32
        %sign3A_344 = arith.constant 0 : i32
        %sign3A_345 = arith.cmpi sgt, %jit3A_335, %sign3A_344 : i32
        %sign3A_346 = arith.extui %sign3A_345 : i1 to i32
        %sign3A_347 = arith.constant 0 : i32
        %sign3A_348 = arith.cmpi slt, %jit3A_335, %sign3A_347 : i32
        %sign3A_349 = arith.extui %sign3A_348 : i1 to i32
        %sign3A_350 = arith.subi %sign3A_346, %sign3A_349 : i32
        %ne3A_351 = arith.cmpi ne, %sign3A_343, %sign3A_350 : i32
        %rem3A_352 = arith.remsi %add3A_319, %jit3A_335 : i32
        %ne3A_353 = arith.constant 0 : i32
        %ne3A_354 = arith.cmpi ne, %rem3A_352, %ne3A_353 : i32
        %and3A_355 = arith.andi %ne3A_351, %ne3A_354 : i1
        %sub3A_356 = arith.constant 1 : i32
        %sub3A_357 = arith.subi %div3A_336, %sub3A_356 : i32
        %select_n3A_358 = arith.select %and3A_355, %sub3A_357, %div3A_336 : i32
        %jit3A_359 = arith.constant 3 : i32
        %eq3A_360 = arith.constant 0 : i32
        %eq3A_361 = arith.cmpi eq, %jit3A_359, %eq3A_360 : i32
        %jit3A_362 = arith.constant 1 : i32
        %select_n3A_363 = arith.select %eq3A_361, %jit3A_362, %jit3A_359 : i32
        %rem3A_364 = arith.remsi %select_n3A_358, %select_n3A_363 : i32
        %ne3A_365 = arith.constant 0 : i32
        %ne3A_366 = arith.cmpi ne, %rem3A_364, %ne3A_365 : i32
        %lt3A_367 = arith.constant 0 : i32
        %lt3A_368 = arith.cmpi slt, %rem3A_364, %lt3A_367 : i32
        %lt3A_369 = arith.constant 0 : i32
        %lt3A_370 = arith.cmpi slt, %select_n3A_363, %lt3A_369 : i32
        %ne3A_371 = arith.xori %lt3A_368, %lt3A_370 : i1
        %and3A_372 = arith.andi %ne3A_371, %ne3A_366 : i1
        %add3A_373 = arith.addi %rem3A_364, %select_n3A_363 : i32
        %select_n3A_374 = arith.select %and3A_372, %add3A_373, %rem3A_364 : i32
        %jit3A_375 = arith.constant 5 : i32
        %eq3A_376 = arith.constant 0 : i32
        %eq3A_377 = arith.cmpi eq, %jit3A_375, %eq3A_376 : i32
        %jit3A_378 = arith.constant 1 : i32
        %select_n3A_379 = arith.select %eq3A_377, %jit3A_378, %jit3A_375 : i32
        %rem3A_380 = arith.remsi %add3A_319, %select_n3A_379 : i32
        %ne3A_381 = arith.constant 0 : i32
        %ne3A_382 = arith.cmpi ne, %rem3A_380, %ne3A_381 : i32
        %lt3A_383 = arith.constant 0 : i32
        %lt3A_384 = arith.cmpi slt, %rem3A_380, %lt3A_383 : i32
        %lt3A_385 = arith.constant 0 : i32
        %lt3A_386 = arith.cmpi slt, %select_n3A_379, %lt3A_385 : i32
        %ne3A_387 = arith.xori %lt3A_384, %lt3A_386 : i1
        %and3A_388 = arith.andi %ne3A_387, %ne3A_382 : i1
        %add3A_389 = arith.addi %rem3A_380, %select_n3A_379 : i32
        %select_n3A_390 = arith.select %and3A_388, %add3A_389, %rem3A_380 : i32
        %dma_start3A_391 = arith.constant 1 : i32
        %dma_start3A_392 = arith.constant 0 : i32
        %dma_start3A_393 = tpu.memref_slice %arg11[%select_n3A_374, %select_n3A_390, %dma_start3A_391, %dma_start3A_392] : memref<3x5x3x80xi32, #tpu.memory_space<vmem>> -> memref<1x1x1x80xi32, #tpu.memory_space<vmem>>
        %dma_start3A_394 = tpu.memref_squeeze %dma_start3A_393 : memref<1x1x1x80xi32, #tpu.memory_space<vmem>> -> memref<80xi32, #tpu.memory_space<vmem>>
        %dma_start3A_395 = arith.constant 0 : i32
        %dma_start3A_396 = arith.constant 0 : i32
        %dma_start3A_397 = tpu.memref_slice %arg3[%dma_start3A_395, %dma_start3A_396] : memref<10000x144xf32, #tpu.memory_space<hbm>> -> memref<10000x144xf32, #tpu.memory_space<hbm>>
        tpu.enqueue_indirect_dma source(%dma_start3A_397 : memref<10000x144xf32, #tpu.memory_space<hbm>>) target(%arg9 : memref<80x144xf32, #tpu.memory_space<vmem>>) offsets(%dma_start3A_394 : memref<80xi32, #tpu.memory_space<vmem>>) semaphore(%arg14 : memref<!tpu.dma_semaphore, #tpu.memory_space<semaphore_mem>>)
      } else {
      }
    }
    %scan3A_83 = arith.constant 125 : i32
    %barrier3A_84 = arith.constant 0 : index
    tpu.barrier barrier_id(%barrier3A_84)
    "tpu.region"() ({
      %run_scoped3A_85 = tpu.sem_alloc : memref<!tpu.dma_semaphore, #tpu.memory_space<semaphore_mem>>
      %dma_start3A_86 = arith.constant 0 : i32
      %dma_start3A_87 = tpu.memref_slice %arg6[%arg0, %mul3A_12, %dma_start3A_86] : memref<2x10240x144xf32, #tpu.memory_space<hbm>> -> memref<1x640x144xf32, #tpu.memory_space<hbm>>
      %dma_start3A_88 = tpu.memref_squeeze %dma_start3A_87 : memref<1x640x144xf32, #tpu.memory_space<hbm>> -> memref<640x144xf32, #tpu.memory_space<hbm>>
      %dma_start3A_89 = arith.constant 0 : i32
      %dma_start3A_90 = tpu.memref_slice %arg7[%mul3A_12, %dma_start3A_89] : memref<10240x144xf32, #tpu.memory_space<vmem_shared>> -> memref<640x144xf32, #tpu.memory_space<vmem_shared>>
      tpu.enqueue_dma source(%dma_start3A_90 : memref<640x144xf32, #tpu.memory_space<vmem_shared>>) target(%dma_start3A_88 : memref<640x144xf32, #tpu.memory_space<hbm>>) target_semaphore(%run_scoped3A_85 : memref<!tpu.dma_semaphore, #tpu.memory_space<semaphore_mem>>)
      %dma_wait3A = arith.constant 0 : i32
      %dma_wait3A_91 = tpu.memref_slice %arg6[%arg0, %mul3A_12, %dma_wait3A] : memref<2x10240x144xf32, #tpu.memory_space<hbm>> -> memref<1x640x144xf32, #tpu.memory_space<hbm>>
      %dma_wait3A_92 = tpu.memref_squeeze %dma_wait3A_91 : memref<1x640x144xf32, #tpu.memory_space<hbm>> -> memref<640x144xf32, #tpu.memory_space<hbm>>
      %dma_wait3A_93 = arith.constant 0 : i32
      %dma_wait3A_94 = tpu.memref_slice %arg7[%mul3A_12, %dma_wait3A_93] : memref<10240x144xf32, #tpu.memory_space<vmem_shared>> -> memref<640x144xf32, #tpu.memory_space<vmem_shared>>
      tpu.wait_dma2 semaphore(%run_scoped3A_85 : memref<!tpu.dma_semaphore, #tpu.memory_space<semaphore_mem>>) src(%dma_wait3A_94 : memref<640x144xf32, #tpu.memory_space<vmem_shared>>) dst(%dma_wait3A_92 : memref<640x144xf32, #tpu.memory_space<hbm>>)
      tpu.yield
    }) : () -> ()
    return
  }
}

module attributes {stable_mosaic.version = 14 : i64} {
  func.func @_prep_body(%arg0: memref<10000x128xf32, #tpu.memory_space<vmem>>, %arg1: memref<10000x128xf32, #tpu.memory_space<vmem>>, %arg2: memref<10000x128xf32, #tpu.memory_space<vmem>>, %arg3: memref<128x128xf32, #tpu.memory_space<vmem>>, %arg4: memref<128xf32, #tpu.memory_space<vmem>>, %arg5: memref<128x128xf32, #tpu.memory_space<vmem>>, %arg6: memref<128x128xf32, #tpu.memory_space<vmem>>, %arg7: memref<256x1xf32, #tpu.memory_space<vmem>>, %arg8: memref<10000x144xf32, #tpu.memory_space<vmem>>, %arg9: memref<10000x144xf32, #tpu.memory_space<vmem>>, %arg10: memref<10000x128xf32, #tpu.memory_space<vmem>>) attributes {dimension_semantics = [], scalar_prefetch = 0 : i64, scratch_operands = 0 : i64, tpu.core_type = #tpu.core_type<tc>} {
    %get3A = arith.constant 0 : index
    %get3A_0 = arith.constant 0 : index
    %get3A_1 = vector.load %arg3[%get3A, %get3A_0] : memref<128x128xf32, #tpu.memory_space<vmem>>, vector<128x128xf32>
    %reduce_sum3A = arith.constant dense<0.000000e+00> : vector<128xf32>
    %reduce_sum3A_2 = vector.multi_reduction <add>, %get3A_1, %reduce_sum3A [1] : vector<128x128xf32> to vector<128xf32>
    %get3A_3 = arith.constant 0 : index
    %get3A_4 = arith.constant 0 : index
    %get3A_5 = vector.load %arg2[%get3A_3, %get3A_4] : memref<10000x128xf32, #tpu.memory_space<vmem>>, vector<10000x128xf32>
    %broadcast_in_dim3A = vector.shape_cast %reduce_sum3A_2 : vector<128xf32> to vector<1x128xf32>
    %mul3A = vector.broadcast %broadcast_in_dim3A : vector<1x128xf32> to vector<10000x128xf32>
    %mul3A_6 = arith.mulf %get3A_5, %mul3A : vector<10000x128xf32>
    %swap3A = arith.constant 0 : index
    %swap3A_7 = arith.constant 0 : index
    %swap3A_8 = vector.load %arg10[%swap3A, %swap3A_7] : memref<10000x128xf32, #tpu.memory_space<vmem>>, vector<10000x128xf32>
    tpu.vector_store %arg10[%swap3A, %swap3A_7], %mul3A_6 {strides = array<i32>} : memref<10000x128xf32, #tpu.memory_space<vmem>>, vector<10000x128xf32>,
    %get3A_9 = arith.constant 0 : index
    %get3A_10 = arith.constant 0 : index
    %get3A_11 = vector.load %arg7[%get3A_9, %get3A_10] : memref<256x1xf32, #tpu.memory_space<vmem>>, vector<256x1xf32>
    %get3A_12 = arith.constant 0 : index
    %get3A_13 = arith.constant 0 : index
    %get3A_14 = vector.load %arg5[%get3A_12, %get3A_13] : memref<128x128xf32, #tpu.memory_space<vmem>>, vector<128x128xf32>
    %slice3A = vector.extract_strided_slice %get3A_11 {offsets = [0, 0], sizes = [128, 1], strides = [1, 1]} : vector<256x1xf32> to vector<128x1xf32>
    %dot_general3A = arith.constant dense<0.000000e+00> : vector<128x1xf32>
    %dot_general3A_15 = tpu.matmul %get3A_14, %slice3A, %dot_general3A {dimension_numbers = #tpu.dot_dimension_numbers<[1], [0], [0], [1], [0, 0, 1, 1], [], []>, transpose_lhs_hint = false} : vector<128x128xf32>, vector<128x1xf32>, vector<128x1xf32> -> vector<128x1xf32>
    %get3A_16 = arith.constant 0 : index
    %get3A_17 = arith.constant 0 : index
    %get3A_18 = vector.load %arg6[%get3A_16, %get3A_17] : memref<128x128xf32, #tpu.memory_space<vmem>>, vector<128x128xf32>
    %slice3A_19 = vector.extract_strided_slice %get3A_11 {offsets = [128, 0], sizes = [128, 1], strides = [1, 1]} : vector<256x1xf32> to vector<128x1xf32>
    %dot_general3A_20 = arith.constant dense<0.000000e+00> : vector<128x1xf32>
    %dot_general3A_21 = tpu.matmul %get3A_18, %slice3A_19, %dot_general3A_20 {dimension_numbers = #tpu.dot_dimension_numbers<[1], [0], [0], [1], [0, 0, 1, 1], [], []>, transpose_lhs_hint = false} : vector<128x128xf32>, vector<128x1xf32>, vector<128x1xf32> -> vector<128x1xf32>
    %get3A_22 = arith.constant 0 : index
    %get3A_23 = arith.constant 0 : index
    %get3A_24 = vector.load %arg0[%get3A_22, %get3A_23] : memref<10000x128xf32, #tpu.memory_space<vmem>>, vector<10000x128xf32>
    %dot_general3A_25 = arith.constant dense<0.000000e+00> : vector<10000x1xf32>
    %dot_general3A_26 = tpu.matmul %get3A_24, %dot_general3A_15, %dot_general3A_25 {dimension_numbers = #tpu.dot_dimension_numbers<[1], [0], [0], [1], [0, 0, 1, 1], [], []>, transpose_lhs_hint = false} : vector<10000x128xf32>, vector<128x1xf32>, vector<10000x1xf32> -> vector<10000x1xf32>
    %get3A_27 = arith.constant 0 : index
    %get3A_28 = arith.constant 0 : index
    %get3A_29 = vector.load %arg1[%get3A_27, %get3A_28] : memref<10000x128xf32, #tpu.memory_space<vmem>>, vector<10000x128xf32>
    %dot_general3A_30 = arith.constant dense<0.000000e+00> : vector<10000x1xf32>
    %dot_general3A_31 = tpu.matmul %get3A_29, %dot_general3A_21, %dot_general3A_30 {dimension_numbers = #tpu.dot_dimension_numbers<[1], [0], [0], [1], [0, 0, 1, 1], [], []>, transpose_lhs_hint = false} : vector<10000x128xf32>, vector<128x1xf32>, vector<10000x1xf32> -> vector<10000x1xf32>
    %get3A_32 = arith.constant 0 : index
    %get3A_33 = vector.load %arg4[%get3A_32] : memref<128xf32, #tpu.memory_space<vmem>>, vector<128xf32>
    %reduce_sum3A_34 = vector.shape_cast %get3A_33 : vector<128xf32> to vector<1x128xf32>
    %reduce_sum3A_35 = arith.constant dense<0.000000e+00> : vector<1xf32>
    %reduce_sum3A_36 = vector.multi_reduction <add>, %reduce_sum3A_34, %reduce_sum3A_35 [1] : vector<1x128xf32> to vector<1xf32>
    %reduce_sum3A_37 = vector.shape_cast %reduce_sum3A_36 : vector<1xf32> to vector<1x1xf32>
    %reduce_sum3A_38 = vector.extract %reduce_sum3A_37[0, 0] : f32 from vector<1x1xf32>
    %iota3A = tpu.iota {dimensions = array<i32: 1>} : vector<10000x16xi32>
    %eq3A = arith.constant 0 : i32
    %eq3A_39 = vector.broadcast %eq3A : i32 to vector<10000x16xi32>
    %eq3A_40 = arith.cmpi eq, %iota3A, %eq3A_39 : vector<10000x16xi32>
    %jit3A = arith.constant 0.000000e+00 : f32
    %broadcast_in_dim3A_41 = vector.shape_cast %dot_general3A_26 : vector<10000x1xf32> to vector<10000x1xf32>
    %broadcast_in_dim3A_42 = vector.broadcast %broadcast_in_dim3A_41 : vector<10000x1xf32> to vector<10000x16xf32>
    %broadcast_in_dim3A_43 = vector.broadcast %jit3A : f32 to vector<10000x16xf32>
    %select_n3A = arith.select %eq3A_40, %broadcast_in_dim3A_42, %broadcast_in_dim3A_43 : vector<10000x16xi1>, vector<10000x16xf32>
    %eq3A_44 = arith.constant 1 : i32
    %eq3A_45 = vector.broadcast %eq3A_44 : i32 to vector<10000x16xi32>
    %eq3A_46 = arith.cmpi eq, %iota3A, %eq3A_45 : vector<10000x16xi32>
    %jit3A_47 = arith.constant 0.000000e+00 : f32
    %broadcast_in_dim3A_48 = vector.broadcast %reduce_sum3A_38 : f32 to vector<10000x16xf32>
    %broadcast_in_dim3A_49 = vector.broadcast %jit3A_47 : f32 to vector<10000x16xf32>
    %select_n3A_50 = arith.select %eq3A_46, %broadcast_in_dim3A_48, %broadcast_in_dim3A_49 : vector<10000x16xi1>, vector<10000x16xf32>
    %add3A = arith.addf %select_n3A, %select_n3A_50 : vector<10000x16xf32>
    %eq3A_51 = arith.constant 0 : i32
    %eq3A_52 = vector.broadcast %eq3A_51 : i32 to vector<10000x16xi32>
    %eq3A_53 = arith.cmpi eq, %iota3A, %eq3A_52 : vector<10000x16xi32>
    %jit3A_54 = arith.constant 0.000000e+00 : f32
    %broadcast_in_dim3A_55 = vector.shape_cast %dot_general3A_31 : vector<10000x1xf32> to vector<10000x1xf32>
    %broadcast_in_dim3A_56 = vector.broadcast %broadcast_in_dim3A_55 : vector<10000x1xf32> to vector<10000x16xf32>
    %broadcast_in_dim3A_57 = vector.broadcast %jit3A_54 : f32 to vector<10000x16xf32>
    %select_n3A_58 = arith.select %eq3A_53, %broadcast_in_dim3A_56, %broadcast_in_dim3A_57 : vector<10000x16xi1>, vector<10000x16xf32>
    %get3A_59 = arith.constant 0 : index
    %get3A_60 = arith.constant 0 : index
    %get3A_61 = vector.load %arg0[%get3A_59, %get3A_60] : memref<10000x128xf32, #tpu.memory_space<vmem>>, vector<10000x128xf32>
    %swap3A_62 = arith.constant 0 : index
    %swap3A_63 = arith.constant 0 : index
    %swap3A_64 = vector.load %arg8[%swap3A_62, %swap3A_63] : memref<10000x144xf32, #tpu.memory_space<vmem>>, vector<10000x128xf32>
    tpu.vector_store %arg8[%swap3A_62, %swap3A_63], %get3A_61 {strides = array<i32>} : memref<10000x144xf32, #tpu.memory_space<vmem>>, vector<10000x128xf32>,
    %swap3A_65 = arith.constant 0 : index
    %swap3A_66 = arith.constant 128 : index
    %swap3A_67 = vector.load %arg8[%swap3A_65, %swap3A_66] : memref<10000x144xf32, #tpu.memory_space<vmem>>, vector<10000x16xf32>
    tpu.vector_store %arg8[%swap3A_65, %swap3A_66], %add3A {strides = array<i32>} : memref<10000x144xf32, #tpu.memory_space<vmem>>, vector<10000x16xf32>,
    %get3A_68 = arith.constant 0 : index
    %get3A_69 = arith.constant 0 : index
    %get3A_70 = vector.load %arg1[%get3A_68, %get3A_69] : memref<10000x128xf32, #tpu.memory_space<vmem>>, vector<10000x128xf32>
    %swap3A_71 = arith.constant 0 : index
    %swap3A_72 = arith.constant 0 : index
    %swap3A_73 = vector.load %arg9[%swap3A_71, %swap3A_72] : memref<10000x144xf32, #tpu.memory_space<vmem>>, vector<10000x128xf32>
    tpu.vector_store %arg9[%swap3A_71, %swap3A_72], %get3A_70 {strides = array<i32>} : memref<10000x144xf32, #tpu.memory_space<vmem>>, vector<10000x128xf32>,
    %swap3A_74 = arith.constant 0 : index
    %swap3A_75 = arith.constant 128 : index
    %swap3A_76 = vector.load %arg9[%swap3A_74, %swap3A_75] : memref<10000x144xf32, #tpu.memory_space<vmem>>, vector<10000x16xf32>
    tpu.vector_store %arg9[%swap3A_74, %swap3A_75], %select_n3A_58 {strides = array<i32>} : memref<10000x144xf32, #tpu.memory_space<vmem>>, vector<10000x16xf32>,
    return
  }
}

module attributes {stable_mosaic.version = 14 : i64} {
  func.func @_finish_body(%arg0: memref<2x10240x144xf32, #tpu.memory_space<vmem>>, %arg1: memref<10000x128xf32, #tpu.memory_space<vmem>>, %arg2: memref<256x128xf32, #tpu.memory_space<vmem>>, %arg3: memref<128xf32, #tpu.memory_space<vmem>>, %arg4: memref<128xf32, #tpu.memory_space<vmem>>, %arg5: memref<128xf32, #tpu.memory_space<vmem>>, %arg6: memref<10000x128xf32, #tpu.memory_space<vmem>>) attributes {dimension_semantics = [], scalar_prefetch = 0 : i64, scratch_operands = 0 : i64, tpu.core_type = #tpu.core_type<tc>} {
    %get3A = arith.constant 0 : index
    %get3A_0 = arith.constant 0 : index
    %get3A_1 = arith.constant 0 : index
    %get3A_2 = vector.load %arg0[%get3A, %get3A_0, %get3A_1] : memref<2x10240x144xf32, #tpu.memory_space<vmem>>, vector<1x10000x144xf32>
    %get3A_3 = vector.shape_cast %get3A_2 : vector<1x10000x144xf32> to vector<10000x144xf32>
    %get3A_4 = arith.constant 1 : index
    %get3A_5 = arith.constant 0 : index
    %get3A_6 = arith.constant 0 : index
    %get3A_7 = vector.load %arg0[%get3A_4, %get3A_5, %get3A_6] : memref<2x10240x144xf32, #tpu.memory_space<vmem>>, vector<1x10000x144xf32>
    %get3A_8 = vector.shape_cast %get3A_7 : vector<1x10000x144xf32> to vector<10000x144xf32>
    %add3A = arith.addf %get3A_3, %get3A_8 : vector<10000x144xf32>
    %slice3A = vector.extract_strided_slice %add3A {offsets = [0, 128], sizes = [10000, 1], strides = [1, 1]} : vector<10000x144xf32> to vector<10000x1xf32>
    %slice3A_9 = vector.extract_strided_slice %add3A {offsets = [0, 0], sizes = [10000, 128], strides = [1, 1]} : vector<10000x144xf32> to vector<10000x128xf32>
    %eq3A = arith.constant 0.000000e+00 : f32
    %eq3A_10 = vector.broadcast %eq3A : f32 to vector<10000x1xf32>
    %eq3A_11 = arith.cmpf oeq, %slice3A, %eq3A_10 : vector<10000x1xf32>
    %jit3A = arith.constant 1.000000e+00 : f32
    %broadcast_in_dim3A = vector.broadcast %jit3A : f32 to vector<10000x1xf32>
    %select_n3A = arith.select %eq3A_11, %broadcast_in_dim3A, %slice3A : vector<10000x1xi1>, vector<10000x1xf32>
    %div3A = vector.broadcast %select_n3A : vector<10000x1xf32> to vector<10000x128xf32>
    %div3A_12 = arith.divf %slice3A_9, %div3A : vector<10000x128xf32>
    %get3A_13 = arith.constant 0 : index
    %get3A_14 = arith.constant 0 : index
    %get3A_15 = vector.load %arg1[%get3A_13, %get3A_14] : memref<10000x128xf32, #tpu.memory_space<vmem>>, vector<10000x128xf32>
    %get3A_16 = arith.constant 0 : index
    %get3A_17 = arith.constant 0 : index
    %get3A_18 = vector.load %arg2[%get3A_16, %get3A_17] : memref<256x128xf32, #tpu.memory_space<vmem>>, vector<128x128xf32>
    %dot_general3A = arith.constant dense<0.000000e+00> : vector<10000x128xf32>
    %dot_general3A_19 = tpu.matmul %get3A_15, %get3A_18, %dot_general3A {dimension_numbers = #tpu.dot_dimension_numbers<[1], [0], [0], [1], [0, 0, 1, 1], [], []>, transpose_lhs_hint = false} : vector<10000x128xf32>, vector<128x128xf32>, vector<10000x128xf32> -> vector<10000x128xf32>
    %get3A_20 = arith.constant 128 : index
    %get3A_21 = arith.constant 0 : index
    %get3A_22 = vector.load %arg2[%get3A_20, %get3A_21] : memref<256x128xf32, #tpu.memory_space<vmem>>, vector<128x128xf32>
    %dot_general3A_23 = arith.constant dense<0.000000e+00> : vector<10000x128xf32>
    %dot_general3A_24 = tpu.matmul %div3A_12, %get3A_22, %dot_general3A_23 {dimension_numbers = #tpu.dot_dimension_numbers<[1], [0], [0], [1], [0, 0, 1, 1], [], []>, transpose_lhs_hint = false} : vector<10000x128xf32>, vector<128x128xf32>, vector<10000x128xf32> -> vector<10000x128xf32>
    %add3A_25 = arith.addf %dot_general3A_19, %dot_general3A_24 : vector<10000x128xf32>
    %get3A_26 = arith.constant 0 : index
    %get3A_27 = vector.load %arg3[%get3A_26] : memref<128xf32, #tpu.memory_space<vmem>>, vector<128xf32>
    %broadcast_in_dim3A_28 = vector.shape_cast %get3A_27 : vector<128xf32> to vector<1x128xf32>
    %add3A_29 = vector.broadcast %broadcast_in_dim3A_28 : vector<1x128xf32> to vector<10000x128xf32>
    %add3A_30 = arith.addf %add3A_25, %add3A_29 : vector<10000x128xf32>
    %reduce_sum3A = arith.constant dense<0.000000e+00> : vector<128xf32>
    %reduce_sum3A_31 = vector.multi_reduction <add>, %add3A_30, %reduce_sum3A [0] : vector<10000x128xf32> to vector<128xf32>
    %broadcast_in_dim3A_32 = vector.shape_cast %reduce_sum3A_31 : vector<128xf32> to vector<1x128xf32>
    %div3A_33 = arith.constant 1.000000e+04 : f32
    %div3A_34 = vector.broadcast %div3A_33 : f32 to vector<1x128xf32>
    %div3A_35 = arith.divf %broadcast_in_dim3A_32, %div3A_34 : vector<1x128xf32>
    %sub3A = vector.broadcast %div3A_35 : vector<1x128xf32> to vector<10000x128xf32>
    %sub3A_36 = arith.subf %add3A_30, %sub3A : vector<10000x128xf32>
    %integer_pow3A = arith.mulf %sub3A_36, %sub3A_36 : vector<10000x128xf32>
    %reduce_sum3A_37 = arith.constant dense<0.000000e+00> : vector<128xf32>
    %reduce_sum3A_38 = vector.multi_reduction <add>, %integer_pow3A, %reduce_sum3A_37 [0] : vector<10000x128xf32> to vector<128xf32>
    %broadcast_in_dim3A_39 = vector.shape_cast %reduce_sum3A_38 : vector<128xf32> to vector<1x128xf32>
    %div3A_40 = arith.constant 1.000000e+04 : f32
    %div3A_41 = vector.broadcast %div3A_40 : f32 to vector<1x128xf32>
    %div3A_42 = arith.divf %broadcast_in_dim3A_39, %div3A_41 : vector<1x128xf32>
    %get3A_43 = arith.constant 0 : index
    %get3A_44 = vector.load %arg4[%get3A_43] : memref<128xf32, #tpu.memory_space<vmem>>, vector<128xf32>
    %broadcast_in_dim3A_45 = vector.shape_cast %get3A_44 : vector<128xf32> to vector<1x128xf32>
    %sub3A_46 = vector.broadcast %div3A_35 : vector<1x128xf32> to vector<10000x128xf32>
    %sub3A_47 = arith.subf %add3A_30, %sub3A_46 : vector<10000x128xf32>
    %mul3A = vector.broadcast %broadcast_in_dim3A_45 : vector<1x128xf32> to vector<10000x128xf32>
    %mul3A_48 = arith.mulf %mul3A, %sub3A_47 : vector<10000x128xf32>
    %add3A_49 = arith.constant 9.99999974E-6 : f32
    %add3A_50 = vector.broadcast %add3A_49 : f32 to vector<1x128xf32>
    %add3A_51 = arith.addf %div3A_42, %add3A_50 : vector<1x128xf32>
    %sqrt3A = math.sqrt %add3A_51 : vector<1x128xf32>
    %div3A_52 = vector.broadcast %sqrt3A : vector<1x128xf32> to vector<10000x128xf32>
    %div3A_53 = arith.divf %mul3A_48, %div3A_52 : vector<10000x128xf32>
    %get3A_54 = arith.constant 0 : index
    %get3A_55 = vector.load %arg5[%get3A_54] : memref<128xf32, #tpu.memory_space<vmem>>, vector<128xf32>
    %broadcast_in_dim3A_56 = vector.shape_cast %get3A_55 : vector<128xf32> to vector<1x128xf32>
    %add3A_57 = vector.broadcast %broadcast_in_dim3A_56 : vector<1x128xf32> to vector<10000x128xf32>
    %add3A_58 = arith.addf %div3A_53, %add3A_57 : vector<10000x128xf32>
    %swap3A = arith.constant 0 : index
    %swap3A_59 = arith.constant 0 : index
    %swap3A_60 = vector.load %arg6[%swap3A, %swap3A_59] : memref<10000x128xf32, #tpu.memory_space<vmem>>, vector<10000x128xf32>
    tpu.vector_store %arg6[%swap3A, %swap3A_59], %add3A_58 {strides = array<i32>} : memref<10000x128xf32, #tpu.memory_space<vmem>>, vector<10000x128xf32>,
    return
  }
}

</mosaic_0001>

<sc_bundles>
// kernel: kernel.5.cloned.1.call-start
scs
__scs_entry_jumppad:
0x0: {  	(pc) =	sbr.rel $0x88, $3  }
0x1: {  	(tag) =	ssettag $0x0;
	lr =	simm.s32 $0x1  }
0x2: {  	[smem:$0x3F93] =	sst lr;
	_ =	strace $0xD0000000  }
0x3: {  	_ = 	snop  }
0x4: {  	_ = 	snop  }
0x5: {  	_ = 	snop  }
0x6: {  	_ = 	snop  }
0x7: {  	_ = 	snop  }
__scs_overlays_trampoline_lowered:
0x8: {  	[smem:$0x3FA2] =	sst s0  }
0x9: {  	[smem:$0x3FA3] =	sst s1  }
0xa: {  	[smem:$0x3FA4] =	sst s2  }
0xb: {  	[smem:$0x3FA5] =	sst s3  }
0xc: {  	[smem:$0x3FA6] =	sst s4  }
0xd: {  	[smem:$0x3FA7] =	sst s5  }
0xe: {  	[smem:$0x3FA8] =	sst s6  }
0xf: {  	[smem:$0x3FA9] =	sst s7  }
0x10: {  	[smem:$0x3FAA] =	sst s8  }
0x11: {  	[smem:$0x3FAB] =	sst s9;
	s0 =	simm.s32 @!p0 $0x0  }
0x12: {  	s1 =	sld [smem:$0x3F91];
	s0 =	simm.s32 @p0 $0x1  }
0x13: {  	[smem:$0x3FAC] =	sst s0;
	s0 =	simm.s32 @!p1 $0x0  }
0x14: {  	s2 =	sld [smem:$0x3F90];
	s0 =	simm.s32 @p1 $0x1  }
0x15: {  	[smem:$0x3FAD] =	sst s0;
	s0 =	simm.s32 @!p2 $0x0  }
0x16: {  	s3 =	sld [smem:$0x3FDB];
	s0 =	simm.s32 @p2 $0x1  }
0x17: {  	s4 =	simm.s32 $0x1BF5;
	[smem:$0x3FAF] =	sst s0  }
0x18: {  	s0 =	sld [smem:$0x3F92];
	_ =	swait.ge [sflag:s4], $0x0  }
0x19: {  	s7 =	sld [smem:$0x3F93]  }
0x1a: {  	s8 =	sadd.s32 $0xFFFFE003, lr  }
0x1b: {  	s9 =	sadd.s32 $0xFFFFFEF7, lr;
	s5 =	simm.s32 $0xFFFFFFFF;
	p2 =	slt.u32 s8, $0xFFFFF086  }
0x1c: {  	p1 =	slt.u32 s9, $0xF7A;
	s5 =	simm.s32 @!p2 $0x0  }
0x1d: {  	s5 =	simm.s32 @p1 $0x1;
	p0 =	seq.s32 s7, s2  }
0x1e: {  	s7 =	smul.u32 @!p0 $0xF7A, s2;
	p2 =	seq.s32 @!p0 s5, $0x0  }
0x1f: {  	s9 =	smul.u32 $0xF7A, s1;
	s8 =	simm.s32 @!p0 $0x1BF5;
	p2 =	por !p2, p0  }
0x20: {  	[sflag:s8] =	ssyncset.s32 @!p0 $0xFFFFF086;
	s6 =	sadd.s32 @!p0 s3, s7;
	s7 =	simm.s32 @!p0 $0x108  }
0x21: {  	s3 =	sadd.s32 s3, s9;
	s6 =	sadd.s32 @!p0 $0x88, s6;
	s7 =	simm.s32 @p2 $0x1082  }
0x22: {  	[simem:s7], [sflag:s8] =	dma.local @!p0 [hbm:s6], $0xF7A  }
0x23: {  	s9 =	sor.u32 $0xD0000000, s2;
	s6 =	simm.s32 $0x108;
	_ =	swait.ge @!p0 [sflag:s8], $0x0  }
0x24: {  	s3 =	sadd.s32 $0x88, s3;
	s6 =	simm.s32 @!p1 $0x1082;
	[sflag:s4] =	ssyncset.s32 $0xFFFFF086  }
0x25: {  	[simem:s6], [sflag:s4] =	dma.local [hbm:s3], $0xF7A  }
0x26: {  	[smem:$0x3F93] =	sst s1;
	(tag) =	ssettag s2;
	_ =	strace s9  }
0x27: {  	s1 =	sld [smem:$0x3FA3]  }
0x28: {  	s2 =	sld [smem:$0x3FA4]  }
0x29: {  	s4 =	sld [smem:$0x3FA6]  }
0x2a: {  	p0 =	seq.s32 s5, $0x0;
	s5 =	sld [smem:$0x3FA7]  }
0x2b: {  	s6 =	sld [smem:$0x3FA8]  }
0x2c: {  	s7 =	sld [smem:$0x3FA9]  }
0x2d: {  	s3 =	simm.s32 $0x108;
	s8 =	sld [smem:$0x3FAA]  }
0x2e: {  	s3 =	simm.s32 @!p0 $0x1082;
	s9 =	sld [smem:$0x3FAB]  }
0x2f: {  	lr =	sadd.s32 s0, s3;
	s0 =	sld [smem:$0x3FA2]  }
0x30: {  	s3 =	sld [smem:$0x3FA5]  }
0x31: {  	[smem:$0x3FAE] =	sst s10  }
0x32: {  	s10 =	sld [smem:$0x3FAC];
	_ =	sdelay $0x3  }
0x33: {  	p0 =	seq.s32 s10, $0x1;
	s10 =	sld [smem:$0x3FAE];
	_ =	sdelay $0x3  }
0x34: {  	[smem:$0x3FAE] =	sst s10  }
0x35: {  	s10 =	sld [smem:$0x3FAD];
	_ =	sdelay $0x3  }
0x36: {  	p1 =	seq.s32 s10, $0x1;
	s10 =	sld [smem:$0x3FAE];
	_ =	sdelay $0x3  }
0x37: {  	[smem:$0x3FAE] =	sst s10  }
0x38: {  	s10 =	sld [smem:$0x3FAF]  }
0x39: {  	_ = 	snop;
	(pc) =	sbr.ind lr, $3  }
0x3a: {  	_ = 	snop  }
0x3b: {  	_ = 	snop  }
0x3c: {  	p2 =	seq.s32 s10, $0x1;
	s10 =	sld [smem:$0x3FAE]  }
0x3d: {  	_ =	shalt  }
0x3e: {  	_ =	shalt  }
0x3f: {  	_ =	shalt  }
0x40: {  	_ =	shalt  }
0x41: {  	_ =	shalt  }
0x42: {  	_ =	shalt  }
0x43: {  	_ =	shalt  }
0x44: {  	_ =	shalt  }
0x45: {  	_ =	shalt  }
0x46: {  	_ =	shalt  }
0x47: {  	_ =	shalt  }
0x48: {  	_ =	shalt  }
0x49: {  	_ =	shalt  }
0x4a: {  	_ =	shalt  }
0x4b: {  	_ =	shalt  }
0x4c: {  	_ =	shalt  }
0x4d: {  	_ =	shalt  }
0x4e: {  	_ =	shalt  }
0x4f: {  	_ =	shalt  }
0x50: {  	_ =	shalt  }
0x51: {  	_ =	shalt  }
0x52: {  	_ =	shalt  }
0x53: {  	_ =	shalt  }
0x54: {  	_ =	shalt  }
0x55: {  	_ =	shalt  }
0x56: {  	_ =	shalt  }
0x57: {  	_ =	shalt  }
0x58: {  	_ =	shalt  }
0x59: {  	_ =	shalt  }
0x5a: {  	_ =	shalt  }
0x5b: {  	_ =	shalt  }
0x5c: {  	_ =	shalt  }
0x5d: {  	_ =	shalt  }
0x5e: {  	_ =	shalt  }
0x5f: {  	_ =	shalt  }
0x60: {  	_ =	shalt  }
0x61: {  	_ =	shalt  }
0x62: {  	_ =	shalt  }
0x63: {  	_ =	shalt  }
0x64: {  	_ =	shalt  }
0x65: {  	_ =	shalt  }
0x66: {  	_ =	shalt  }
0x67: {  	_ =	shalt  }
0x68: {  	_ =	shalt  }
0x69: {  	_ =	shalt  }
0x6a: {  	_ =	shalt  }
0x6b: {  	_ =	shalt  }
0x6c: {  	_ =	shalt  }
0x6d: {  	_ =	shalt  }
0x6e: {  	_ =	shalt  }
0x6f: {  	_ =	shalt  }
0x70: {  	_ =	shalt  }
0x71: {  	_ =	shalt  }
0x72: {  	_ =	shalt  }
0x73: {  	_ =	shalt  }
0x74: {  	_ =	shalt  }
0x75: {  	_ =	shalt  }
0x76: {  	_ =	shalt  }
0x77: {  	_ =	shalt  }
0x78: {  	_ =	shalt  }
0x79: {  	_ =	shalt  }
0x7a: {  	_ =	shalt  }
0x7b: {  	_ =	shalt  }
0x7c: {  	_ =	shalt  }
0x7d: {  	_ =	shalt  }
0x7e: {  	_ =	shalt  }
0x7f: {  	_ =	shalt  }
0x80: {  	_ =	shalt  }
0x81: {  	_ =	shalt  }
0x82: {  	_ =	shalt  }
0x83: {  	_ =	shalt  }
0x84: {  	_ =	shalt  }
0x85: {  	_ =	shalt  }
0x86: {  	_ =	shalt  }
0x87: {  	_ =	shalt  }
.Lfunc_end0:
.L_simem_size_0:
called_computation_lowered:
.L_overlay_start_0:
0x88: {  	s2 =	sld [smem:$0x3FD9]  }
0x89: {  	s3 =	sld [smem:$0x3FFE];
	_ =	sdelay $0x1  }
0x8a: {  	s1 =	srdreg.scid  }
0x8b: {  	s0 =	sand.u32 $0x1, s1  }
0x8c: {  	s14 =	sshll.u32 s0, $0xA;
	s2 =	sadd.s32 s3, s2  }
0x8d: {  	s2 =	sadd.s32 s2, s14  }
0x8e: {  	[smem:$0x3FBA] =	sst s2  }
0x8f: {  	_ = 	snop  }
0x90: {  	s2 =	sld [smem:$0x3FD0];
	_ =	sdelay $0x2  }
0x91: {  	s15 =	simm.s32 $0xA;
	s4 =	simm.s32 $0x10  }
0x92: {  	[smem:s4], [sflag:s15] =	dma.local [hbm:s2], $0x1  }
0x93: {  	_ =	swait.eq [sflag:s15], $0x1  }
0x94: {  	[sflag:s15] =	ssyncset.done $0x0  }
0x95: {  	s16 =	sld [smem:$0x10];
	[sflag:s15] =	ssyncadd.s32 $0xFFFFFFFF  }
0x96: {  	s17 =	sld [smem:$0x11];
	(tm) =	ssettm $0x1  }
0x97: {  	s18 =	sld [smem:$0x3FFB];
	_ =	sdelay $0x3  }
0x98: {  	_ =	strace s18  }
0x99: {  	s4 =	sld [smem:$0x3FFC];
	_ =	sdelay $0x3  }
0x9a: {  	_ =	strace s4  }
0x9b: {  	s4 =	sld [smem:$0x3FFD];
	_ =	sdelay $0x3  }
0x9c: {  	_ =	strace s4  }
0x9d: {  	_ =	strace $0x8FFFFFFF  }
0x9e: {  	s19 =	sld [smem:$0x3FDB];
	_ =	sdelay $0x1  }
0x9f: {  	s5 =	simm.s32 $_scs_section_size  }
0xa0: {  	s6 =	simm.s32 $_size__tile_overlayer_lowered;
	s7 =	simm.s32 $_tile_overlayer_lowered  }
0xa1: {  	s22 =	simm.s32 $0x1BFF;
	s21 =	sshll.u32 s7, $0x1;
	s4 =	sadd.s32 s5, s19  }
0xa2: {  	s8 =	simm.s32 $0x0;
	s20 =	sshll.u32 s6, $0x1;
	s6 =	sadd.s32 s21, s4  }
0xa3: {  	[timem:s8], [sflag:s22] =	dma.local [hbm:s6], s20  }
0xa4: {  	_ =	swait.ge [sflag:s22], s20  }
0xa5: {  	s5 =	ssub.s32 $0x0, s20;
	[sflag:s22] =	ssyncset.done $0x0  }
0xa6: {  	[sflag:s22] =	ssyncadd.s32 s5;
	_ =	sdelay $0x1  }
0xa7: {  	s23 =	simm.s32 $0x1B8B  }
0xa8: {  	_ =	swait.ge [sflag:s23], $0x1  }
0xa9: {  	[sflag:s23] =	ssyncset.done $0x0  }
0xaa: {  	s25 =	simm.s32 $0x1B8E;
	s24 =	sld [smem:$0x3FFE];
	[sflag:s23] =	ssyncadd.s32 $0xFFFFFFFF  }
0xab: {  	s26 =	simm.s32 $execute0_lowered;
	[smem:$0x3FD2] =	sst s25  }
0xac: {  	s6 =	sshll.u32 s26, $0x1;
	_ =	strace $0x80000046;
	[dreg:$0x1] =	wrdreg $0xFFFFFFFF  }
0xad: {  	s28 =	simm.s32 $_size_execute0_lowered;
	s4 =	sadd.s32 s4, s6;
	[dreg:$0x0] =	wrdreg $0x0  }
0xae: {  	s6 =	sshll.u32 s28, $0x1;
	[dreg:$0x2] =	wrdreg s4  }
0xaf: {  	[dreg:$0x3] =	wrdreg s6  }
0xb0: {  	[dreg:$0x4] =	wrdreg $0xC0  }
0xb1: {  	_ =	task [dreg:s8], $0x5FFFF  }
0xb2: {  	[dreg:$0x1] =	wrdreg $0xFFFFFFFF  }
0xb3: {  	[dreg:$0x0] =	wrdreg $0x60  }
0xb4: {  	[dreg:$0x2] =	wrdreg s24  }
0xb5: {  	[dreg:$0x3] =	wrdreg s17  }
0xb6: {  	[dreg:$0x4] =	wrdreg s16  }
0xb7: {  	[dreg:$0x5] =	wrdreg $0x0  }
0xb8: {  	[dreg:$0x6] =	wrdreg $0x9  }
0xb9: {  	_ =	task.clear_ibuf [dreg:s8], $0x7FFFF;
	_ =	strace $0x90000046  }
0xba: {  	s29 =	simm.s32 $0x9;
	_ =	strace $0x80000048  }
0xbb: {  	_ =	swait.ge [sflag:s29], $0x1  }
0xbc: {  	[sflag:s29] =	ssyncadd.s32 $0xFFFFFFFF  }
0xbd: {  	_ =	strace $0x90000048  }
0xbe: {  	_ =	sfence  }
0xbf: {  	s30 =	sld [smem:$0x0];
	_ =	sdelay $0x2  }
0xc0: {  	s31 =	sshll.u32 s1, $0xD;
	s1 =	sshrl.u32 s1, $0x2  }
0xc1: {  	s3 =	sand.u32 $0x4000, s31;
	s1 =	sadd.s32 s1, s30  }
0xc2: {  	s0 =	sor.u32 s3, s0;
	s1 =	sshll.u32 s1, $0x11  }
0xc3: {  	s0 =	sor.u32 s1, s0  }
0xc4: {  	s0 =	sadd.s32 $0x8F2B, s0  }
0xc5: {  	[sflag:s0] =	ssyncadd.remote.s32 $0x1  }
0xc6: {  	_ =	sfence.sel $0xFFFF  }
0xc7: {  	[dreg:$0x0] =	wrdreg $0xFFFFFFFF;
	(pc) =	sbr.abs _section_cstart, $3  }
0xc8: {  	[dreg:$0x1] =	wrdreg $0xFFFFFFFF  }
0xc9: {  	_ =	task.clear_ibuf [dreg:s8], $0x2FFFF;
	_ =	strace $0x9FFFFFFF  }
0xca: {  	(tm) =	ssettm $0x7FFFFFFF  }
0xcb: {  	_ =	shalt  }
tec
execute0_lowered:
.L_overlay_start_1:
0x0: {  	(tag) =	ssettag $0x1  }
0x1: {  	s0 =	rddreg [dreg:$0x0];
	v1 =	vlaneseq.u32  }
0x2: {  	s1 =	rddreg [dreg:$0x1];
	v0 =	vmul.u32 $0x90, v1  }
0x3: {  	s3 =	rddreg [dreg:$0x2];
	s5 =	simm.s32 $0x0  }
0x4: {  	[smem:$0x7FF] =	sst s5;
	v1 =	vmul.u32 $0x80, v1;
	v2 =	vadd.s32 $0x1200, v0  }
0x5: {  	s4 =	rddreg [dreg:$0x3];
	_ =	strace $0x80000047;
	v15 =	vadd.s32 $0x20, v0;
	[tilespmem:$0x1FDA0] =	vst v2  }
0x6: {  	v26 =	vor.u32 $0x20, v1;
	[tilespmem:$0x1FE60] =	vst v15  }
0x7: {  	v29 =	vadd.s32 $0x40, v0;
	[tilespmem:$0x1FE70] =	vst v26  }
0x8: {  	v27 =	vor.u32 $0x40, v1;
	[tilespmem:$0x1FE80] =	vst v29  }
0x9: {  	v28 =	vadd.s32 $0x60, v0;
	[tilespmem:$0x1FE90] =	vst v27  }
0xa: {  	v16 =	vor.u32 $0x60, v1;
	[tilespmem:$0x1FEA0] =	vst v28  }
0xb: {  	v31 =	vadd.s32 $0x23, v0;
	[tilespmem:$0x1FEB0] =	vst v16  }
0xc: {  	v32 =	vor.u32 $0x23, v1;
	[tilespmem:$0x1FEC0] =	vst v31  }
0xd: {  	v33 =	vadd.s32 $0x43, v0;
	[tilespmem:$0x1FED0] =	vst v32  }
0xe: {  	v34 =	vor.u32 $0x43, v1;
	[tilespmem:$0x1FEE0] =	vst v33  }
0xf: {  	v35 =	vadd.s32 $0x63, v0;
	[tilespmem:$0x1FEF0] =	vst v34  }
0x10: {  	v36 =	vor.u32 $0x63, v1;
	[tilespmem:$0x1FF00] =	vst v35  }
0x11: {  	v37 =	vadd.s32 $0x900, v0;
	[tilespmem:$0x1FF10] =	vst v36  }
0x12: {  	v38 =	vor.u32 $0x800, v1;
	[tilespmem:$0x1FF20] =	vst v37  }
0x13: {  	v39 =	vadd.s32 $0x920, v0;
	[tilespmem:$0x1FF30] =	vst v38  }
0x14: {  	v40 =	vor.u32 $0x820, v1;
	[tilespmem:$0x1FF40] =	vst v39  }
0x15: {  	v41 =	vadd.s32 $0x940, v0;
	[tilespmem:$0x1FF50] =	vst v40  }
0x16: {  	v58 =	vor.u32 $0x840, v1;
	[tilespmem:$0x1FF60] =	vst v41  }
0x17: {  	v59 =	vadd.s32 $0x960, v0;
	[tilespmem:$0x1FF70] =	vst v58  }
0x18: {  	v60 =	vor.u32 $0x860, v1;
	[tilespmem:$0x1FF80] =	vst v59  }
0x19: {  	v61 =	vadd.s32 $0x923, v0;
	[tilespmem:$0x1FF90] =	vst v60  }
0x1a: {  	v62 =	vor.u32 $0x823, v1;
	[tilespmem:$0x1FFA0] =	vst v61  }
0x1b: {  	s2 =	srdreg.scid;
	s12 =	stileid.u32;
	v63 =	vadd.s32 $0x943, v0;
	[tilespmem:$0x1FFB0] =	vst v62  }
0x1c: {  	s29 =	simm.s32 $0x1C200;
	s31 =	simm.s32 $0x1;
	s9 =	smul.u32 $0x16800, s12;
	v7 =	vor.u32 $0x843, v1;
	[tilespmem:$0x1FFC0] =	vst v63  }
0x1d: {  	s28 =	simm.s32 $0x1F810;
	s2 =	sand.u32 $0x1, s2;
	s10 =	smul.u32 $0x5A000, s12;
	v9 =	vadd.s32 $0x963, v0;
	[tilespmem:$0x1FFD0] =	vst v7  }
0x1e: {  	s30 =	simm.s32 $0x4;
	s7 =	smul.u32 $0x168000, s2;
	s21 =	ssub.s32 $0x2, s2;
	v8 =	vor.u32 $0x863, v1;
	[tilespmem:$0x1FFE0] =	vst v9  }
0x1f: {  	s6 =	sadd.s32 $0x9EE00, s0;
	s2 =	sshll.u32 s2, $0x4;
	s11 =	sshrl.u32 s21, $0x1;
	v2 =	vadd.s32 $0x1220, v0;
	[tilespmem:$0x1FFF0] =	vst v8  }
0x20: {  	s2 =	sor.u32 s12, s2;
	s10 =	sshrl.u32 s10, $0x2;
	s8 =	sadd.s32 s9, s7;
	[tilespmem:$0x1FDB0] =	vst v2;
	v2 =	vor.u32 $0x1020, v1  }
0x21: {  	s7 =	sadd.s32 $0x2A00, s0;
	s11 =	ssub.s32 s21, s11;
	s10 =	sadd.s32 s10, s4;
	[tilespmem:$0x1FDC0] =	vst v2;
	v2 =	vadd.s32 $0x1240, v0  }
0x22: {  	s9 =	sadd.s32 s9, s4;
	s21 =	simm.s32 $0x19500;
	s8 =	sshrl.u32 s8, $0x3;
	[tilespmem:$0x1FDD0] =	vst v2;
	v2 =	vor.u32 $0x1040, v1  }
0x23: {  	s22 =	sadd.s32 $0x2D00, s10;
	s23 =	sadd.s32 $0x5A00, s10;
	s24 =	sadd.s32 $0x8700, s10;
	[tilespmem:$0x1FDE0] =	vst v2;
	v2 =	vadd.s32 $0x1260, v0  }
0x24: {  	s25 =	sadd.s32 $0xB400, s10;
	s14 =	sadd.s32 $0xE100, s10;
	[dreg:$0x5] =	wrdreg s22;
	[tilespmem:$0x1FDF0] =	vst v2;
	v2 =	vor.u32 $0x1060, v1  }
0x25: {  	s0 =	sadd.s32 s8, s0;
	s8 =	smul.u32 $0x7530, s2;
	[dreg:$0x6] =	wrdreg s23;
	[tilespmem:$0x1FE00] =	vst v2;
	v2 =	vadd.s32 $0x1223, v0  }
.Ltmp0:
0x26: {  	s15 =	sadd.s32 $0x10E00, s10;
	[dreg:$0x7] =	wrdreg s24;
	[tilespmem:$0x1FE10] =	vst v2;
	v2 =	vor.u32 $0x1023, v1;
	(pc) =	sbr.rel .LBB2_1-.Ltmp0, $4  }
0x27: {  	s17 =	sadd.s32 $0x13B00, s10;
	s20 =	smax.u32 s11, $0x1;
	[dreg:$0x8] =	wrdreg s25;
	[tilespmem:$0x1FE20] =	vst v2;
	v2 =	vadd.s32 $0x1243, v0  }
0x28: {  	s22 =	simm.s32 $0x6;
	s25 =	simm.s32 $0x50;
	s26 =	sshrl.u32 s8, $0x3;
	[tilespmem:$0x1FE30] =	vst v2;
	v2 =	vor.u32 $0x1043, v1  }
0x29: {  	s2 =	simm.s32 $0x3;
	s24 =	simm.s32 $0x2;
	s16 =	sadd.s32 s3, s26;
	[tilespmem:$0x1FE40] =	vst v2;
	v2 =	vadd.s32 $0x1263, v0  }
0x2a: {  	v6 =	vimm.f32 $0.0e+00;
	v30 =	vor.u32 $0x1000, v1;
	s19 =	sadd.s32 $0x2EA00, s0;
	s26 =	simm.s32 $0x16800;
	s18 =	sadd.s32 $0x96, s16;
	[tilespmem:$0x1FE50] =	vst v2  }
.LBB2_22:
0x2b: {  	_ =	swait.ge [sflag:s30], $0x2D00  }
0x2c: {  	[sflag:s30] =	ssyncset.done $0x0  }
0x2d: {  	v6 =	vimm.f32 $0.0e+00;
	v15 =	vld [tilespmem:$0x1FE60];
	[sflag:s30] =	ssyncadd.s32 $0xFFFFD300  }
.LBB2_20:
0x2e: {  	s0 =	stileid.u32;
	s5 =	sadd.s32 $0x1, s5  }
0x2f: {  	[bflag:$0x0] =	sbarrier.arrive $0xFFFF;
	s0 =	sshll.u32 s0, $0x6;
	p0 =	sne.s32 s5, s20  }
.Ltmp1:
0x30: {  	s10 =	sshrl.u32 s9, $0x3;
	s0 =	sor.u32 $0x1C06, s0;
	(pc) =	sbr.rel @!p0 .LBB2_21-.Ltmp1, $4  }
0x31: {  	[hbm:s19], [sflag:s0] =	dma.local [spmem:s10], $0x2D00  }
0x32: {  	_ =	swait.ge [sflag:s22], $0x2D00  }
0x33: {  	[sflag:s22] =	ssyncset.done $0x0  }
0x34: {  	[sflag:s22] =	ssyncadd.s32 $0xFFFFD300  }
.LBB2_1:
0x35: {  	s0 =	simm.s32 $0x0  }
.LBB2_2:
0x36: {  	s10 =	sshll.u32 s0, $0x4  }
0x37: {  	v2 =	vmov s10  }
0x38: {  	v2 =	vmul.u32 $0x90, v2;
	_ =	sdelay $0x1  }
0x39: {  	s23 =	simm.s32 $0x0;
	v2 =	vbroadcast v2, $0x0  }
0x3a: {  	v3 =	vmov s23  }
0x3b: {  	v4 =	vand.u32 $0xF8, v3;
	v2 =	vadd.s32 v0, v2  }
0x3c: {  	v3 =	vand.u32 $0x7, v3;
	v4 =	vadd.s32 v4, v2  }
0x3d: {  	s10 =	simm.s32 $0x1;
	v3 =	vor.u32 v3, v4  }
.LBB2_3:
0x3e: {  	p0 =	sne.s32 s10, $0x8F  }
.Ltmp2:
0x3f: {  	_ = 	snop;
	(pc) =	sbr.rel @p0 .LBB2_3-.Ltmp2, $4  }
0x40: {  	v4 =	vmov s10  }
0x41: {  	v5 =	vand.u32 $0xF8, v4  }
0x42: {  	v4 =	vand.u32 $0x7, v4;
	v5 =	vadd.s32 v5, v2  }
0x43: {  	s10 =	sadd.s32 $0x1, s10;
	[tilespmem:v3+s21+$0x0] =	vst.idx.msk $0xffff, v6;
	v3 =	vor.u32 v4, v5  }
0x44: {  	s0 =	sadd.s32 $0x1, s0  }
0x45: {  	p0 =	sne.s32 s0, $0x5  }
.Ltmp3:
0x46: {  	_ = 	snop;
	(pc) =	sbr.rel @p0 .LBB2_2-.Ltmp3, $2  }
0x47: {  	_ =	sdelay $0x2  }
0x48: {  	[tilespmem:v3+s21+$0x0] =	vst.idx.msk $0xffff, v6  }
0x49: {  	[spmem:s9] =	stream.linear.scatter [tilespmem:s21], [sflag:$0x6], $0x2D00, $0x38;
	[tilespmem:$0x1F860] =	vst v63  }
0x4a: {  	_ =	swait.ge [sflag:s22], $0x2D00  }
0x4b: {  	[sflag:s22] =	ssyncset.done $0x0  }
0x4c: {  	s0 =	rddreg [dreg:$0x5];
	[sflag:s22] =	ssyncadd.s32 $0xFFFFD300  }
0x4d: {  	[spmem:s0] =	stream.linear.scatter [tilespmem:s21], [sflag:$0x6], $0x2D00, $0x38;
	[tilespmem:$0x1F860] =	vst v63  }
0x4e: {  	_ =	swait.ge [sflag:s22], $0x2D00  }
0x4f: {  	[sflag:s22] =	ssyncset.done $0x0  }
0x50: {  	s10 =	rddreg [dreg:$0x6];
	[sflag:s22] =	ssyncadd.s32 $0xFFFFD300  }
0x51: {  	[spmem:s10] =	stream.linear.scatter [tilespmem:s21], [sflag:$0x6], $0x2D00, $0x38;
	[tilespmem:$0x1F860] =	vst v63  }
0x52: {  	_ =	swait.ge [sflag:s22], $0x2D00  }
0x53: {  	[sflag:s22] =	ssyncset.done $0x0  }
0x54: {  	s11 =	rddreg [dreg:$0x7];
	[sflag:s22] =	ssyncadd.s32 $0xFFFFD300  }
0x55: {  	[spmem:s11] =	stream.linear.scatter [tilespmem:s21], [sflag:$0x6], $0x2D00, $0x38;
	[tilespmem:$0x1F860] =	vst v63  }
0x56: {  	_ =	swait.ge [sflag:s22], $0x2D00  }
0x57: {  	[sflag:s22] =	ssyncset.done $0x0  }
0x58: {  	s12 =	rddreg [dreg:$0x8];
	[sflag:s22] =	ssyncadd.s32 $0xFFFFD300  }
0x59: {  	[spmem:s12] =	stream.linear.scatter [tilespmem:s21], [sflag:$0x6], $0x2D00, $0x38;
	[tilespmem:$0x1F860] =	vst v63  }
0x5a: {  	_ =	swait.ge [sflag:s22], $0x2D00  }
0x5b: {  	[sflag:s22] =	ssyncset.done $0x0  }
0x5c: {  	[sflag:s22] =	ssyncadd.s32 $0xFFFFD300  }
0x5d: {  	[spmem:s14] =	stream.linear.scatter [tilespmem:s21], [sflag:$0x6], $0x2D00, $0x38;
	[tilespmem:$0x1F860] =	vst v63  }
0x5e: {  	_ =	swait.ge [sflag:s22], $0x2D00  }
0x5f: {  	[sflag:s22] =	ssyncset.done $0x0  }
0x60: {  	[sflag:s22] =	ssyncadd.s32 $0xFFFFD300  }
0x61: {  	[spmem:s15] =	stream.linear.scatter [tilespmem:s21], [sflag:$0x6], $0x2D00, $0x38;
	[tilespmem:$0x1F860] =	vst v63  }
0x62: {  	_ =	swait.ge [sflag:s22], $0x2D00  }
0x63: {  	[sflag:s22] =	ssyncset.done $0x0  }
0x64: {  	[sflag:s22] =	ssyncadd.s32 $0xFFFFD300  }
0x65: {  	[spmem:s17] =	stream.linear.scatter [tilespmem:s21], [sflag:$0x6], $0x2D00, $0x38;
	[tilespmem:$0x1F860] =	vst v63  }
0x66: {  	_ =	swait.ge [sflag:s22], $0x2D00  }
0x67: {  	[sflag:s22] =	ssyncset.done $0x0  }
0x68: {  	[sflag:s22] =	ssyncadd.s32 $0xFFFFD300  }
0x69: {  	s0 =	simm.s32 $0x0;
	s10 =	simm.s32 $0x1EA00;
	[bflag:$0x0] =	sbarrier.arrive $0xFFFF  }
0x6a: {  	[tilespmem:s10], [sflag:$0x6] =	stream.linear.gather [hbm4b:s16+s0], $0x4B0, $0x38;
	[tilespmem:$0x1F860] =	vst v63  }
0x6b: {  	_ =	swait.ge [sflag:s22], $0x4B0  }
0x6c: {  	[sflag:s22] =	ssyncset.done $0x0  }
0x6d: {  	s11 =	simm.s32 $0x1EEB0;
	[sflag:s22] =	ssyncadd.s32 $0xFFFFFB50  }
0x6e: {  	[tilespmem:s11], [sflag:$0x5] =	stream.linear.gather [hbm4b:s18+s0], $0x4B0, $0x38;
	[tilespmem:$0x1F860] =	vst v63  }
0x6f: {  	_ = 	snop  }
0x70: {  	[tilespmem:s26], [sflag:$0x1] =	stream.indirect.gather [hbm4b:s6+s25], $0x90, s10, s25, $0xb8;
	[tilespmem:$0x1F860] =	vst v63  }
0x71: {  	s13 =	simm.s32 $0x1EAA0  }
0x72: {  	[tilespmem:s29], [sflag:$0x3] =	stream.indirect.gather [hbm4b:s1+s25], $0x80, s13, s25, $0xb8;
	[tilespmem:$0x1F860] =	vst v63  }
0x73: {  	s23 =	simm.s32 $0x1EA50  }
0x74: {  	[tilespmem:s21], [sflag:$0x2] =	stream.indirect.gather [hbm4b:s7+s25], $0x90, s23, s25, $0xb8;
	[tilespmem:$0x1F860] =	vst v63  }
.LBB2_6:
0x75: {  	v42 =	vimm.s32 $0x0;
	_ =	swait.ge [sflag:s31], $0x2D00  }
0x76: {  	[sflag:s31] =	ssyncset.done $0x0;
	v8 =	vadd.s32 v33, v42  }
0x77: {  	v9 =	vadd.s32 v32, v42;
	[sflag:s31] =	ssyncadd.s32 $0xFFFFD300  }
0x78: {  	v2 =	vadd.s32 $0x62, v42;
	v10 =	vadd.s32 v35, v42;
	_ =	swait.ge [sflag:s2], $0x2800  }
0x79: {  	v6 =	vadd.s32 $0x22, v42;
	v11 =	vadd.s32 v34, v42;
	v2 =	vand.u32 $0xFFFFFFFE, v2;
	[sflag:s2] =	ssyncset.done $0x0  }
0x7a: {  	v6 =	vand.u32 $0xFFFFFFFE, v6;
	v4 =	vadd.s32 v0, v2;
	v2 =	vadd.s32 v1, v2;
	[sflag:s2] =	ssyncadd.s32 $0xFFFFD800  }
0x7b: {  	v3 =	vadd.s32 $0x42, v42;
	v7 =	vadd.s32 v0, v6;
	v8 =	vld.idx.msk [tilespmem:v8+s26+$0x0], $0xffff  }
0x7c: {  	v3 =	vand.u32 $0xFFFFFFFE, v3;
	v43 =	vld.idx.msk [tilespmem:v9+s29+$0x0], $0xffff  }
0x7d: {  	v5 =	vadd.s32 v0, v3;
	v50 =	vld.idx.msk [tilespmem:v10+s26+$0x0], $0xffff  }
0x7e: {  	v12 =	vand.u32 $0xFFFFFFF8, v42;
	v3 =	vadd.s32 v1, v3;
	v20 =	vld.idx.msk [tilespmem:v11+s29+$0x0], $0xffff  }
0x7f: {  	v14 =	vadd.s32 v0, v12;
	v13 =	vld.idx.msk [tilespmem:v2+s29+$0x0], $0xffff;
	v2 =	vadd.s32 v1, v6;
	v6 =	vand.u32 $0x4, v42  }
0x80: {  	v44 =	vld.idx.msk [tilespmem:v7+s26+$0x0], $0xffff;
	v7 =	vadd.s32 v1, v12;
	v17 =	vor.u32 v6, v14  }
0x81: {  	v4 =	vld.idx.msk [tilespmem:v4+s26+$0x0], $0xffff;
	v18 =	vor.u32 v6, v7;
	v19 =	vor.u32 $0x1, v6  }
0x82: {  	v5 =	vld.idx.msk [tilespmem:v5+s26+$0x0], $0xffff;
	v9 =	vor.u32 v19, v14  }
0x83: {  	v3 =	vld.idx.msk [tilespmem:v3+s29+$0x0], $0xffff;
	v12 =	vor.u32 v6, v12;
	v10 =	vor.u32 v19, v7  }
0x84: {  	v19 =	vor.u32 $0x2, v6;
	v22 =	vadd.s32 v15, v12;
	v47 =	vld.idx.msk [tilespmem:v2+s29+$0x0], $0xffff  }
0x85: {  	v11 =	vor.u32 $0x3, v6;
	v21 =	vor.u32 v19, v7;
	v23 =	vld.idx.msk [tilespmem:v17+s26+$0x0], $0xffff  }
0x86: {  	v2 =	vor.u32 v11, v7;
	v25 =	vld.idx.msk [tilespmem:v18+s29+$0x0], $0xffff  }
0x87: {  	v52 =	vadd.s32 v29, v12;
	v7 =	vor.u32 v11, v14;
	v11 =	vadd.s32 v16, v12;
	v18 =	vld.idx.msk [tilespmem:v9+s26+$0x0], $0xffff  }
0x88: {  	v45 =	vmul.f32 v3, v5;
	v3 =	vadd.s32 v27, v12;
	v46 =	vmul.f32 v13, v4;
	v24 =	vld.idx.msk [tilespmem:v10+s29+$0x0], $0xffff  }
0x89: {  	v4 =	vadd.s32 v26, v12;
	v10 =	vadd.s32 v36, v42;
	v9 =	vadd.s32 v28, v12;
	v12 =	vld.idx.msk [tilespmem:v22+s26+$0x0], $0xffff  }
0x8a: {  	v6 =	vld.idx.msk [tilespmem:v21+s29+$0x0], $0xffff  }
0x8b: {  	v21 =	vor.u32 v19, v14;
	v2 =	vld.idx.msk [tilespmem:v2+s29+$0x0], $0xffff  }
0x8c: {  	v51 =	vimm.f32 $0.0e+00;
	v48 =	vadd.s32 v31, v42;
	v5 =	vld.idx.msk [tilespmem:v7+s26+$0x0], $0xffff  }
0x8d: {  	v53 =	vadd.s32 $0x61, v42;
	v49 =	vmul.f32 v20, v8;
	v13 =	vadd.s32 $0x41, v42;
	v7 =	vld.idx.msk [tilespmem:v11+s29+$0x0], $0xffff  }
0x8e: {  	v8 =	vand.u32 $0xFFFFFFFD, v53;
	v13 =	vand.u32 $0xFFFFFFFD, v13;
	v11 =	vadd.s32 $0x21, v42;
	v14 =	vld.idx.msk [tilespmem:v10+s29+$0x0], $0xffff  }
0x8f: {  	v17 =	vadd.s32 v1, v13;
	v19 =	vand.u32 $0xFFFFFFFD, v11;
	v25 =	vmul.f32 v25, v23;
	v23 =	vld.idx.msk [tilespmem:v52+s26+$0x0], $0xffff  }
0x90: {  	v20 =	vadd.s32 v0, v8;
	v10 =	vadd.s32 v0, v19;
	v19 =	vadd.s32 v1, v19;
	v22 =	vld.idx.msk [tilespmem:v21+s26+$0x0], $0xffff  }
0x91: {  	v11 =	vadd.s32 v0, v13;
	v13 =	vmul.f32 v24, v18;
	v18 =	vld.idx.msk [tilespmem:v3+s29+$0x0], $0xffff;
	v24 =	vadd.s32 v1, v8  }
0x92: {  	s23 =	simm.s32 $0x0;
	v8 =	vimm.f32 $0.0e+00;
	v3 =	vimm.f32 $0.0e+00;
	v21 =	vld.idx.msk [tilespmem:v4+s29+$0x0], $0xffff;
	v4 =	vimm.f32 $0.0e+00  }
.LBB2_7:
0x93: {  	s23 =	sadd.s32 $0x4, s23;
	v25 =	vadd.f32 v25, v51;
	v9 =	vld.idx.msk [tilespmem:v9+s26+$0x0], $0xffff;
	v14 =	vmul.f32 v14, v50;
	v42 =	vadd.s32 $0x4, v42  }
0x94: {  	v50 =	vadd.s32 $0x22, v42;
	v51 =	vadd.s32 $0x42, v42;
	v52 =	vadd.s32 $0x62, v42;
	p0 =	slt.u32 s23, $0x1C;
	v17 =	vld.idx.msk [tilespmem:v17+s29+$0x0], $0xffff  }
0x95: {  	v6 =	vmul.f32 v6, v22;
	v51 =	vand.u32 $0xFFFFFFFE, v51;
	v52 =	vand.u32 $0xFFFFFFFE, v52;
	v19 =	vld.idx.msk [tilespmem:v19+s29+$0x0], $0xffff  }
0x96: {  	v53 =	vadd.s32 v32, v42;
	v22 =	vand.u32 $0xFFFFFFFE, v50;
	v50 =	vadd.s32 v0, v52;
	v24 =	vld.idx.msk [tilespmem:v24+s29+$0x0], $0xffff  }
0x97: {  	v56 =	vadd.s32 v31, v42;
	v54 =	vadd.s32 v0, v51;
	v55 =	vadd.s32 v1, v51;
	v11 =	vld.idx.msk [tilespmem:v11+s26+$0x0], $0xffff  }
0x98: {  	v2 =	vmul.f32 v2, v5;
	v13 =	vadd.f32 v13, v25;
	v18 =	vmul.f32 v18, v23;
	v20 =	vld.idx.msk [tilespmem:v20+s26+$0x0], $0xffff  }
0x99: {  	v5 =	vadd.s32 v0, v22;
	v12 =	vmul.f32 v21, v12;
	v23 =	vadd.s32 v1, v52;
	v10 =	vld.idx.msk [tilespmem:v10+s26+$0x0], $0xffff  }
0x9a: {  	v21 =	vadd.s32 v1, v22;
	v6 =	vadd.f32 v6, v13;
	v7 =	vmul.f32 v7, v9;
	v9 =	vld.idx.msk [tilespmem:v48+s26+$0x0], $0xffff  }
0x9b: {  	v25 =	vadd.s32 v34, v42;
	v22 =	vadd.s32 v33, v42;
	v8 =	vadd.f32 v12, v8;
	v13 =	vld.idx.msk [tilespmem:v50+s26+$0x0], $0xffff  }
0x9c: {  	v51 =	vadd.f32 v2, v6;
	v4 =	vadd.f32 v7, v4;
	v7 =	vmul.f32 v47, v44;
	v12 =	vld.idx.msk [tilespmem:v54+s26+$0x0], $0xffff  }
0x9d: {  	v6 =	vadd.s32 v35, v42;
	v3 =	vadd.f32 v18, v3;
	v11 =	vmul.f32 v17, v11;
	v2 =	vld.idx.msk [tilespmem:v55+s29+$0x0], $0xffff  }
0x9e: {  	v18 =	vand.u32 $0x4, v42;
	v48 =	vmovc v56;
	v17 =	vand.u32 $0xFFFFFFF8, v42;
	v20 =	vmul.f32 v24, v20;
	v23 =	vld.idx.msk [tilespmem:v23+s29+$0x0], $0xffff  }
0x9f: {  	v24 =	vadd.s32 v0, v17;
	v52 =	vadd.s32 v1, v17;
	v44 =	vld.idx.msk [tilespmem:v5+s26+$0x0], $0xffff;
	v5 =	vmul.f32 v19, v10  }
0xa0: {  	v10 =	vor.u32 v18, v24;
	v19 =	vor.u32 v18, v52;
	v54 =	vmul.f32 v43, v9;
	v22 =	vld.idx.msk [tilespmem:v22+s26+$0x0], $0xffff  }
0xa1: {  	v55 =	vor.u32 v18, v17;
	v9 =	vor.u32 $0x1, v18;
	v4 =	vadd.f32 v20, v4;
	v43 =	vld.idx.msk [tilespmem:v53+s29+$0x0], $0xffff  }
0xa2: {  	v3 =	vadd.f32 v11, v3;
	v20 =	vadd.s32 v15, v55;
	v17 =	vor.u32 v9, v24;
	v50 =	vld.idx.msk [tilespmem:v6+s26+$0x0], $0xffff  }
0xa3: {  	v11 =	vor.u32 $0x3, v18;
	v6 =	vor.u32 v9, v52;
	v9 =	vor.u32 $0x2, v18;
	v18 =	vld.idx.msk [tilespmem:v25+s29+$0x0], $0xffff  }
0xa4: {  	v3 =	vadd.f32 v45, v3;
	v25 =	vor.u32 v9, v24;
	v53 =	vor.u32 v9, v52;
	v47 =	vld.idx.msk [tilespmem:v21+s29+$0x0], $0xffff  }
0xa5: {  	v4 =	vadd.f32 v46, v4;
	v21 =	vld.idx.msk [tilespmem:v10+s26+$0x0], $0xffff;
	v10 =	vor.u32 v11, v24;
	v11 =	vor.u32 v11, v52  }
0xa6: {  	v5 =	vadd.f32 v5, v8;
	v9 =	vadd.s32 v28, v55;
	v52 =	vld.idx.msk [tilespmem:v19+s29+$0x0], $0xffff;
	v19 =	vadd.s32 v16, v55  }
0xa7: {  	v45 =	vmul.f32 v2, v12;
	v3 =	vadd.f32 v49, v3;
	v4 =	vadd.f32 v14, v4;
	v24 =	vld.idx.msk [tilespmem:v17+s26+$0x0], $0xffff  }
0xa8: {  	v12 =	vadd.s32 v36, v42;
	v46 =	vmul.f32 v23, v13;
	v5 =	vadd.f32 v7, v5;
	v56 =	vld.idx.msk [tilespmem:v6+s29+$0x0], $0xffff  }
0xa9: {  	v57 =	vadd.s32 v27, v55;
	v2 =	vadd.s32 $0x41, v42;
	v23 =	vadd.s32 v26, v55;
	v6 =	vld.idx.msk [tilespmem:v53+s29+$0x0], $0xffff  }
0xaa: {  	v7 =	vadd.s32 $0x21, v42;
	v13 =	vand.u32 $0xFFFFFFFD, v2;
	v8 =	vadd.f32 v54, v5;
	v2 =	vld.idx.msk [tilespmem:v11+s29+$0x0], $0xffff  }
0xab: {  	v14 =	vand.u32 $0xFFFFFFFD, v7;
	v17 =	vadd.s32 v1, v13;
	v11 =	vadd.s32 v0, v13;
	v5 =	vld.idx.msk [tilespmem:v10+s26+$0x0], $0xffff  }
0xac: {  	v53 =	vadd.s32 v29, v55;
	v10 =	vadd.s32 v0, v14;
	v7 =	vld.idx.msk [tilespmem:v19+s29+$0x0], $0xffff;
	v19 =	vadd.s32 v1, v14  }
0xad: {  	v49 =	vmul.f32 v18, v22;
	v14 =	vld.idx.msk [tilespmem:v12+s29+$0x0], $0xffff  }
.Ltmp4:
0xae: {  	v18 =	vadd.s32 $0x61, v42;
	v13 =	vmul.f32 v56, v24;
	v12 =	vld.idx.msk [tilespmem:v20+s26+$0x0], $0xffff;
	(pc) =	sbr.rel @p0 .LBB2_7-.Ltmp4, $4  }
0xaf: {  	v24 =	vand.u32 $0xFFFFFFFD, v18;
	v22 =	vld.idx.msk [tilespmem:v25+s26+$0x0], $0xffff  }
0xb0: {  	v20 =	vadd.s32 v0, v24;
	v24 =	vadd.s32 v1, v24;
	v18 =	vld.idx.msk [tilespmem:v57+s29+$0x0], $0xffff  }
0xb1: {  	v25 =	vmul.f32 v52, v21;
	v21 =	vld.idx.msk [tilespmem:v23+s29+$0x0], $0xffff  }
0xb2: {  	v23 =	vld.idx.msk [tilespmem:v53+s26+$0x0], $0xffff  }
0xb3: {  	_ =	sdelay $0x3  }
0xb4: {  	v9 =	vld.idx.msk [tilespmem:v9+s26+$0x0], $0xffff  }
0xb5: {  	v17 =	vld.idx.msk [tilespmem:v17+s29+$0x0], $0xffff  }
0xb6: {  	v19 =	vld.idx.msk [tilespmem:v19+s29+$0x0], $0xffff  }
0xb7: {  	v24 =	vld.idx.msk [tilespmem:v24+s29+$0x0], $0xffff  }
0xb8: {  	v11 =	vld.idx.msk [tilespmem:v11+s26+$0x0], $0xffff  }
0xb9: {  	v10 =	vld.idx.msk [tilespmem:v10+s26+$0x0], $0xffff  }
0xba: {  	v20 =	vld.idx.msk [tilespmem:v20+s26+$0x0], $0xffff;
	_ =	sdelay $0x1  }
0xbb: {  	v12 =	vmul.f32 v21, v12;
	v7 =	vmul.f32 v7, v9  }
0xbc: {  	v6 =	vmul.f32 v6, v22;
	v21 =	vld.idx.msk [tilespmem:v48+s26+$0x0], $0xffff;
	v18 =	vmul.f32 v18, v23;
	v9 =	vadd.f32 v25, v51  }
0xbd: {  	v8 =	vadd.f32 v12, v8;
	v4 =	vadd.f32 v7, v4;
	v7 =	vmul.f32 v19, v10  }
0xbe: {  	v3 =	vadd.f32 v18, v3;
	v10 =	vmul.f32 v17, v11;
	v11 =	vmul.f32 v24, v20  }
0xbf: {  	v12 =	vmul.f32 v47, v44;
	v9 =	vadd.f32 v13, v9;
	v7 =	vadd.f32 v7, v8  }
0xc0: {  	v2 =	vmul.f32 v2, v5;
	v4 =	vadd.f32 v11, v4;
	v3 =	vadd.f32 v10, v3  }
0xc1: {  	v5 =	vadd.f32 v6, v9;
	v6 =	vmul.f32 v43, v21;
	v7 =	vadd.f32 v12, v7  }
0xc2: {  	v16 =	vld [tilespmem:$0x1FFE0];
	v8 =	vmul.f32 v14, v50;
	v3 =	vadd.f32 v45, v3;
	v4 =	vadd.f32 v46, v4  }
0xc3: {  	v29 =	vld [tilespmem:$0x1FFD0];
	v2 =	vadd.f32 v2, v5;
	v5 =	vadd.f32 v6, v7  }
0xc4: {  	v3 =	vadd.f32 v49, v3;
	v4 =	vadd.f32 v8, v4;
	_ =	sdelay $0x1  }
0xc5: {  	v43 =	vimm.s32 $0x0;
	v2 =	vadd.f32 v5, v2;
	v3 =	vadd.f32 v4, v3  }
0xc6: {  	v9 =	vadd.s32 v62, v43;
	v10 =	vadd.s32 v16, v43  }
0xc7: {  	v11 =	vadd.s32 v29, v43;
	v12 =	vand.u32 $0xFFFFFFF8, v43;
	v8 =	vadd.f32 v3, v2  }
0xc8: {  	v13 =	vand.u32 $0x4, v43;
	v14 =	vadd.s32 v37, v12;
	v6 =	vadd.s32 $0x62, v43  }
0xc9: {  	v17 =	vor.u32 v13, v14;
	v6 =	vand.u32 $0xFFFFFFFE, v6;
	v5 =	vadd.s32 $0x42, v43;
	[tilespmem:$0x1FD90] =	vst v8  }
0xca: {  	v26 =	vld [tilespmem:$0x1FFF0];
	v4 =	vand.u32 $0xFFFFFFFE, v5;
	v5 =	vadd.s32 v37, v6;
	v2 =	vadd.s32 $0x22, v43;
	[tilespmem:$0x1F810] =	vst v8  }
0xcb: {  	v7 =	vadd.s32 v37, v4;
	v2 =	vand.u32 $0xFFFFFFFE, v2;
	v44 =	vld.idx.msk [tilespmem:v9+s29+$0x0], $0xffff  }
0xcc: {  	v3 =	vadd.s32 v38, v4;
	v4 =	vadd.s32 v38, v6;
	v6 =	vadd.s32 v37, v2;
	v51 =	vld.idx.msk [tilespmem:v10+s26+$0x0], $0xffff  }
0xcd: {  	v20 =	vld.idx.msk [tilespmem:v11+s29+$0x0], $0xffff  }
0xce: {  	v2 =	vadd.s32 v38, v2;
	v23 =	vld.idx.msk [tilespmem:v17+s26+$0x0], $0xffff  }
0xcf: {  	v8 =	vld.idx.msk [tilespmem:v5+s26+$0x0], $0xffff  }
0xd0: {  	v19 =	vor.u32 $0x1, v13;
	v5 =	vadd.s32 v63, v43;
	v7 =	vld.idx.msk [tilespmem:v7+s26+$0x0], $0xffff  }
0xd1: {  	v9 =	vor.u32 v19, v14;
	v45 =	vld.idx.msk [tilespmem:v6+s26+$0x0], $0xffff;
	v6 =	vadd.s32 v38, v12  }
0xd2: {  	v11 =	vor.u32 $0x3, v13;
	v3 =	vld.idx.msk [tilespmem:v3+s29+$0x0], $0xffff;
	v10 =	vor.u32 v19, v6  }
0xd3: {  	v48 =	vld.idx.msk [tilespmem:v2+s29+$0x0], $0xffff;
	v12 =	vor.u32 v13, v12;
	v2 =	vor.u32 v11, v6  }
0xd4: {  	v4 =	vld.idx.msk [tilespmem:v4+s29+$0x0], $0xffff;
	v22 =	vadd.s32 v39, v12  }
0xd5: {  	v19 =	vor.u32 $0x2, v13;
	v18 =	vld.idx.msk [tilespmem:v5+s26+$0x0], $0xffff;
	v5 =	vor.u32 v13, v6  }
0xd6: {  	v24 =	vld.idx.msk [tilespmem:v9+s26+$0x0], $0xffff;
	v21 =	vor.u32 v19, v6  }
0xd7: {  	v11 =	vor.u32 v11, v14;
	v9 =	vadd.s32 v59, v12;
	v53 =	vadd.s32 v41, v12;
	v42 =	vld.idx.msk [tilespmem:v10+s29+$0x0], $0xffff  }
0xd8: {  	v13 =	vadd.s32 v60, v12;
	v46 =	vmul.f32 v3, v7;
	v3 =	vadd.s32 v58, v12;
	v2 =	vld.idx.msk [tilespmem:v2+s29+$0x0], $0xffff  }
0xd9: {  	v47 =	vmul.f32 v4, v8;
	v4 =	vadd.s32 v40, v12;
	v10 =	vadd.s32 v26, v43;
	v12 =	vld.idx.msk [tilespmem:v22+s26+$0x0], $0xffff  }
0xda: {  	v25 =	vld.idx.msk [tilespmem:v5+s29+$0x0], $0xffff  }
0xdb: {  	v6 =	vld.idx.msk [tilespmem:v21+s29+$0x0], $0xffff;
	v21 =	vor.u32 v19, v14  }
0xdc: {  	v52 =	vimm.f32 $0.0e+00;
	v8 =	vadd.s32 $0x41, v43;
	v5 =	vld.idx.msk [tilespmem:v11+s26+$0x0], $0xffff  }
0xdd: {  	v49 =	vadd.s32 v61, v43;
	v8 =	vand.u32 $0xFFFFFFFD, v8;
	v7 =	vld.idx.msk [tilespmem:v13+s29+$0x0], $0xffff;
	v11 =	vadd.s32 $0x21, v43  }
0xde: {  	v17 =	vadd.s32 v38, v8;
	v50 =	vmul.f32 v20, v18;
	v13 =	vand.u32 $0xFFFFFFFD, v11;
	v14 =	vld.idx.msk [tilespmem:v10+s29+$0x0], $0xffff  }
0xdf: {  	v11 =	vadd.s32 v37, v8;
	v8 =	vadd.s32 $0x61, v43;
	v18 =	vld.idx.msk [tilespmem:v3+s29+$0x0], $0xffff;
	v3 =	vimm.f32 $0.0e+00  }
0xe0: {  	v19 =	vadd.s32 v38, v13;
	v8 =	vand.u32 $0xFFFFFFFD, v8;
	v10 =	vadd.s32 v37, v13;
	v22 =	vld.idx.msk [tilespmem:v21+s26+$0x0], $0xffff  }
0xe1: {  	v13 =	vmul.f32 v42, v24;
	v24 =	vadd.s32 v38, v8;
	v25 =	vmul.f32 v25, v23;
	v21 =	vld.idx.msk [tilespmem:v4+s29+$0x0], $0xffff  }
0xe2: {  	s23 =	simm.s32 $0x0;
	v20 =	vadd.s32 v37, v8;
	v8 =	vimm.f32 $0.0e+00;
	v23 =	vld.idx.msk [tilespmem:v53+s26+$0x0], $0xffff;
	v4 =	vimm.f32 $0.0e+00  }
.LBB2_9:
0xe3: {  	s23 =	sadd.s32 $0x4, s23;
	v25 =	vadd.f32 v25, v52;
	v9 =	vld.idx.msk [tilespmem:v9+s26+$0x0], $0xffff;
	v14 =	vmul.f32 v14, v51;
	v43 =	vadd.s32 $0x4, v43  }
0xe4: {  	v42 =	vadd.s32 $0x22, v43;
	v51 =	vadd.s32 $0x42, v43;
	v52 =	vadd.s32 $0x62, v43;
	p0 =	slt.u32 s23, $0x1C;
	v17 =	vld.idx.msk [tilespmem:v17+s29+$0x0], $0xffff  }
0xe5: {  	v6 =	vmul.f32 v6, v22;
	v51 =	vand.u32 $0xFFFFFFFE, v51;
	v52 =	vand.u32 $0xFFFFFFFE, v52;
	v19 =	vld.idx.msk [tilespmem:v19+s29+$0x0], $0xffff  }
0xe6: {  	v53 =	vadd.s32 v62, v43;
	v22 =	vand.u32 $0xFFFFFFFE, v42;
	v42 =	vadd.s32 v37, v52;
	v24 =	vld.idx.msk [tilespmem:v24+s29+$0x0], $0xffff  }
0xe7: {  	v55 =	vadd.s32 v61, v43;
	v54 =	vadd.s32 v37, v51;
	v51 =	vadd.s32 v38, v51;
	v11 =	vld.idx.msk [tilespmem:v11+s26+$0x0], $0xffff  }
0xe8: {  	v2 =	vmul.f32 v2, v5;
	v13 =	vadd.f32 v13, v25;
	v18 =	vmul.f32 v18, v23;
	v20 =	vld.idx.msk [tilespmem:v20+s26+$0x0], $0xffff  }
0xe9: {  	v5 =	vadd.s32 v37, v22;
	v12 =	vmul.f32 v21, v12;
	v23 =	vadd.s32 v38, v52;
	v10 =	vld.idx.msk [tilespmem:v10+s26+$0x0], $0xffff  }
0xea: {  	v21 =	vadd.s32 v38, v22;
	v6 =	vadd.f32 v6, v13;
	v7 =	vmul.f32 v7, v9;
	v9 =	vld.idx.msk [tilespmem:v49+s26+$0x0], $0xffff  }
0xeb: {  	v25 =	vadd.s32 v29, v43;
	v22 =	vadd.s32 v63, v43;
	v8 =	vadd.f32 v12, v8;
	v13 =	vld.idx.msk [tilespmem:v42+s26+$0x0], $0xffff  }
0xec: {  	v52 =	vadd.f32 v2, v6;
	v4 =	vadd.f32 v7, v4;
	v7 =	vmul.f32 v48, v45;
	v12 =	vld.idx.msk [tilespmem:v54+s26+$0x0], $0xffff  }
0xed: {  	v6 =	vadd.s32 v16, v43;
	v3 =	vadd.f32 v18, v3;
	v11 =	vmul.f32 v17, v11;
	v2 =	vld.idx.msk [tilespmem:v51+s29+$0x0], $0xffff  }
0xee: {  	v18 =	vand.u32 $0x4, v43;
	v49 =	vmovc v55;
	v17 =	vand.u32 $0xFFFFFFF8, v43;
	v20 =	vmul.f32 v24, v20;
	v23 =	vld.idx.msk [tilespmem:v23+s29+$0x0], $0xffff  }
0xef: {  	v24 =	vadd.s32 v37, v17;
	v42 =	vadd.s32 v38, v17;
	v45 =	vld.idx.msk [tilespmem:v5+s26+$0x0], $0xffff;
	v5 =	vmul.f32 v19, v10  }
0xf0: {  	v10 =	vor.u32 v18, v24;
	v19 =	vor.u32 v18, v42;
	v54 =	vmul.f32 v44, v9;
	v22 =	vld.idx.msk [tilespmem:v22+s26+$0x0], $0xffff  }
0xf1: {  	v55 =	vor.u32 v18, v17;
	v9 =	vor.u32 $0x1, v18;
	v4 =	vadd.f32 v20, v4;
	v44 =	vld.idx.msk [tilespmem:v53+s29+$0x0], $0xffff  }
0xf2: {  	v3 =	vadd.f32 v11, v3;
	v20 =	vadd.s32 v39, v55;
	v17 =	vor.u32 v9, v24;
	v51 =	vld.idx.msk [tilespmem:v6+s26+$0x0], $0xffff  }
0xf3: {  	v11 =	vor.u32 $0x3, v18;
	v6 =	vor.u32 v9, v42;
	v9 =	vor.u32 $0x2, v18;
	v18 =	vld.idx.msk [tilespmem:v25+s29+$0x0], $0xffff  }
0xf4: {  	v3 =	vadd.f32 v46, v3;
	v25 =	vor.u32 v9, v24;
	v53 =	vor.u32 v9, v42;
	v48 =	vld.idx.msk [tilespmem:v21+s29+$0x0], $0xffff  }
0xf5: {  	v4 =	vadd.f32 v47, v4;
	v21 =	vld.idx.msk [tilespmem:v10+s26+$0x0], $0xffff;
	v10 =	vor.u32 v11, v24;
	v11 =	vor.u32 v11, v42  }
0xf6: {  	v5 =	vadd.f32 v5, v8;
	v9 =	vadd.s32 v59, v55;
	v42 =	vld.idx.msk [tilespmem:v19+s29+$0x0], $0xffff;
	v19 =	vadd.s32 v60, v55  }
0xf7: {  	v46 =	vmul.f32 v2, v12;
	v3 =	vadd.f32 v50, v3;
	v4 =	vadd.f32 v14, v4;
	v24 =	vld.idx.msk [tilespmem:v17+s26+$0x0], $0xffff  }
0xf8: {  	v12 =	vadd.s32 v26, v43;
	v47 =	vmul.f32 v23, v13;
	v5 =	vadd.f32 v7, v5;
	v56 =	vld.idx.msk [tilespmem:v6+s29+$0x0], $0xffff  }
0xf9: {  	v57 =	vadd.s32 v58, v55;
	v2 =	vadd.s32 $0x41, v43;
	v23 =	vadd.s32 v40, v55;
	v6 =	vld.idx.msk [tilespmem:v53+s29+$0x0], $0xffff  }
0xfa: {  	v7 =	vadd.s32 $0x21, v43;
	v13 =	vand.u32 $0xFFFFFFFD, v2;
	v8 =	vadd.f32 v54, v5;
	v2 =	vld.idx.msk [tilespmem:v11+s29+$0x0], $0xffff  }
0xfb: {  	v14 =	vand.u32 $0xFFFFFFFD, v7;
	v17 =	vadd.s32 v38, v13;
	v11 =	vadd.s32 v37, v13;
	v5 =	vld.idx.msk [tilespmem:v10+s26+$0x0], $0xffff  }
0xfc: {  	v53 =	vadd.s32 v41, v55;
	v10 =	vadd.s32 v37, v14;
	v7 =	vld.idx.msk [tilespmem:v19+s29+$0x0], $0xffff;
	v19 =	vadd.s32 v38, v14  }
0xfd: {  	v50 =	vmul.f32 v18, v22;
	v14 =	vld.idx.msk [tilespmem:v12+s29+$0x0], $0xffff  }
.Ltmp5:
0xfe: {  	v18 =	vadd.s32 $0x61, v43;
	v13 =	vmul.f32 v56, v24;
	v12 =	vld.idx.msk [tilespmem:v20+s26+$0x0], $0xffff;
	(pc) =	sbr.rel @p0 .LBB2_9-.Ltmp5, $4  }
0xff: {  	v24 =	vand.u32 $0xFFFFFFFD, v18;
	v22 =	vld.idx.msk [tilespmem:v25+s26+$0x0], $0xffff  }
0x100: {  	v20 =	vadd.s32 v37, v24;
	v24 =	vadd.s32 v38, v24;
	v18 =	vld.idx.msk [tilespmem:v57+s29+$0x0], $0xffff  }
0x101: {  	v25 =	vmul.f32 v42, v21;
	v21 =	vld.idx.msk [tilespmem:v23+s29+$0x0], $0xffff  }
0x102: {  	v23 =	vld.idx.msk [tilespmem:v53+s26+$0x0], $0xffff  }
0x103: {  	_ =	sdelay $0x3  }
0x104: {  	v9 =	vld.idx.msk [tilespmem:v9+s26+$0x0], $0xffff  }
0x105: {  	v17 =	vld.idx.msk [tilespmem:v17+s29+$0x0], $0xffff  }
0x106: {  	v19 =	vld.idx.msk [tilespmem:v19+s29+$0x0], $0xffff  }
0x107: {  	v24 =	vld.idx.msk [tilespmem:v24+s29+$0x0], $0xffff  }
0x108: {  	v11 =	vld.idx.msk [tilespmem:v11+s26+$0x0], $0xffff  }
0x109: {  	v10 =	vld.idx.msk [tilespmem:v10+s26+$0x0], $0xffff  }
0x10a: {  	v20 =	vld.idx.msk [tilespmem:v20+s26+$0x0], $0xffff;
	_ =	sdelay $0x1  }
0x10b: {  	v12 =	vmul.f32 v21, v12;
	v7 =	vmul.f32 v7, v9  }
0x10c: {  	v6 =	vmul.f32 v6, v22;
	v21 =	vld.idx.msk [tilespmem:v49+s26+$0x0], $0xffff;
	v18 =	vmul.f32 v18, v23;
	v9 =	vadd.f32 v25, v52  }
0x10d: {  	v8 =	vadd.f32 v12, v8;
	v4 =	vadd.f32 v7, v4;
	v7 =	vmul.f32 v19, v10  }
0x10e: {  	v3 =	vadd.f32 v18, v3;
	v10 =	vmul.f32 v17, v11;
	v11 =	vmul.f32 v24, v20  }
0x10f: {  	v33 =	vld [tilespmem:$0x1FE20];
	v12 =	vmul.f32 v48, v45;
	v9 =	vadd.f32 v13, v9;
	v7 =	vadd.f32 v7, v8  }
0x110: {  	v2 =	vmul.f32 v2, v5;
	v32 =	vld [tilespmem:$0x1FE10];
	v4 =	vadd.f32 v11, v4;
	v3 =	vadd.f32 v10, v3  }
0x111: {  	v15 =	vld [tilespmem:$0x1FDA0];
	v5 =	vadd.f32 v6, v9;
	v6 =	vmul.f32 v44, v21;
	v7 =	vadd.f32 v12, v7  }
0x112: {  	v35 =	vld [tilespmem:$0x1FE40];
	v8 =	vmul.f32 v14, v51;
	v3 =	vadd.f32 v46, v3;
	v4 =	vadd.f32 v47, v4  }
0x113: {  	v16 =	vld [tilespmem:$0x1FDB0];
	v2 =	vadd.f32 v2, v5;
	v5 =	vadd.f32 v6, v7  }
0x114: {  	v31 =	vld [tilespmem:$0x1FE00];
	v44 =	vimm.s32 $0x0;
	v3 =	vadd.f32 v50, v3;
	v4 =	vadd.f32 v8, v4  }
0x115: {  	v36 =	vld [tilespmem:$0x1FE50];
	v6 =	vadd.s32 $0x42, v44  }
0x116: {  	v34 =	vld [tilespmem:$0x1FE30];
	v8 =	vadd.s32 v32, v44;
	v2 =	vadd.f32 v5, v2;
	v3 =	vadd.f32 v4, v3  }
0x117: {  	v26 =	vld [tilespmem:$0x1FDC0];
	v17 =	vadd.s32 v35, v44;
	v6 =	vand.u32 $0xFFFFFFFE, v6;
	v5 =	vadd.s32 $0x22, v44  }
0x118: {  	v28 =	vld [tilespmem:$0x1FDE0];
	v4 =	vand.u32 $0xFFFFFFFE, v5;
	v5 =	vadd.s32 v30, v6;
	v2 =	vadd.f32 v3, v2  }
0x119: {  	v29 =	vld [tilespmem:$0x1FDF0];
	v7 =	vadd.s32 v30, v4  }
0x11a: {  	v27 =	vld [tilespmem:$0x1FDD0];
	v3 =	vadd.s32 v33, v44;
	[tilespmem:$0x1F820] =	vst v2  }
0x11b: {  	v4 =	vadd.s32 v15, v4;
	v2 =	vadd.s32 v15, v6;
	v6 =	vand.u32 $0xFFFFFFF8, v44;
	v55 =	vld.idx.msk [tilespmem:v8+s26+$0x0], $0xffff  }
0x11c: {  	v9 =	vand.u32 $0x4, v44;
	v10 =	vadd.s32 v15, v6;
	v51 =	vld.idx.msk [tilespmem:v17+s29+$0x0], $0xffff  }
0x11d: {  	v43 =	vld.idx.msk [tilespmem:v5+s29+$0x0], $0xffff;
	v5 =	vadd.s32 v30, v6;
	v11 =	vor.u32 v9, v10  }
0x11e: {  	v6 =	vor.u32 v9, v6;
	v45 =	vld.idx.msk [tilespmem:v7+s29+$0x0], $0xffff;
	v7 =	vor.u32 v9, v5  }
0x11f: {  	v53 =	vld.idx.msk [tilespmem:v3+s29+$0x0], $0xffff;
	v12 =	vadd.s32 v16, v6  }
0x120: {  	v3 =	vor.u32 $0x1, v9;
	v49 =	vld.idx.msk [tilespmem:v4+s26+$0x0], $0xffff;
	v22 =	vadd.s32 v29, v6  }
0x121: {  	v8 =	vor.u32 v3, v5;
	v48 =	vld.idx.msk [tilespmem:v2+s26+$0x0], $0xffff  }
0x122: {  	v4 =	vor.u32 $0x3, v9;
	v3 =	vor.u32 v3, v10;
	v2 =	vld.idx.msk [tilespmem:v11+s26+$0x0], $0xffff  }
0x123: {  	v13 =	vor.u32 v4, v10;
	v11 =	vor.u32 v4, v5;
	v4 =	vld.idx.msk [tilespmem:v7+s29+$0x0], $0xffff  }
0x124: {  	v23 =	vadd.s32 v26, v6;
	v56 =	vld.idx.msk [tilespmem:v12+s26+$0x0], $0xffff  }
0x125: {  	v52 =	vimm.s32 $0x0;
	v47 =	vadd.s32 v36, v44;
	v7 =	vor.u32 $0x2, v9;
	v22 =	vld.idx.msk [tilespmem:v22+s26+$0x0], $0xffff  }
0x126: {  	v46 =	vadd.s32 v34, v44;
	v9 =	vadd.s32 v31, v6;
	v12 =	vor.u32 v7, v10;
	v8 =	vld.idx.msk [tilespmem:v8+s29+$0x0], $0xffff  }
0x127: {  	v14 =	vld.idx.msk [tilespmem:v3+s26+$0x0], $0xffff;
	v19 =	vor.u32 v7, v5;
	v7 =	vadd.s32 $0x61, v44;
	v10 =	vadd.s32 $0x21, v44  }
0x128: {  	v50 =	vimm.f32 $0.0e+00;
	v5 =	vld.idx.msk [tilespmem:v13+s26+$0x0], $0xffff;
	v20 =	vand.u32 $0xFFFFFFFD, v7;
	v13 =	vand.u32 $0xFFFFFFFD, v10  }
0x129: {  	v21 =	vadd.s32 v28, v6;
	v23 =	vld.idx.msk [tilespmem:v23+s29+$0x0], $0xffff;
	v18 =	vadd.s32 v15, v20;
	v7 =	vadd.s32 v15, v13  }
0x12a: {  	v13 =	vadd.s32 v30, v13;
	v3 =	vld.idx.msk [tilespmem:v11+s29+$0x0], $0xffff;
	v11 =	vadd.s32 v27, v6;
	v6 =	vadd.s32 $0x41, v44  }
0x12b: {  	v24 =	vadd.s32 v30, v20;
	v10 =	vld.idx.msk [tilespmem:v9+s29+$0x0], $0xffff;
	v6 =	vand.u32 $0xFFFFFFFD, v6;
	v9 =	vimm.f32 $0.0e+00  }
0x12c: {  	v17 =	vmul.f32 v8, v14;
	v8 =	vadd.s32 $0x62, v44;
	v20 =	vld.idx.msk [tilespmem:v19+s29+$0x0], $0xffff;
	v19 =	vadd.s32 v15, v6  }
0x12d: {  	v12 =	vld.idx.msk [tilespmem:v12+s26+$0x0], $0xffff;
	v42 =	vadd.s32 v30, v6;
	v6 =	vand.u32 $0xFFFFFFFE, v8;
	v8 =	vimm.f32 $0.0e+00  }
0x12e: {  	s23 =	simm.s32 $0x0;
	v14 =	vld.idx.msk [tilespmem:v21+s29+$0x0], $0xffff;
	v21 =	vadd.s32 v15, v6;
	v57 =	vadd.s32 v30, v6;
	v6 =	vimm.f32 $0.0e+00  }
.LBB2_11:
0x12f: {  	s23 =	sadd.s32 $0x4, s23;
	v2 =	vmul.f32 v4, v2;
	v4 =	vld.idx.msk [tilespmem:v11+s26+$0x0], $0xffff;
	v25 =	vmul.f32 v53, v55;
	v44 =	vadd.s32 $0x4, v44  }
0x130: {  	v54 =	vor.u32 $0x1063, v1;
	v11 =	vadd.s32 $0x22, v44;
	v53 =	vadd.s32 $0x42, v44;
	p0 =	slt.u32 s23, $0x1C;
	v24 =	vld.idx.msk [tilespmem:v24+s29+$0x0], $0xffff  }
0x131: {  	v55 =	vadd.s32 v54, v52;
	v52 =	vmovc v44;
	v11 =	vand.u32 $0xFFFFFFFE, v11;
	v2 =	vadd.f32 v2, v50;
	v18 =	vld.idx.msk [tilespmem:v18+s26+$0x0], $0xffff  }
0x132: {  	v50 =	vand.u32 $0xFFFFFFFE, v53;
	v58 =	vadd.s32 v15, v11;
	v11 =	vadd.s32 v30, v11;
	v42 =	vld.idx.msk [tilespmem:v42+s29+$0x0], $0xffff  }
0x133: {  	v12 =	vmul.f32 v20, v12;
	v10 =	vmul.f32 v10, v22;
	v2 =	vadd.f32 v17, v2;
	v17 =	vld.idx.msk [tilespmem:v57+s29+$0x0], $0xffff  }
0x134: {  	v3 =	vmul.f32 v3, v5;
	v20 =	vadd.s32 v15, v50;
	v22 =	vmul.f32 v23, v56;
	v13 =	vld.idx.msk [tilespmem:v13+s29+$0x0], $0xffff  }
0x135: {  	v4 =	vmul.f32 v14, v4;
	v5 =	vadd.f32 v10, v6;
	v2 =	vadd.f32 v12, v2;
	v6 =	vld.idx.msk [tilespmem:v21+s26+$0x0], $0xffff  }
0x136: {  	v10 =	vadd.s32 v30, v50;
	v9 =	vadd.f32 v22, v9;
	v12 =	vld.idx.msk [tilespmem:v19+s26+$0x0], $0xffff  }
0x137: {  	v14 =	vadd.s32 v36, v44;
	v8 =	vadd.f32 v4, v8;
	v4 =	vld.idx.msk [tilespmem:v7+s26+$0x0], $0xffff;
	v50 =	vadd.f32 v3, v2  }
0x138: {  	v2 =	vadd.s32 v32, v44;
	v3 =	vadd.s32 v33, v44;
	v7 =	vmul.f32 v24, v18;
	v18 =	vld.idx.msk [tilespmem:v55+s29+$0x0], $0xffff  }
0x139: {  	v21 =	vmul.f32 v43, v48;
	v19 =	vmul.f32 v45, v49;
	v22 =	vld.idx.msk [tilespmem:v46+s26+$0x0], $0xffff;
	v46 =	vadd.s32 v34, v44  }
0x13a: {  	v23 =	vand.u32 $0xFFFFFFF8, v44;
	v24 =	vand.u32 $0x4, v44;
	v56 =	vld.idx.msk [tilespmem:v47+s26+$0x0], $0xffff;
	v47 =	vmov v14  }
0x13b: {  	v57 =	vadd.s32 v30, v23;
	v14 =	vadd.s32 v15, v23;
	v6 =	vmul.f32 v17, v6;
	v43 =	vld.idx.msk [tilespmem:v10+s29+$0x0], $0xffff  }
0x13c: {  	v17 =	vor.u32 v24, v57;
	v10 =	vor.u32 v24, v14;
	v12 =	vmul.f32 v42, v12;
	v45 =	vld.idx.msk [tilespmem:v11+s29+$0x0], $0xffff  }
0x13d: {  	v23 =	vor.u32 v24, v23;
	v11 =	vor.u32 $0x1, v24;
	v53 =	vld.idx.msk [tilespmem:v3+s29+$0x0], $0xffff;
	v3 =	vadd.f32 v7, v5  }
0x13e: {  	v59 =	vadd.s32 v26, v23;
	v5 =	vadd.s32 v16, v23;
	v55 =	vld.idx.msk [tilespmem:v2+s26+$0x0], $0xffff;
	v2 =	vmul.f32 v13, v4  }
0x13f: {  	v7 =	vor.u32 v11, v14;
	v13 =	vor.u32 v11, v57;
	v48 =	vld.idx.msk [tilespmem:v20+s26+$0x0], $0xffff;
	v3 =	vadd.f32 v6, v3  }
0x140: {  	v4 =	vor.u32 $0x3, v24;
	v6 =	vor.u32 $0x2, v24;
	v49 =	vld.idx.msk [tilespmem:v58+s26+$0x0], $0xffff;
	v9 =	vadd.f32 v2, v9  }
0x141: {  	v20 =	vor.u32 v4, v57;
	v18 =	vmul.f32 v18, v56;
	v2 =	vld.idx.msk [tilespmem:v10+s26+$0x0], $0xffff;
	v10 =	vor.u32 v4, v14  }
0x142: {  	v42 =	vadd.s32 v28, v23;
	v11 =	vadd.s32 v27, v23;
	v4 =	vld.idx.msk [tilespmem:v17+s29+$0x0], $0xffff;
	v17 =	vmul.f32 v51, v22  }
0x143: {  	v14 =	vor.u32 v6, v14;
	v22 =	vadd.s32 v31, v23;
	v56 =	vld.idx.msk [tilespmem:v5+s26+$0x0], $0xffff;
	v5 =	vadd.f32 v12, v8  }
0x144: {  	v57 =	vor.u32 v6, v57;
	v6 =	vadd.f32 v18, v3;
	v8 =	vadd.f32 v19, v9;
	v58 =	vld.idx.msk [tilespmem:v13+s29+$0x0], $0xffff  }
0x145: {  	v3 =	vadd.s32 $0x61, v44;
	v51 =	vadd.s32 v35, v44;
	v19 =	vld.idx.msk [tilespmem:v7+s26+$0x0], $0xffff;
	v7 =	vadd.f32 v21, v5  }
0x146: {  	v5 =	vadd.s32 $0x21, v44;
	v21 =	vand.u32 $0xFFFFFFFD, v3;
	v9 =	vadd.f32 v25, v8;
	v3 =	vld.idx.msk [tilespmem:v20+s29+$0x0], $0xffff  }
0x147: {  	v12 =	vand.u32 $0xFFFFFFFD, v5;
	v18 =	vadd.s32 v15, v21;
	v5 =	vld.idx.msk [tilespmem:v10+s26+$0x0], $0xffff;
	v8 =	vadd.f32 v17, v7  }
0x148: {  	v23 =	vadd.s32 v29, v23;
	v7 =	vadd.s32 v15, v12;
	v13 =	vadd.s32 v30, v12;
	v10 =	vld.idx.msk [tilespmem:v22+s29+$0x0], $0xffff  }
0x149: {  	v12 =	vld.idx.msk [tilespmem:v14+s26+$0x0], $0xffff  }
.Ltmp6:
0x14a: {  	v24 =	vadd.s32 v30, v21;
	v14 =	vadd.s32 $0x41, v44;
	v51 =	vld.idx.msk [tilespmem:v51+s29+$0x0], $0xffff;
	(pc) =	sbr.rel @p0 .LBB2_11-.Ltmp6, $4  }
0x14b: {  	v22 =	vadd.s32 $0x62, v44;
	v17 =	vmul.f32 v58, v19;
	v21 =	vand.u32 $0xFFFFFFFD, v14;
	v20 =	vld.idx.msk [tilespmem:v57+s29+$0x0], $0xffff  }
0x14c: {  	v25 =	vand.u32 $0xFFFFFFFE, v22;
	v19 =	vadd.s32 v15, v21;
	v14 =	vld.idx.msk [tilespmem:v42+s29+$0x0], $0xffff;
	v42 =	vadd.s32 v30, v21  }
0x14d: {  	v57 =	vadd.s32 v30, v25;
	v21 =	vadd.s32 v15, v25;
	v22 =	vld.idx.msk [tilespmem:v23+s26+$0x0], $0xffff  }
0x14e: {  	v23 =	vld.idx.msk [tilespmem:v59+s29+$0x0], $0xffff  }
0x14f: {  	_ =	sdelay $0x3  }
0x150: {  	v11 =	vld.idx.msk [tilespmem:v11+s26+$0x0], $0xffff  }
0x151: {  	v24 =	vld.idx.msk [tilespmem:v24+s29+$0x0], $0xffff  }
0x152: {  	v18 =	vld.idx.msk [tilespmem:v18+s26+$0x0], $0xffff  }
0x153: {  	v25 =	vld.idx.msk [tilespmem:v42+s29+$0x0], $0xffff  }
0x154: {  	v44 =	vld.idx.msk [tilespmem:v57+s29+$0x0], $0xffff  }
0x155: {  	v13 =	vld.idx.msk [tilespmem:v13+s29+$0x0], $0xffff  }
0x156: {  	v37 =	vadd.s32 v54, v52;
	v2 =	vmul.f32 v4, v2;
	v4 =	vld.idx.msk [tilespmem:v19+s26+$0x0], $0xffff  }
0x157: {  	v7 =	vld.idx.msk [tilespmem:v7+s26+$0x0], $0xffff;
	v19 =	vmul.f32 v53, v55;
	v3 =	vmul.f32 v3, v5  }
0x158: {  	v21 =	vld.idx.msk [tilespmem:v21+s26+$0x0], $0xffff;
	v42 =	vimm.f32 $0.0e+00;
	v55 =	vadd.s32 $0x1B43, v0;
	v57 =	vor.u32 $0x1843, v1  }
0x159: {  	v54 =	vadd.s32 $0x1B63, v0;
	v60 =	vimm.f32 $0.0e+00;
	v2 =	vadd.f32 v2, v50  }
0x15a: {  	v12 =	vmul.f32 v20, v12;
	v50 =	vadd.s32 $0x1B60, v0;
	v10 =	vmul.f32 v10, v22  }
0x15b: {  	v20 =	vmul.f32 v23, v56;
	v2 =	vadd.f32 v17, v2;
	v22 =	vld.idx.msk [tilespmem:v37+s29+$0x0], $0xffff;
	v5 =	vmul.f32 v14, v11  }
0x15c: {  	v11 =	vld.idx.msk [tilespmem:v47+s26+$0x0], $0xffff;
	v6 =	vadd.f32 v10, v6;
	v10 =	vmul.f32 v24, v18;
	v4 =	vmul.f32 v25, v4  }
0x15d: {  	v14 =	vld.idx.msk [tilespmem:v46+s26+$0x0], $0xffff;
	v7 =	vmul.f32 v13, v7;
	v13 =	vmul.f32 v44, v21;
	v9 =	vadd.f32 v20, v9  }
0x15e: {  	v46 =	vadd.s32 $0x1B00, v0;
	v2 =	vadd.f32 v12, v2;
	v5 =	vadd.f32 v5, v8  }
0x15f: {  	v8 =	vmul.f32 v45, v49;
	v6 =	vadd.f32 v10, v6;
	v7 =	vadd.f32 v7, v9  }
0x160: {  	v10 =	vmul.f32 v43, v48;
	v43 =	vimm.s32 $0x0;
	v4 =	vadd.f32 v4, v5  }
0x161: {  	v5 =	vadd.f32 v13, v6;
	v6 =	vmul.f32 v22, v11;
	v7 =	vadd.f32 v8, v7  }
0x162: {  	v2 =	vadd.f32 v3, v2;
	v9 =	vmul.f32 v51, v14;
	v4 =	vadd.f32 v10, v4  }
0x163: {  	v8 =	vand.u32 $0x4, v43;
	v3 =	vadd.f32 v6, v5;
	v5 =	vadd.f32 v19, v7  }
0x164: {  	v6 =	vadd.s32 $0x41, v43;
	v7 =	vand.u32 $0xFFFFFFF8, v43;
	v4 =	vadd.f32 v9, v4  }
0x165: {  	v47 =	vadd.s32 $0x1B20, v0;
	v6 =	vand.u32 $0xFFFFFFFD, v6;
	v11 =	vor.u32 v8, v7  }
0x166: {  	v2 =	vadd.f32 v5, v2;
	v9 =	vadd.s32 v46, v6;
	v3 =	vadd.f32 v3, v4  }
0x167: {  	v45 =	vor.u32 $0x1800, v1;
	v49 =	vor.u32 $0x1820, v1;
	v12 =	vadd.s32 v47, v11  }
0x168: {  	v48 =	vor.u32 $0x1840, v1;
	v14 =	vadd.s32 v49, v11;
	v2 =	vadd.f32 v3, v2  }
0x169: {  	v18 =	vadd.s32 $0x22, v43;
	v51 =	vadd.s32 $0x1B40, v0;
	v6 =	vadd.s32 v45, v6  }
0x16a: {  	v21 =	vand.u32 $0xFFFFFFFE, v18;
	v5 =	vadd.s32 $0x61, v43;
	v18 =	vadd.s32 v51, v11;
	[tilespmem:$0x1F830] =	vst v2  }
0x16b: {  	v56 =	vor.u32 $0x1863, v1;
	v24 =	vadd.s32 v48, v11;
	v5 =	vand.u32 $0xFFFFFFFD, v5;
	v19 =	vld.idx.msk [tilespmem:v9+s26+$0x0], $0xffff  }
0x16c: {  	v17 =	vor.u32 $0x1, v8;
	v10 =	vadd.s32 v45, v5;
	v2 =	vadd.s32 v46, v7;
	v22 =	vld.idx.msk [tilespmem:v12+s26+$0x0], $0xffff  }
0x16d: {  	v13 =	vadd.s32 $0x21, v43;
	v7 =	vadd.s32 v45, v7;
	v9 =	vor.u32 v17, v2;
	v38 =	vld.idx.msk [tilespmem:v14+s29+$0x0], $0xffff  }
0x16e: {  	v44 =	vor.u32 $0x1860, v1;
	v13 =	vand.u32 $0xFFFFFFFD, v13;
	v17 =	vor.u32 v17, v7;
	v6 =	vld.idx.msk [tilespmem:v6+s29+$0x0], $0xffff  }
0x16f: {  	v41 =	vadd.s32 v46, v21;
	v21 =	vadd.s32 v45, v21;
	v23 =	vadd.s32 v45, v13;
	v18 =	vld.idx.msk [tilespmem:v18+s26+$0x0], $0xffff  }
0x170: {  	v13 =	vadd.s32 v46, v13;
	v40 =	vor.u32 $0x2, v8;
	v4 =	vadd.s32 $0x62, v43;
	v24 =	vld.idx.msk [tilespmem:v24+s29+$0x0], $0xffff  }
0x171: {  	v62 =	vadd.s32 v50, v11;
	v20 =	vand.u32 $0xFFFFFFFE, v4;
	v3 =	vadd.s32 $0x42, v43;
	v52 =	vld.idx.msk [tilespmem:v10+s29+$0x0], $0xffff  }
0x172: {  	v25 =	vadd.s32 v45, v20;
	v12 =	vand.u32 $0xFFFFFFFE, v3;
	v3 =	vor.u32 v8, v2;
	v39 =	vld.idx.msk [tilespmem:v9+s26+$0x0], $0xffff  }
0x173: {  	v4 =	vor.u32 v8, v7;
	v14 =	vor.u32 $0x3, v8;
	v58 =	vadd.s32 v45, v12;
	v59 =	vld.idx.msk [tilespmem:v17+s29+$0x0], $0xffff  }
0x174: {  	v10 =	vadd.s32 v46, v12;
	v12 =	vor.u32 v14, v7;
	v9 =	vor.u32 v14, v2;
	v14 =	vld.idx.msk [tilespmem:v23+s29+$0x0], $0xffff  }
0x175: {  	v8 =	vadd.s32 v46, v5;
	v17 =	vadd.s32 v44, v11;
	v11 =	vadd.s32 v46, v20;
	v20 =	vld.idx.msk [tilespmem:v13+s26+$0x0], $0xffff  }
0x176: {  	v61 =	vor.u32 v40, v2;
	v2 =	vor.u32 v40, v7;
	v22 =	vmul.f32 v38, v22;
	v7 =	vld.idx.msk [tilespmem:v41+s26+$0x0], $0xffff  }
0x177: {  	v5 =	vmul.f32 v6, v19;
	v19 =	vadd.s32 v57, v43;
	v13 =	vld.idx.msk [tilespmem:v21+s29+$0x0], $0xffff;
	v21 =	vimm.f32 $0.0e+00  }
0x178: {  	s23 =	simm.s32 $0x0;
	v6 =	vimm.f32 $0.0e+00;
	v23 =	vld.idx.msk [tilespmem:v58+s29+$0x0], $0xffff;
	v58 =	vimm.s32 $0x0;
	v53 =	vmul.f32 v59, v39  }
.LBB2_13:
0x179: {  	s23 =	sadd.s32 $0x4, s23;
	v18 =	vmul.f32 v24, v18;
	v24 =	vld.idx.msk [tilespmem:v25+s29+$0x0], $0xffff;
	v25 =	vadd.s32 v55, v43;
	v58 =	vadd.s32 $0x4, v58  }
0x17a: {  	v59 =	vor.u32 $0x1823, v1;
	v63 =	vadd.s32 v56, v43;
	p0 =	slt.u32 s23, $0x1C;
	v3 =	vld.idx.msk [tilespmem:v3+s26+$0x0], $0xffff  }
0x17b: {  	v26 =	vadd.s32 $0x42, v58;
	v27 =	vadd.s32 $0x62, v58;
	v18 =	vadd.f32 v18, v42;
	v10 =	vld.idx.msk [tilespmem:v10+s26+$0x0], $0xffff  }
0x17c: {  	v28 =	vadd.s32 v59, v43;
	v42 =	vadd.s32 $0x21, v58;
	v4 =	vld.idx.msk [tilespmem:v4+s29+$0x0], $0xffff  }
0x17d: {  	v31 =	vadd.s32 v54, v43;
	v42 =	vand.u32 $0xFFFFFFFD, v42;
	v17 =	vld.idx.msk [tilespmem:v17+s29+$0x0], $0xffff  }
0x17e: {  	v32 =	vadd.s32 $0x22, v58;
	v27 =	vand.u32 $0xFFFFFFFE, v27;
	v62 =	vld.idx.msk [tilespmem:v62+s26+$0x0], $0xffff  }
0x17f: {  	v32 =	vand.u32 $0xFFFFFFFE, v32;
	v26 =	vand.u32 $0xFFFFFFFE, v26;
	v33 =	vld.idx.msk [tilespmem:v63+s29+$0x0], $0xffff  }
0x180: {  	v21 =	vadd.f32 v22, v21;
	v14 =	vmul.f32 v14, v20;
	v63 =	vadd.s32 $0x1B23, v0;
	v12 =	vld.idx.msk [tilespmem:v12+s29+$0x0], $0xffff  }
0x181: {  	v10 =	vmul.f32 v23, v10;
	v8 =	vld.idx.msk [tilespmem:v8+s26+$0x0], $0xffff  }
0x182: {  	v20 =	vadd.s32 $0x61, v58;
	v22 =	vadd.s32 v45, v42;
	v23 =	vmul.f32 v4, v3;
	v4 =	vld.idx.msk [tilespmem:v9+s26+$0x0], $0xffff  }
0x183: {  	v3 =	vadd.s32 $0x41, v58;
	v9 =	vand.u32 $0xFFFFFFFD, v20;
	v20 =	vadd.s32 v63, v43;
	v43 =	vmovc v58;
	v11 =	vld.idx.msk [tilespmem:v11+s26+$0x0], $0xffff  }
0x184: {  	v34 =	vand.u32 $0xFFFFFFF8, v58;
	v14 =	vadd.f32 v14, v21;
	v35 =	vand.u32 $0xFFFFFFFD, v3;
	v21 =	vld.idx.msk [tilespmem:v31+s26+$0x0], $0xffff  }
0x185: {  	v3 =	vmul.f32 v17, v62;
	v31 =	vand.u32 $0x4, v58;
	v17 =	vld.idx.msk [tilespmem:v25+s26+$0x0], $0xffff  }
0x186: {  	v7 =	vmul.f32 v13, v7;
	v36 =	vadd.s32 v46, v35;
	v25 =	vor.u32 v31, v34;
	v13 =	vld.idx.msk [tilespmem:v19+s29+$0x0], $0xffff  }
0x187: {  	v5 =	vadd.f32 v5, v18;
	v37 =	vadd.s32 v45, v9;
	v19 =	vadd.s32 v46, v34;
	v18 =	vld.idx.msk [tilespmem:v28+s29+$0x0], $0xffff  }
0x188: {  	v6 =	vadd.f32 v3, v6;
	v38 =	vadd.s32 v51, v25;
	v28 =	vadd.s32 v47, v25;
	v20 =	vld.idx.msk [tilespmem:v20+s26+$0x0], $0xffff  }
0x189: {  	v5 =	vadd.f32 v10, v5;
	v39 =	vor.u32 $0x1, v31;
	v3 =	vor.u32 v31, v19;
	v2 =	vld.idx.msk [tilespmem:v2+s29+$0x0], $0xffff  }
0x18a: {  	v34 =	vadd.s32 v45, v34;
	v40 =	vadd.s32 v49, v25;
	v41 =	vmul.f32 v12, v4;
	v61 =	vld.idx.msk [tilespmem:v61+s26+$0x0], $0xffff  }
0x18b: {  	v62 =	vadd.s32 v50, v25;
	v12 =	vadd.s32 v45, v35;
	v33 =	vmul.f32 v33, v21;
	v36 =	vld.idx.msk [tilespmem:v36+s26+$0x0], $0xffff  }
0x18c: {  	v4 =	vor.u32 v31, v34;
	v35 =	vadd.s32 v48, v25;
	v13 =	vmul.f32 v13, v17;
	v37 =	vld.idx.msk [tilespmem:v37+s29+$0x0], $0xffff  }
0x18d: {  	v15 =	vmul.f32 v24, v11;
	v21 =	vor.u32 v39, v19;
	v39 =	vor.u32 v39, v34  }
0x18e: {  	v42 =	vadd.s32 v46, v42;
	v10 =	vadd.s32 v46, v26;
	v11 =	vor.u32 $0x3, v31;
	v28 =	vld.idx.msk [tilespmem:v28+s26+$0x0], $0xffff  }
0x18f: {  	v7 =	vadd.f32 v7, v14;
	v31 =	vor.u32 $0x2, v31;
	v14 =	vmul.f32 v18, v20;
	v40 =	vld.idx.msk [tilespmem:v40+s29+$0x0], $0xffff  }
0x190: {  	v26 =	vadd.s32 v45, v26;
	v20 =	vadd.f32 v23, v60;
	v23 =	vmul.f32 v52, v8;
	v18 =	vld.idx.msk [tilespmem:v38+s26+$0x0], $0xffff  }
0x191: {  	v17 =	vadd.s32 v44, v25;
	v8 =	vadd.s32 v46, v9;
	v2 =	vmul.f32 v2, v61;
	v38 =	vld.idx.msk [tilespmem:v12+s29+$0x0], $0xffff  }
0x192: {  	v52 =	vadd.s32 v46, v32;
	v6 =	vadd.f32 v23, v6;
	v12 =	vor.u32 v11, v34;
	v16 =	vld.idx.msk [tilespmem:v21+s26+$0x0], $0xffff  }
0x193: {  	v9 =	vor.u32 v11, v19;
	v20 =	vadd.f32 v53, v20;
	v21 =	vadd.f32 v14, v7;
	v39 =	vld.idx.msk [tilespmem:v39+s29+$0x0], $0xffff  }
0x194: {  	v32 =	vadd.s32 v45, v32;
	v11 =	vadd.s32 v46, v27;
	v6 =	vadd.f32 v15, v6;
	v24 =	vld.idx.msk [tilespmem:v35+s29+$0x0], $0xffff  }
.Ltmp7:
0x195: {  	v25 =	vadd.s32 v45, v27;
	v61 =	vor.u32 v31, v19;
	v15 =	vadd.f32 v2, v20;
	v14 =	vld.idx.msk [tilespmem:v22+s29+$0x0], $0xffff;
	(pc) =	sbr.rel @p0 .LBB2_13-.Ltmp7, $4  }
0x196: {  	v2 =	vor.u32 v31, v34;
	v6 =	vadd.f32 v33, v6;
	v20 =	vld.idx.msk [tilespmem:v42+s26+$0x0], $0xffff;
	v42 =	vadd.f32 v13, v5  }
0x197: {  	v60 =	vadd.f32 v41, v15;
	v22 =	vmul.f32 v40, v28;
	v5 =	vmul.f32 v38, v36;
	v7 =	vld.idx.msk [tilespmem:v52+s26+$0x0], $0xffff  }
0x198: {  	v52 =	vmov v37;
	v23 =	vld.idx.msk [tilespmem:v26+s29+$0x0], $0xffff  }
0x199: {  	v19 =	vadd.s32 v57, v58;
	v53 =	vmul.f32 v39, v16;
	v13 =	vld.idx.msk [tilespmem:v32+s29+$0x0], $0xffff  }
0x19a: {  	_ =	sdelay $0x3  }
0x19b: {  	v15 =	vld.idx.msk [tilespmem:v25+s29+$0x0], $0xffff  }
0x19c: {  	v3 =	vld.idx.msk [tilespmem:v3+s26+$0x0], $0xffff  }
0x19d: {  	v10 =	vld.idx.msk [tilespmem:v10+s26+$0x0], $0xffff  }
0x19e: {  	v4 =	vld.idx.msk [tilespmem:v4+s29+$0x0], $0xffff  }
0x19f: {  	v17 =	vld.idx.msk [tilespmem:v17+s29+$0x0], $0xffff  }
0x1a0: {  	v25 =	vld.idx.msk [tilespmem:v62+s26+$0x0], $0xffff  }
0x1a1: {  	v12 =	vld.idx.msk [tilespmem:v12+s29+$0x0], $0xffff  }
0x1a2: {  	v8 =	vld.idx.msk [tilespmem:v8+s26+$0x0], $0xffff  }
0x1a3: {  	v16 =	vadd.s32 v56, v43;
	v9 =	vld.idx.msk [tilespmem:v9+s26+$0x0], $0xffff  }
0x1a4: {  	v26 =	vadd.s32 v55, v43;
	v11 =	vld.idx.msk [tilespmem:v11+s26+$0x0], $0xffff  }
0x1a5: {  	v27 =	vadd.s32 v59, v43;
	v19 =	vld.idx.msk [tilespmem:v19+s29+$0x0], $0xffff  }
0x1a6: {  	v28 =	vadd.s32 v63, v43;
	v2 =	vld.idx.msk [tilespmem:v2+s29+$0x0], $0xffff  }
0x1a7: {  	v18 =	vmul.f32 v24, v18;
	v24 =	vadd.s32 v54, v43;
	v14 =	vmul.f32 v14, v20;
	v20 =	vld.idx.msk [tilespmem:v61+s26+$0x0], $0xffff  }
0x1a8: {  	v21 =	vadd.f32 v22, v21;
	v43 =	vimm.s32 $0x0;
	v16 =	vld.idx.msk [tilespmem:v16+s29+$0x0], $0xffff  }
0x1a9: {  	v44 =	vor.u32 $0x2060, v1;
	v45 =	vor.u32 $0x2000, v1;
	v46 =	vadd.s32 $0x2400, v0;
	v26 =	vld.idx.msk [tilespmem:v26+s26+$0x0], $0xffff  }
0x1aa: {  	v47 =	vadd.s32 $0x2420, v0;
	v48 =	vor.u32 $0x2040, v1;
	v49 =	vor.u32 $0x2020, v1;
	v27 =	vld.idx.msk [tilespmem:v27+s29+$0x0], $0xffff  }
0x1ab: {  	v18 =	vadd.f32 v18, v42;
	v3 =	vmul.f32 v4, v3;
	v4 =	vmul.f32 v17, v25;
	v17 =	vld.idx.msk [tilespmem:v28+s26+$0x0], $0xffff  }
0x1ac: {  	v50 =	vadd.s32 $0x2460, v0;
	v14 =	vadd.f32 v14, v21;
	v7 =	vmul.f32 v13, v7;
	v21 =	vld.idx.msk [tilespmem:v24+s26+$0x0], $0xffff  }
0x1ad: {  	v5 =	vadd.f32 v5, v18;
	v10 =	vmul.f32 v23, v10;
	v2 =	vmul.f32 v2, v20  }
0x1ae: {  	v4 =	vadd.f32 v4, v6;
	v3 =	vadd.f32 v3, v60;
	v6 =	vmul.f32 v52, v8  }
0x1af: {  	v7 =	vadd.f32 v7, v14;
	v8 =	vmul.f32 v12, v9;
	v9 =	vmul.f32 v15, v11  }
0x1b0: {  	v4 =	vadd.f32 v6, v4;
	v3 =	vadd.f32 v53, v3;
	v6 =	vmul.f32 v19, v26  }
0x1b1: {  	v5 =	vadd.f32 v10, v5;
	v10 =	vmul.f32 v27, v17;
	v11 =	vmul.f32 v16, v21  }
0x1b2: {  	v4 =	vadd.f32 v9, v4;
	v2 =	vadd.f32 v2, v3;
	v9 =	vand.u32 $0x4, v43  }
0x1b3: {  	v3 =	vadd.f32 v10, v7;
	v5 =	vadd.f32 v6, v5;
	v6 =	vadd.s32 $0x61, v43  }
0x1b4: {  	v7 =	vadd.s32 $0x41, v43;
	v4 =	vadd.f32 v11, v4;
	v2 =	vadd.f32 v8, v2  }
0x1b5: {  	v6 =	vand.u32 $0xFFFFFFFD, v6;
	v7 =	vand.u32 $0xFFFFFFFD, v7;
	v8 =	vand.u32 $0xFFFFFFF8, v43  }
0x1b6: {  	v10 =	vadd.s32 v46, v7;
	v2 =	vadd.f32 v3, v2;
	v3 =	vadd.f32 v4, v5  }
0x1b7: {  	v51 =	vadd.s32 $0x2440, v0;
	v11 =	vor.u32 v9, v8;
	v12 =	vadd.s32 v45, v6  }
0x1b8: {  	v55 =	vadd.s32 $0x2443, v0;
	v13 =	vadd.s32 v47, v11;
	v3 =	vadd.f32 v3, v2  }
0x1b9: {  	v57 =	vor.u32 $0x2043, v1;
	v56 =	vor.u32 $0x2063, v1;
	v15 =	vadd.s32 v49, v11  }
0x1ba: {  	v54 =	vadd.s32 $0x2463, v0;
	v14 =	vadd.s32 $0x21, v43;
	v7 =	vadd.s32 v45, v7;
	[tilespmem:$0x1F840] =	vst v3  }
0x1bb: {  	v58 =	vimm.s32 $0x0;
	v14 =	vand.u32 $0xFFFFFFFD, v14;
	v23 =	vadd.s32 v48, v11;
	v21 =	vld.idx.msk [tilespmem:v10+s26+$0x0], $0xffff  }
0x1bc: {  	v16 =	vadd.s32 v46, v8;
	v17 =	vadd.s32 v51, v11;
	v3 =	vor.u32 $0x1, v9;
	v52 =	vld.idx.msk [tilespmem:v12+s29+$0x0], $0xffff  }
0x1bd: {  	v19 =	vadd.s32 v45, v8;
	v4 =	vadd.s32 $0x42, v43;
	v8 =	vor.u32 v3, v16;
	v13 =	vld.idx.msk [tilespmem:v13+s26+$0x0], $0xffff  }
0x1be: {  	v60 =	vimm.f32 $0.0e+00;
	v18 =	vand.u32 $0xFFFFFFFE, v4;
	v12 =	vor.u32 v3, v19;
	v15 =	vld.idx.msk [tilespmem:v15+s29+$0x0], $0xffff  }
0x1bf: {  	v22 =	vadd.s32 v45, v14;
	v26 =	vadd.s32 v46, v14;
	v31 =	vadd.s32 v45, v18;
	v7 =	vld.idx.msk [tilespmem:v7+s29+$0x0], $0xffff  }
0x1c0: {  	v14 =	vor.u32 $0x3, v9;
	v28 =	vor.u32 $0x2, v9;
	v10 =	vadd.s32 $0x22, v43;
	v24 =	vld.idx.msk [tilespmem:v23+s29+$0x0], $0xffff  }
0x1c1: {  	v5 =	vadd.s32 $0x62, v43;
	v20 =	vand.u32 $0xFFFFFFFE, v10;
	v10 =	vadd.s32 v46, v18;
	v18 =	vld.idx.msk [tilespmem:v17+s26+$0x0], $0xffff  }
0x1c2: {  	v62 =	vadd.s32 v50, v11;
	v61 =	vor.u32 v28, v16;
	v32 =	vadd.s32 v46, v20;
	v27 =	vld.idx.msk [tilespmem:v8+s26+$0x0], $0xffff  }
0x1c3: {  	v5 =	vand.u32 $0xFFFFFFFE, v5;
	v33 =	vld.idx.msk [tilespmem:v12+s29+$0x0], $0xffff;
	v8 =	vadd.s32 v46, v6;
	v6 =	vadd.s32 v45, v20  }
0x1c4: {  	v42 =	vor.u32 v28, v19;
	v4 =	vor.u32 v9, v19;
	v25 =	vadd.s32 v45, v5;
	v23 =	vld.idx.msk [tilespmem:v31+s29+$0x0], $0xffff  }
0x1c5: {  	v3 =	vor.u32 v9, v16;
	v9 =	vor.u32 v14, v16;
	v12 =	vor.u32 v14, v19;
	v14 =	vld.idx.msk [tilespmem:v22+s29+$0x0], $0xffff  }
0x1c6: {  	v2 =	vimm.f32 $0.0e+00;
	v17 =	vadd.s32 v44, v11;
	v11 =	vadd.s32 v46, v5;
	v20 =	vld.idx.msk [tilespmem:v26+s26+$0x0], $0xffff  }
0x1c7: {  	v22 =	vmul.f32 v15, v13;
	v5 =	vmul.f32 v7, v21;
	v19 =	vadd.s32 v57, v43;
	v7 =	vld.idx.msk [tilespmem:v32+s26+$0x0], $0xffff  }
0x1c8: {  	s23 =	simm.s32 $0x0;
	v21 =	vimm.f32 $0.0e+00;
	v53 =	vmul.f32 v33, v27;
	v13 =	vld.idx.msk [tilespmem:v6+s29+$0x0], $0xffff;
	v6 =	vimm.f32 $0.0e+00  }
.LBB2_15:
0x1c9: {  	s23 =	sadd.s32 $0x4, s23;
	v15 =	vmul.f32 v24, v18;
	v16 =	vld.idx.msk [tilespmem:v25+s29+$0x0], $0xffff;
	v18 =	vadd.s32 v55, v43;
	v58 =	vadd.s32 $0x4, v58  }
0x1ca: {  	v59 =	vor.u32 $0x2023, v1;
	v24 =	vadd.s32 v56, v43;
	p0 =	slt.u32 s23, $0x1C;
	v3 =	vld.idx.msk [tilespmem:v3+s26+$0x0], $0xffff  }
0x1cb: {  	v25 =	vadd.s32 $0x42, v58;
	v26 =	vadd.s32 $0x62, v58;
	v2 =	vadd.f32 v15, v2;
	v10 =	vld.idx.msk [tilespmem:v10+s26+$0x0], $0xffff  }
0x1cc: {  	v27 =	vadd.s32 v59, v43;
	v15 =	vadd.s32 $0x21, v58;
	v4 =	vld.idx.msk [tilespmem:v4+s29+$0x0], $0xffff  }
0x1cd: {  	v28 =	vadd.s32 v54, v43;
	v15 =	vand.u32 $0xFFFFFFFD, v15;
	v17 =	vld.idx.msk [tilespmem:v17+s29+$0x0], $0xffff  }
0x1ce: {  	v31 =	vadd.s32 $0x22, v58;
	v26 =	vand.u32 $0xFFFFFFFE, v26;
	v32 =	vld.idx.msk [tilespmem:v62+s26+$0x0], $0xffff  }
0x1cf: {  	v31 =	vand.u32 $0xFFFFFFFE, v31;
	v25 =	vand.u32 $0xFFFFFFFE, v25;
	v24 =	vld.idx.msk [tilespmem:v24+s29+$0x0], $0xffff  }
0x1d0: {  	v21 =	vadd.f32 v22, v21;
	v63 =	vadd.s32 $0x2423, v0;
	v14 =	vmul.f32 v14, v20;
	v12 =	vld.idx.msk [tilespmem:v12+s29+$0x0], $0xffff  }
0x1d1: {  	v10 =	vmul.f32 v23, v10;
	v8 =	vld.idx.msk [tilespmem:v8+s26+$0x0], $0xffff  }
0x1d2: {  	v20 =	vadd.s32 $0x61, v58;
	v22 =	vadd.s32 v45, v15;
	v23 =	vmul.f32 v4, v3;
	v4 =	vld.idx.msk [tilespmem:v9+s26+$0x0], $0xffff  }
0x1d3: {  	v3 =	vadd.s32 $0x41, v58;
	v9 =	vand.u32 $0xFFFFFFFD, v20;
	v20 =	vadd.s32 v63, v43;
	v43 =	vmovc v58;
	v11 =	vld.idx.msk [tilespmem:v11+s26+$0x0], $0xffff  }
0x1d4: {  	v33 =	vand.u32 $0xFFFFFFF8, v58;
	v14 =	vadd.f32 v14, v21;
	v34 =	vand.u32 $0xFFFFFFFD, v3;
	v21 =	vld.idx.msk [tilespmem:v28+s26+$0x0], $0xffff  }
0x1d5: {  	v3 =	vmul.f32 v17, v32;
	v28 =	vand.u32 $0x4, v58;
	v17 =	vld.idx.msk [tilespmem:v18+s26+$0x0], $0xffff  }
0x1d6: {  	v7 =	vmul.f32 v13, v7;
	v32 =	vor.u32 v28, v33;
	v18 =	vadd.s32 v46, v34;
	v13 =	vld.idx.msk [tilespmem:v19+s29+$0x0], $0xffff  }
0x1d7: {  	v2 =	vadd.f32 v5, v2;
	v35 =	vadd.s32 v45, v9;
	v19 =	vadd.s32 v46, v33;
	v5 =	vld.idx.msk [tilespmem:v27+s29+$0x0], $0xffff  }
0x1d8: {  	v6 =	vadd.f32 v3, v6;
	v36 =	vadd.s32 v51, v32;
	v27 =	vadd.s32 v47, v32;
	v20 =	vld.idx.msk [tilespmem:v20+s26+$0x0], $0xffff  }
0x1d9: {  	v2 =	vadd.f32 v10, v2;
	v37 =	vor.u32 $0x1, v28;
	v3 =	vor.u32 v28, v19;
	v38 =	vld.idx.msk [tilespmem:v42+s29+$0x0], $0xffff  }
0x1da: {  	v33 =	vadd.s32 v45, v33;
	v39 =	vadd.s32 v49, v32;
	v41 =	vmul.f32 v12, v4;
	v40 =	vld.idx.msk [tilespmem:v61+s26+$0x0], $0xffff  }
0x1db: {  	v62 =	vadd.s32 v50, v32;
	v12 =	vadd.s32 v45, v34;
	v34 =	vmul.f32 v24, v21;
	v29 =	vld.idx.msk [tilespmem:v18+s26+$0x0], $0xffff  }
0x1dc: {  	v4 =	vor.u32 v28, v33;
	v24 =	vadd.s32 v48, v32;
	v13 =	vmul.f32 v13, v17;
	v35 =	vld.idx.msk [tilespmem:v35+s29+$0x0], $0xffff  }
0x1dd: {  	v16 =	vmul.f32 v16, v11;
	v21 =	vor.u32 v37, v19;
	v37 =	vor.u32 v37, v33  }
0x1de: {  	v15 =	vadd.s32 v46, v15;
	v10 =	vadd.s32 v46, v25;
	v11 =	vor.u32 $0x3, v28;
	v27 =	vld.idx.msk [tilespmem:v27+s26+$0x0], $0xffff  }
0x1df: {  	v7 =	vadd.f32 v7, v14;
	v28 =	vor.u32 $0x2, v28;
	v5 =	vmul.f32 v5, v20;
	v39 =	vld.idx.msk [tilespmem:v39+s29+$0x0], $0xffff  }
0x1e0: {  	v14 =	vadd.f32 v23, v60;
	v20 =	vmul.f32 v52, v8;
	v18 =	vld.idx.msk [tilespmem:v36+s26+$0x0], $0xffff;
	v36 =	vadd.s32 v45, v25  }
0x1e1: {  	v17 =	vadd.s32 v44, v32;
	v8 =	vadd.s32 v46, v9;
	v32 =	vmul.f32 v38, v40;
	v23 =	vld.idx.msk [tilespmem:v12+s29+$0x0], $0xffff  }
0x1e2: {  	v40 =	vadd.s32 v46, v31;
	v6 =	vadd.f32 v20, v6;
	v12 =	vor.u32 v11, v33;
	v38 =	vld.idx.msk [tilespmem:v21+s26+$0x0], $0xffff  }
0x1e3: {  	v9 =	vor.u32 v11, v19;
	v20 =	vadd.f32 v53, v14;
	v21 =	vadd.f32 v5, v7;
	v37 =	vld.idx.msk [tilespmem:v37+s29+$0x0], $0xffff  }
0x1e4: {  	v31 =	vadd.s32 v45, v31;
	v11 =	vadd.s32 v46, v26;
	v5 =	vadd.f32 v16, v6;
	v24 =	vld.idx.msk [tilespmem:v24+s29+$0x0], $0xffff  }
.Ltmp8:
0x1e5: {  	v61 =	vor.u32 v28, v19;
	v25 =	vadd.s32 v45, v26;
	v16 =	vadd.f32 v32, v20;
	v14 =	vld.idx.msk [tilespmem:v22+s29+$0x0], $0xffff;
	(pc) =	sbr.rel @p0 .LBB2_15-.Ltmp8, $4  }
0x1e6: {  	v42 =	vor.u32 v28, v33;
	v2 =	vadd.f32 v13, v2;
	v6 =	vadd.f32 v34, v5;
	v20 =	vld.idx.msk [tilespmem:v15+s26+$0x0], $0xffff  }
0x1e7: {  	v60 =	vadd.f32 v41, v16;
	v22 =	vmul.f32 v39, v27;
	v5 =	vmul.f32 v23, v29;
	v7 =	vld.idx.msk [tilespmem:v40+s26+$0x0], $0xffff  }
0x1e8: {  	v52 =	vmov v35;
	v23 =	vld.idx.msk [tilespmem:v36+s29+$0x0], $0xffff  }
0x1e9: {  	v19 =	vadd.s32 v57, v58;
	v53 =	vmul.f32 v37, v38;
	v13 =	vld.idx.msk [tilespmem:v31+s29+$0x0], $0xffff  }
0x1ea: {  	_ =	sdelay $0x3  }
0x1eb: {  	v15 =	vld.idx.msk [tilespmem:v25+s29+$0x0], $0xffff  }
0x1ec: {  	v3 =	vld.idx.msk [tilespmem:v3+s26+$0x0], $0xffff  }
0x1ed: {  	v10 =	vld.idx.msk [tilespmem:v10+s26+$0x0], $0xffff  }
0x1ee: {  	v4 =	vld.idx.msk [tilespmem:v4+s29+$0x0], $0xffff  }
0x1ef: {  	v17 =	vld.idx.msk [tilespmem:v17+s29+$0x0], $0xffff  }
0x1f0: {  	v16 =	vadd.s32 v56, v43;
	v56 =	vld.idx.msk [tilespmem:v62+s26+$0x0], $0xffff  }
0x1f1: {  	v12 =	vld.idx.msk [tilespmem:v12+s29+$0x0], $0xffff  }
0x1f2: {  	v8 =	vld.idx.msk [tilespmem:v8+s26+$0x0], $0xffff  }
0x1f3: {  	v9 =	vld.idx.msk [tilespmem:v9+s26+$0x0], $0xffff  }
0x1f4: {  	v26 =	vadd.s32 v55, v43;
	v11 =	vld.idx.msk [tilespmem:v11+s26+$0x0], $0xffff  }
0x1f5: {  	v27 =	vadd.s32 v59, v43;
	v19 =	vld.idx.msk [tilespmem:v19+s29+$0x0], $0xffff  }
0x1f6: {  	v28 =	vadd.s32 v63, v43;
	v58 =	vld.idx.msk [tilespmem:v42+s29+$0x0], $0xffff  }
0x1f7: {  	v57 =	vadd.s32 v54, v43;
	v59 =	vld.idx.msk [tilespmem:v61+s26+$0x0], $0xffff  }
0x1f8: {  	v18 =	vmul.f32 v24, v18;
	v16 =	vld.idx.msk [tilespmem:v16+s29+$0x0], $0xffff  }
0x1f9: {  	v21 =	vadd.f32 v22, v21;
	v14 =	vmul.f32 v14, v20;
	v26 =	vld.idx.msk [tilespmem:v26+s26+$0x0], $0xffff  }
0x1fa: {  	v2 =	vadd.f32 v18, v2;
	v27 =	vld.idx.msk [tilespmem:v27+s29+$0x0], $0xffff  }
0x1fb: {  	v14 =	vadd.f32 v14, v21;
	v3 =	vmul.f32 v4, v3;
	v4 =	vmul.f32 v17, v56;
	v61 =	vld.idx.msk [tilespmem:v28+s26+$0x0], $0xffff  }
0x1fc: {  	v7 =	vmul.f32 v13, v7;
	v2 =	vadd.f32 v5, v2;
	v10 =	vmul.f32 v23, v10;
	v62 =	vld.idx.msk [tilespmem:v57+s26+$0x0], $0xffff  }
0x1fd: {  	v5 =	vmul.f32 v52, v8;
	v4 =	vadd.f32 v4, v6;
	v3 =	vadd.f32 v3, v60  }
0x1fe: {  	v8 =	vmul.f32 v15, v11;
	v7 =	vadd.f32 v7, v14;
	v6 =	vmul.f32 v12, v9  }
0x1ff: {  	v9 =	vmul.f32 v58, v59;
	v4 =	vadd.f32 v5, v4;
	v3 =	vadd.f32 v53, v3  }
0x200: {  	v2 =	vadd.f32 v10, v2;
	v5 =	vmul.f32 v19, v26;
	v10 =	vmul.f32 v27, v61  }
0x201: {  	v11 =	vmul.f32 v16, v62;
	v4 =	vadd.f32 v8, v4;
	v3 =	vadd.f32 v9, v3  }
0x202: {  	v7 =	vadd.f32 v10, v7;
	v2 =	vadd.f32 v5, v2  }
0x203: {  	v4 =	vadd.f32 v11, v4;
	v3 =	vadd.f32 v6, v3;
	_ =	sdelay $0x1  }
0x204: {  	v3 =	vadd.f32 v7, v3;
	v2 =	vadd.f32 v4, v2;
	_ =	sdelay $0x1  }
0x205: {  	v2 =	vadd.f32 v2, v3  }
0x206: {  	v3 =	vadd.s32 $0x80, v0  }
0x207: {  	[tilespmem:$0x1F850] =	vst v2  }
0x208: {  	_ =	swait.ge [sflag:s24], $0x2D00  }
0x209: {  	[sflag:s24] =	ssyncset.done $0x0  }
0x20a: {  	[sflag:s24] =	ssyncadd.s32 $0xFFFFD300  }
0x20b: {  	v2 =	vld.idx.msk [tilespmem:v3+s26+$0x0], $0xffff  }
0x20c: {  	v4 =	vld.idx.msk [tilespmem:v3+s21+$0x0], $0xffff;
	_ =	sdelay $0x4  }
0x20d: {  	v2 =	vadd.f32 v4, v2;
	_ =	sdelay $0x1  }
0x20e: {  	v4 =	vmul.f32 $9.999999770e-03, v2;
	_ =	sdelay $0x1  }
0x20f: {  	v2 =	vmax.f32 v2, v4;
	v4 =	vadd.s32 $0x81, v0  }
0x210: {  	v2 =	vmul.f32 $1.442695020e+00, v2;
	_ =	sdelay $0x1  }
0x211: {  	(erf) = vpow2.f32 v2;
	_ =	sdelay $0x1  }
0x212: {  	v2 =	vld.idx.msk [tilespmem:v4+s26+$0x0], $0xffff  }
0x213: {  	v4 =	vld [tilespmem:$0x1FD90];
	_ =	sdelay $0x4  }
0x214: {  	v2 =	vadd.f32 v2, v4  }
0x215: {  	v5 =	vadd.s32 $0x980, v0;
	v4 =	vpop (erf)  }
0x216: {  	v2 =	vmul.f32 v4, v2;
	_ =	sdelay $0x1  }
0x217: {  	[tilespmem:$0x1F810] =	vst v2  }
0x218: {  	[tilespmem:v3+s21+$0x0] =	vst.idx.msk $0xffff, v4  }
0x219: {  	v2 =	vld.idx.msk [tilespmem:v5+s26+$0x0], $0xffff  }
0x21a: {  	v3 =	vld.idx.msk [tilespmem:v5+s21+$0x0], $0xffff;
	_ =	sdelay $0x4  }
0x21b: {  	v2 =	vadd.f32 v3, v2;
	_ =	sdelay $0x1  }
0x21c: {  	v3 =	vmul.f32 $9.999999770e-03, v2;
	_ =	sdelay $0x1  }
0x21d: {  	v2 =	vmax.f32 v2, v3;
	v3 =	vadd.s32 $0x981, v0  }
0x21e: {  	v2 =	vmul.f32 $1.442695020e+00, v2;
	_ =	sdelay $0x1  }
0x21f: {  	(erf) = vpow2.f32 v2;
	_ =	sdelay $0x1  }
0x220: {  	v2 =	vld.idx.msk [tilespmem:v3+s26+$0x0], $0xffff  }
0x221: {  	v3 =	vld [tilespmem:$0x1F820];
	_ =	sdelay $0x4  }
0x222: {  	v2 =	vadd.f32 v3, v2  }
0x223: {  	v4 =	vadd.s32 $0x1280, v0;
	v3 =	vpop (erf)  }
0x224: {  	v2 =	vmul.f32 v3, v2;
	_ =	sdelay $0x1  }
0x225: {  	[tilespmem:$0x1F820] =	vst v2  }
0x226: {  	[tilespmem:v5+s21+$0x0] =	vst.idx.msk $0xffff, v3  }
0x227: {  	v2 =	vld.idx.msk [tilespmem:v4+s26+$0x0], $0xffff  }
0x228: {  	v3 =	vld.idx.msk [tilespmem:v4+s21+$0x0], $0xffff;
	_ =	sdelay $0x4  }
0x229: {  	v2 =	vadd.f32 v3, v2;
	_ =	sdelay $0x1  }
0x22a: {  	v3 =	vmul.f32 $9.999999770e-03, v2;
	_ =	sdelay $0x1  }
0x22b: {  	v2 =	vmax.f32 v2, v3;
	v3 =	vadd.s32 $0x1281, v0  }
0x22c: {  	v2 =	vmul.f32 $1.442695020e+00, v2;
	_ =	sdelay $0x1  }
0x22d: {  	(erf) = vpow2.f32 v2;
	_ =	sdelay $0x1  }
0x22e: {  	v2 =	vld.idx.msk [tilespmem:v3+s26+$0x0], $0xffff  }
0x22f: {  	v3 =	vld [tilespmem:$0x1F830];
	_ =	sdelay $0x4  }
0x230: {  	v2 =	vadd.f32 v3, v2  }
0x231: {  	v5 =	vadd.s32 $0x1B80, v0;
	v3 =	vpop (erf)  }
0x232: {  	v2 =	vmul.f32 v3, v2;
	_ =	sdelay $0x1  }
0x233: {  	[tilespmem:$0x1F830] =	vst v2  }
0x234: {  	[tilespmem:v4+s21+$0x0] =	vst.idx.msk $0xffff, v3  }
0x235: {  	v2 =	vld.idx.msk [tilespmem:v5+s26+$0x0], $0xffff  }
0x236: {  	v3 =	vld.idx.msk [tilespmem:v5+s21+$0x0], $0xffff;
	_ =	sdelay $0x4  }
0x237: {  	v2 =	vadd.f32 v3, v2;
	_ =	sdelay $0x1  }
0x238: {  	v3 =	vmul.f32 $9.999999770e-03, v2;
	_ =	sdelay $0x1  }
0x239: {  	v2 =	vmax.f32 v2, v3;
	v3 =	vadd.s32 $0x1B81, v0  }
0x23a: {  	v2 =	vmul.f32 $1.442695020e+00, v2;
	_ =	sdelay $0x1  }
0x23b: {  	(erf) = vpow2.f32 v2;
	_ =	sdelay $0x1  }
0x23c: {  	v2 =	vld.idx.msk [tilespmem:v3+s26+$0x0], $0xffff  }
0x23d: {  	v3 =	vld [tilespmem:$0x1F840];
	_ =	sdelay $0x4  }
0x23e: {  	v2 =	vadd.f32 v3, v2  }
0x23f: {  	v4 =	vadd.s32 $0x2480, v0;
	v3 =	vpop (erf)  }
0x240: {  	v2 =	vmul.f32 v3, v2;
	_ =	sdelay $0x1  }
0x241: {  	[tilespmem:$0x1F840] =	vst v2  }
0x242: {  	[tilespmem:v5+s21+$0x0] =	vst.idx.msk $0xffff, v3  }
0x243: {  	v2 =	vld.idx.msk [tilespmem:v4+s26+$0x0], $0xffff  }
0x244: {  	v3 =	vld.idx.msk [tilespmem:v4+s21+$0x0], $0xffff;
	_ =	sdelay $0x4  }
0x245: {  	v2 =	vadd.f32 v3, v2;
	_ =	sdelay $0x1  }
0x246: {  	v3 =	vmul.f32 $9.999999770e-03, v2;
	_ =	sdelay $0x1  }
0x247: {  	v2 =	vmax.f32 v2, v3;
	v3 =	vadd.s32 $0x2481, v0  }
0x248: {  	v2 =	vmul.f32 $1.442695020e+00, v2;
	_ =	sdelay $0x1  }
0x249: {  	(erf) = vpow2.f32 v2;
	_ =	sdelay $0x1  }
0x24a: {  	v2 =	vld.idx.msk [tilespmem:v3+s26+$0x0], $0xffff  }
0x24b: {  	v3 =	vld [tilespmem:$0x1F850]  }
0x24c: {  	s10 =	simm.s32 $0x0  }
0x24d: {  	v5 =	vmov s10  }
0x24e: {  	v5 =	vand.u32 $0xFFFFFFFE, v5;
	_ =	sdelay $0x1  }
0x24f: {  	v2 =	vadd.f32 v3, v2;
	v3 =	vbroadcast v5, $0x0  }
0x250: {  	v5 =	vpop (erf)  }
0x251: {  	v2 =	vmul.f32 v5, v2;
	_ =	sdelay $0x1  }
0x252: {  	[tilespmem:$0x1F850] =	vst v2  }
0x253: {  	[tilespmem:v4+s21+$0x0] =	vst.idx.msk $0xffff, v5  }
0x254: {  	s23 =	simm.s32 $0x19590;
	v3 =	vld.idx.msk [tilespmem:v3+s28+$0x0], $0xffff  }
0x255: {  	v2 =	vld [tilespmem:s23+$0xFFFFFFE0]  }
0x256: {  	v4 =	vld [tilespmem:s23+$0xFFFFFF70]  }
0x257: {  	s13 =	simm.s32 $0x1;
	v7 =	vld [tilespmem:s23+$0xFFFFFF80]  }
0x258: {  	v8 =	vmov s13;
	v9 =	vld [tilespmem:s23+$0xFFFFFF90]  }
0x259: {  	v63 =	vld [tilespmem:s23+$0xFFFFFFA0]  }
0x25a: {  	v6 =	vld [tilespmem:s23+$0xFFFFFFB0]  }
0x25b: {  	v5 =	vld [tilespmem:s23+$0xFFFFFFC0];
	v10 =	vmul.f32 v2, v3  }
0x25c: {  	v11 =	vmul.f32 v4, v3;
	v4 =	vld [tilespmem:s23+$0xFFFFFFD0]  }
0x25d: {  	v2 =	vld.idx.msk [tilespmem:v8+s28+$0x0], $0xffff;
	v7 =	vmul.f32 v7, v3;
	[tilespmem:s23+$0xFFFFFFE0] =	vst v10  }
0x25e: {  	s11 =	simm.s32 $0x2;
	v8 =	vld [tilespmem:s23+$0x0];
	[tilespmem:s23+$0xFFFFFF70] =	vst v11;
	v10 =	vmul.f32 v9, v3  }
0x25f: {  	s12 =	simm.s32 $0x4;
	s10 =	simm.s32 $0x19590;
	v11 =	vmov s11;
	[tilespmem:s23+$0xFFFFFF80] =	vst v7;
	v9 =	vmul.f32 v63, v3;
	v7 =	vld [tilespmem:s23+$0x10]  }
.LBB2_17:
0x260: {  	p0 =	slt.u32 s12, $0x4E;
	v11 =	vand.u32 $0xFFFFFFFE, v11;
	s13 =	sadd.s32 $0x1, s11;
	[tilespmem:s23+$0xFFFFFF90] =	vst v10;
	v6 =	vmul.f32 v6, v3;
	v10 =	vld [tilespmem:s23+$0x20];
	s11 =	smov.u32 s12  }
0x261: {  	v11 =	vbroadcast v11, $0x0;
	v12 =	vmov s13;
	[tilespmem:s23+$0xFFFFFFA0] =	vst v9;
	v5 =	vmul.f32 v5, v3;
	v9 =	vld [tilespmem:s23+$0x30]  }
0x262: {  	[tilespmem:s23+$0xFFFFFFB0] =	vst v6;
	v3 =	vmul.f32 v4, v3;
	v4 =	vld [tilespmem:s23+$0x40]  }
0x263: {  	[tilespmem:s23+$0xFFFFFFC0] =	vst v5;
	v5 =	vmul.f32 v8, v2;
	v6 =	vld [tilespmem:s23+$0x50]  }
0x264: {  	[tilespmem:s23+$0xFFFFFFD0] =	vst v3;
	v3 =	vmul.f32 v7, v2;
	v7 =	vld [tilespmem:s23+$0x60]  }
0x265: {  	[tilespmem:s23+$0x0] =	vst v5;
	v5 =	vmul.f32 v10, v2;
	v8 =	vld [tilespmem:s23+$0x70]  }
0x266: {  	v10 =	vld.idx.msk [tilespmem:v12+s28+$0x0], $0xffff;
	[tilespmem:s23+$0x10] =	vst v3;
	v9 =	vmul.f32 v9, v2  }
0x267: {  	s23 =	sadd.s32 $0x120, s23;
	v3 =	vld.idx.msk [tilespmem:v11+s28+$0x0], $0xffff;
	[tilespmem:s10+$0x20] =	vst v5;
	v4 =	vmul.f32 v4, v2  }
0x268: {  	v5 =	vld [tilespmem:s23+$0xFFFFFFE0];
	[tilespmem:s10+$0x30] =	vst v9;
	v6 =	vmul.f32 v6, v2  }
0x269: {  	v9 =	vld [tilespmem:s23+$0xFFFFFF70];
	[tilespmem:s10+$0x40] =	vst v4;
	v4 =	vmul.f32 v7, v2  }
0x26a: {  	v7 =	vld [tilespmem:s23+$0xFFFFFF80];
	[tilespmem:s10+$0x50] =	vst v6;
	v6 =	vmul.f32 v8, v2  }
0x26b: {  	v8 =	vld [tilespmem:s23+$0xFFFFFF90];
	[tilespmem:s10+$0x60] =	vst v4  }
0x26c: {  	v2 =	vmov v10;
	v12 =	vld [tilespmem:s23+$0xFFFFFFA0];
	[tilespmem:s10+$0x70] =	vst v6;
	s10 =	smov.u32 s23  }
.Ltmp9:
0x26d: {  	v6 =	vld [tilespmem:s23+$0xFFFFFFB0];
	v10 =	vmul.f32 v5, v3;
	(pc) =	sbr.rel @p0 .LBB2_17-.Ltmp9, $4  }
0x26e: {  	v9 =	vmul.f32 v9, v3;
	v5 =	vld [tilespmem:s23+$0xFFFFFFC0]  }
0x26f: {  	v7 =	vmul.f32 v7, v3;
	v4 =	vld [tilespmem:s23+$0xFFFFFFD0];
	[tilespmem:s23+$0xFFFFFFE0] =	vst v10  }
0x270: {  	[tilespmem:s23+$0xFFFFFF70] =	vst v9;
	v10 =	vmul.f32 v8, v3;
	v8 =	vld [tilespmem:s23+$0x0]  }
0x271: {  	s12 =	sadd.s32 $0x2, s12;
	v11 =	vmov s11;
	[tilespmem:s23+$0xFFFFFF80] =	vst v7;
	v9 =	vmul.f32 v12, v3;
	v7 =	vld [tilespmem:s23+$0x10]  }
0x272: {  	v12 =	vld [tilespmem:s23+$0x20]  }
0x273: {  	v13 =	vld [tilespmem:s23+$0x30]  }
0x274: {  	v11 =	vand.u32 $0xFFFFFFFE, v11;
	s11 =	sadd.s32 $0x1, s11;
	v15 =	vld [tilespmem:s23+$0x40];
	[tilespmem:s23+$0xFFFFFF90] =	vst v10;
	v6 =	vmul.f32 v6, v3  }
0x275: {  	v39 =	vld [tilespmem:s23+$0x50];
	v11 =	vbroadcast v11, $0x0;
	v14 =	vmov s11;
	[tilespmem:s23+$0xFFFFFFA0] =	vst v9;
	v5 =	vmul.f32 v5, v3  }
0x276: {  	v40 =	vld [tilespmem:s23+$0x60];
	[tilespmem:s23+$0xFFFFFFB0] =	vst v6;
	v3 =	vmul.f32 v4, v3  }
0x277: {  	v41 =	vld [tilespmem:s23+$0x70];
	s11 =	sadd.s32 $0x120, s23;
	v8 =	vmul.f32 v8, v2;
	[tilespmem:s23+$0xFFFFFFC0] =	vst v5  }
0x278: {  	v47 =	vld [tilespmem:s11+$0xFFFFFF70];
	v42 =	vmul.f32 v7, v2;
	[tilespmem:s23+$0xFFFFFFD0] =	vst v3  }
0x279: {  	v55 =	vld [tilespmem:s11+$0x0];
	[tilespmem:s23+$0x0] =	vst v8;
	v3 =	vmul.f32 v12, v2  }
0x27a: {  	v45 =	vmul.f32 v13, v2;
	v43 =	vld.idx.msk [tilespmem:v14+s28+$0x0], $0xffff;
	[tilespmem:s23+$0x10] =	vst v42  }
0x27b: {  	v44 =	vld.idx.msk [tilespmem:v11+s28+$0x0], $0xffff;
	[tilespmem:s10+$0x20] =	vst v3;
	v3 =	vmul.f32 v15, v2  }
0x27c: {  	v46 =	vld [tilespmem:s11+$0xFFFFFFE0];
	v48 =	vmul.f32 v39, v2;
	[tilespmem:s10+$0x30] =	vst v45  }
0x27d: {  	v50 =	vld [tilespmem:s11+$0xFFFFFF90];
	[tilespmem:s10+$0x40] =	vst v3;
	v3 =	vmul.f32 v40, v2  }
0x27e: {  	v49 =	vld [tilespmem:s11+$0xFFFFFF80];
	[tilespmem:s10+$0x50] =	vst v48;
	v2 =	vmul.f32 v41, v2  }
0x27f: {  	[tilespmem:s10+$0x60] =	vst v3;
	v3 =	vld [tilespmem:s11+$0xFFFFFFB0];
	v60 =	vmul.f32 v55, v43  }
0x280: {  	v51 =	vld [tilespmem:s11+$0xFFFFFFA0];
	[tilespmem:s10+$0x70] =	vst v2;
	v2 =	vmul.f32 v47, v44  }
0x281: {  	v54 =	vld [tilespmem:s11+$0xFFFFFFD0];
	v52 =	vmul.f32 v46, v44;
	[tilespmem:s11+$0x0] =	vst v60  }
0x282: {  	v53 =	vld [tilespmem:s11+$0xFFFFFFC0];
	[tilespmem:s11+$0xFFFFFF70] =	vst v2;
	v2 =	vmul.f32 v50, v44  }
0x283: {  	v56 =	vld [tilespmem:s11+$0x10];
	v10 =	vmul.f32 v49, v44;
	[tilespmem:s11+$0xFFFFFFE0] =	vst v52  }
0x284: {  	[tilespmem:s11+$0xFFFFFF90] =	vst v2;
	v2 =	vmul.f32 v3, v44;
	v3 =	vld [tilespmem:s11+$0x20]  }
0x285: {  	v58 =	vld [tilespmem:s11+$0x30];
	v4 =	vmul.f32 v51, v44;
	[tilespmem:s11+$0xFFFFFF80] =	vst v10  }
0x286: {  	v59 =	vld [tilespmem:s11+$0x40];
	[tilespmem:s11+$0xFFFFFFB0] =	vst v2;
	v2 =	vmul.f32 v54, v44  }
0x287: {  	v61 =	vld [tilespmem:s11+$0x50];
	v57 =	vmul.f32 v53, v44;
	[tilespmem:s11+$0xFFFFFFA0] =	vst v4  }
0x288: {  	v62 =	vld [tilespmem:s11+$0x60];
	[tilespmem:s11+$0xFFFFFFD0] =	vst v2;
	v2 =	vmul.f32 v56, v43  }
0x289: {  	v63 =	vld [tilespmem:s11+$0x70];
	[tilespmem:s11+$0xFFFFFFC0] =	vst v57;
	v3 =	vmul.f32 v3, v43  }
0x28a: {  	[tilespmem:s11+$0x10] =	vst v2;
	v2 =	vmul.f32 v58, v43  }
0x28b: {  	[tilespmem:s11+$0x20] =	vst v3;
	v3 =	vmul.f32 v59, v43  }
0x28c: {  	[tilespmem:s11+$0x30] =	vst v2;
	v2 =	vmul.f32 v61, v43  }
0x28d: {  	[tilespmem:s11+$0x40] =	vst v3;
	v3 =	vmul.f32 v62, v43  }
0x28e: {  	[tilespmem:s11+$0x50] =	vst v2;
	v2 =	vmul.f32 v63, v43  }
0x28f: {  	[tilespmem:s11+$0x60] =	vst v3  }
0x290: {  	[tilespmem:s11+$0x70] =	vst v2  }
0x291: {  	v26 =	vld [tilespmem:$0x1FE70]  }
0x292: {  	v29 =	vld [tilespmem:$0x1FE80]  }
0x293: {  	v27 =	vld [tilespmem:$0x1FE90]  }
0x294: {  	v28 =	vld [tilespmem:$0x1FEA0]  }
0x295: {  	v16 =	vld [tilespmem:$0x1FEB0]  }
0x296: {  	s13 =	smul.u32 $0xCD, s0;
	v31 =	vld [tilespmem:$0x1FEC0]  }
0x297: {  	v32 =	vld [tilespmem:$0x1FED0]  }
0x298: {  	s10 =	sshrl.u32 s13, $0xA;
	v33 =	vld [tilespmem:$0x1FEE0]  }
0x299: {  	s10 =	sand.u32 $0x3F, s10;
	v34 =	vld [tilespmem:$0x1FEF0]  }
0x29a: {  	s12 =	smul.u32 $0x56, s10;
	v35 =	vld [tilespmem:$0x1FF00]  }
0x29b: {  	v36 =	vld [tilespmem:$0x1FF10]  }
0x29c: {  	s13 =	smul.u32 $0x5, s10;
	s12 =	sshrl.u32 s12, $0x8;
	v37 =	vld [tilespmem:$0x1FF20]  }
0x29d: {  	s12 =	smul.u32 $0x3, s12;
	v38 =	vld [tilespmem:$0x1FF30]  }
0x29e: {  	s23 =	ssub.s32 s0, s13;
	v39 =	vld [tilespmem:$0x1FF40]  }
0x29f: {  	s10 =	ssub.s32 s10, s12;
	s12 =	sand.u32 $0xFF, s23;
	v40 =	vld [tilespmem:$0x1FF50]  }
0x2a0: {  	s10 =	sand.u32 $0xFF, s10;
	s12 =	smul.u32 $0x3C0, s12;
	v41 =	vld [tilespmem:$0x1FF60]  }
0x2a1: {  	p0 =	seq.s32 s0, $0x7C;
	s10 =	smul.u32 $0x12C0, s10;
	v58 =	vld [tilespmem:$0x1FF70]  }
.Ltmp10:
0x2a2: {  	v59 =	vld [tilespmem:$0x1FF80];
	(pc) =	sbr.rel @p0 .LBB2_22-.Ltmp10, $4  }
0x2a3: {  	s12 =	sshrl.u32 s12, $0x2;
	s10 =	sshrl.u32 s10, $0x2;
	v60 =	vld [tilespmem:$0x1FF90]  }
0x2a4: {  	s10 =	sadd.s32 s12, s10;
	v61 =	vld [tilespmem:$0x1FFA0]  }
0x2a5: {  	s10 =	sadd.s32 $0x1EA00, s10;
	v62 =	vld [tilespmem:$0x1FFB0]  }
0x2a6: {  	[spmem:s4] =	stream.indirect.scatter.add.f32 [tilespmem:s21], [sflag:$0x4], $0x90, s10, s25, $0xb8;
	v63 =	vld [tilespmem:$0x1FFC0]  }
0x2a7: {  	s10 =	sadd.s32 $0x1, s0  }
0x2a8: {  	s11 =	smulhi.u32 $0xCCCCCCCD, s10;
	_ =	sdelay $0x1  }
0x2a9: {  	s11 =	sshrl.u32 s11, $0x2  }
0x2aa: {  	s12 =	smul.u32 $0x5, s11;
	_ =	sdelay $0x1  }
0x2ab: {  	s12 =	ssub.s32 s10, s12  }
0x2ac: {  	p1 =	sne.s32 s12, $0x0  }
0x2ad: {  	p0 =	sgt.u32 @!p1 s0, $0x76  }
0x2ae: {  	p0 =	por p0, p1  }
0x2af: {  	s0 =	sadd.s32 @!p0 $0x1, s11  }
0x2b0: {  	s13 =	smulhi.u32 @!p0 $0x55555556, s0;
	_ =	sdelay $0x1  }
0x2b1: {  	s13 =	smul.u32 @!p0 $0x3, s13;
	_ =	sdelay $0x1  }
0x2b2: {  	s23 =	simm.s32 @!p1 $0x5;
	s13 =	ssub.s32 @!p0 s0, s13;
	s0 =	smul.u32 @!p0 $0x4B0, s0  }
0x2b3: {  	_ =	swait.ge @!p1 [sflag:s23], $0x4B0;
	s13 =	smul.u32 @!p0 $0x12C0, s13  }
0x2b4: {  	[sflag:s23] =	ssyncset.done @!p1 $0x0;
	s0 =	sadd.s32 @!p0 s8, s0  }
0x2b5: {  	[sflag:s23] =	ssyncadd.s32 @!p1 $0xFFFFFB50;
	s13 =	sshrl.u32 @!p0 s13, $0x2;
	s0 =	sshrl.u32 @!p0 s0, $0x3  }
0x2b6: {  	s23 =	simm.s32 @!p0 $0x0;
	s13 =	sadd.s32 @!p0 $0x1EA00, s13;
	s0 =	sadd.s32 @!p0 s3, s0  }
0x2b7: {  	[tilespmem:s13], [sflag:$0x5] =	stream.linear.gather @!p0 [hbm4b:s0+s23], $0x4B0, $0x38;
	[tilespmem:$0x1F860] =	vst v63  }
0x2b8: {  	s23 =	smulhi.u32 $0x55555556, s11;
	_ =	sdelay $0x1  }
0x2b9: {  	s0 =	smul.u32 $0x3, s23;
	_ =	sdelay $0x1  }
0x2ba: {  	s13 =	smul.u32 $0x3C0, s12;
	s0 =	ssub.s32 s11, s0  }
0x2bb: {  	s0 =	smul.u32 $0x12C0, s0;
	_ =	sdelay $0x1  }
0x2bc: {  	s11 =	sshra.s32 s13, $0x2;
	s0 =	sshrl.u32 s0, $0x2  }
0x2bd: {  	s0 =	sadd.s32 s11, s0  }
0x2be: {  	s0 =	sadd.s32 $0x1EA00, s0  }
0x2bf: {  	[tilespmem:s26], [sflag:$0x1] =	stream.indirect.gather [hbm4b:s6+s25], $0x90, s0, s25, $0xb8;
	[tilespmem:$0x1F860] =	vst v63  }
0x2c0: {  	p0 =	sne.s32 s10, $0x7D;
	s23 =	sadd.s32 $0xA0, s0  }
0x2c1: {  	[tilespmem:s29], [sflag:$0x3] =	stream.indirect.gather [hbm4b:s1+s25], $0x80, s23, s25, $0xb8;
	[tilespmem:$0x1F860] =	vst v63  }
.Ltmp11:
0x2c2: {  	v15 =	vld [tilespmem:$0x1FE60];
	_ =	swait.ge [sflag:s30], $0x2D00;
	(pc) =	sbr.rel @p0 .LBB2_6-.Ltmp11, $4  }
.Ltmp12:
0x2c3: {  	[sflag:s30] =	ssyncset.done $0x0;
	(pc) =	sbr.rel @!p0 .LBB2_20-.Ltmp12, $4  }
0x2c4: {  	s0 =	sadd.s32 $0x50, s0;
	[sflag:s30] =	ssyncadd.s32 $0xFFFFD300  }
0x2c5: {  	[tilespmem:s21], [sflag:$0x2] =	stream.indirect.gather [hbm4b:s7+s25], $0x90, s0, s25, $0xb8;
	[tilespmem:$0x1F860] =	vst v63  }
0x2c6: {  	v6 =	vimm.f32 $0.0e+00;
	s0 =	smov.u32 s10  }
0x2c7: {  	_ = 	snop  }
.LBB2_21:
0x2c8: {  	_ =	sfence.sel $0x180000  }
0x2c9: {  	[bflag:$0x0] =	sbarrier.arrive $0xFFFF  }
0x2ca: {  	_ =	strace $0x90000047  }
0x2cb: {  	s0 =	stileid.u32;
	[bflag:$0x2] =	sbarrier.arrive $0xFFFF  }
0x2cc: {  	p0 =	sne.s32 s0, $0x0;
	s0 =	rddreg [dreg:$0x4]  }
0x2cd: {  	s0 =	sadd.s32 @!p0 $0x100000, s0  }
0x2ce: {  	[sflag:s0] =	ssyncadd.tile.s32 @!p0 $0x1;
	_ =	shalt  }
.Lfunc_end2:
_tile_overlayer_lowered:
.L_overlay_start_2:
0x2cf: {  	(tag) =	ssettag $0x2  }
0x2d0: {  	s0 =	rddreg [dreg:$0x0];
	s2 =	stileid.u32  }
0x2d1: {  	s1 =	rddreg [dreg:$0x1];
	p0 =	sne.s32 s2, $0x0  }
0x2d2: {  	s3 =	rddreg [dreg:$0x2];
	[bflag:$0x3] =	sbarrier.arrive $0xFFFF;
	s2 =	simm.s32 @!p0 $0x1C06  }
0x2d3: {  	[timem:s3], [sflag:s2] =	dma.local @!p0 [hbm:s0], s1  }
0x2d4: {  	s0 =	simm.s32 @!p0 $0x6  }
0x2d5: {  	_ =	swait.ge @!p0 [sflag:s0], s1  }
0x2d6: {  	s1 =	ssub.s32 @!p0 $0x0, s1;
	[sflag:s0] =	ssyncset.done @!p0 $0x0  }
0x2d7: {  	[sflag:s0] =	ssyncadd.s32 @!p0 s1  }
0x2d8: {  	[bflag:$0x3] =	sbarrier.arrive $0xFFFF  }
0x2d9: {  	_ =	shalt  }

</sc_bundles>
